<compile_context>
chip_gen: v7x
topology: tpu7x:2x2x1
jax: 0.10.2.dev20260603
libtpu: 0.0.44.dev20260713+nightly
codegen_flags: <defaults>
</compile_context>

<pallas_src>
import functools

import jax
import jax.numpy as jnp
from jax import lax
from jax.experimental import pallas as pl
from jax.experimental.pallas import tpu as pltpu
from jax.experimental.pallas import tpu_sc as plsc

_PREC = lax.Precision.DEFAULT


def _pre_body(x_ref, w1_ref, b1_ref, w2_ref, b2_ref, wc_ref, bc_ref,
              h_ref, z_ref):
    h = jnp.dot(x_ref[...], w1_ref[...], preferred_element_type=jnp.float32,
                precision=_PREC) + b1_ref[...]
    h = jnp.maximum(h, 0.0)
    h = jnp.dot(h, w2_ref[...], preferred_element_type=jnp.float32,
                precision=_PREC) + b2_ref[...]
    h = jnp.maximum(h, 0.0)
    h_ref[...] = h
    z = jnp.dot(h, wc_ref[...], preferred_element_type=jnp.float32,
                precision=_PREC) + bc_ref[...]
    hh = z.shape[-1] // 2
    z_ref[0] = z[:, :hh]
    z_ref[1] = z[:, hh:]


def _pre_call(x, w1, b1, w2, b2, wc, bc, bn):
    n, d = x.shape
    h_dim = w1.shape[1]
    grid = (n // bn,)
    return pl.pallas_call(
        _pre_body,
        grid=grid,
        in_specs=[
            pl.BlockSpec((bn, d), lambda i: (i, 0)),
            pl.BlockSpec((d, h_dim), lambda i: (0, 0)),
            pl.BlockSpec((1, h_dim), lambda i: (0, 0)),
            pl.BlockSpec((h_dim, h_dim), lambda i: (0, 0)),
            pl.BlockSpec((1, h_dim), lambda i: (0, 0)),
            pl.BlockSpec((h_dim, h_dim), lambda i: (0, 0)),
            pl.BlockSpec((1, h_dim), lambda i: (0, 0)),
        ],
        out_specs=[
            pl.BlockSpec((bn, h_dim), lambda i: (i, 0)),
            pl.BlockSpec((2, bn, h_dim // 2), lambda i: (0, i, 0)),
        ],
        out_shape=[
            jax.ShapeDtypeStruct((n, h_dim), jnp.float32),
            jax.ShapeDtypeStruct((2, n, h_dim // 2), jnp.float32),
        ],
    )(x, w1, b1.reshape(1, -1), w2, b2.reshape(1, -1), wc, bc.reshape(1, -1))


def _make_sc_scatter(n_nodes, np_rows, ch, grp, chunk, hh):
    mesh = plsc.VectorSubcoreMesh(core_axis_name="c", subcore_axis_name="s")
    rows_per_tile = np_rows // 16

    @functools.partial(
        pl.kernel,
        out_type=jax.ShapeDtypeStruct((2, np_rows, hh), jnp.float32),
        mesh=mesh,
        scratch_types=[
            pltpu.VMEM((grp, chunk), jnp.int32),
            pltpu.VMEM((grp, chunk), jnp.int32),
            pltpu.VMEM((chunk, hh), jnp.float32),
            pltpu.VMEM((chunk, hh), jnp.float32),
            pltpu.SemaphoreType.DMA,
            pltpu.SemaphoreType.DMA,
            pltpu.SemaphoreType.DMA,
            pltpu.SemaphoreType.DMA,
            pltpu.VMEM_SHARED((np_rows, hh), jnp.float32),
        ],
    )
    def sc_scatter(zflat, srcg, tgtg, zeros, out, src_v, tgt_v, rows0, rows1,
                   gsem0, gsem1, ssem0, ssem1, acc):
        c = lax.axis_index("c")
        s = lax.axis_index("s")
        rows = (rows0, rows1)
        gsem = (gsem0, gsem1)
        ssem = (ssem0, ssem1)
        pltpu.sync_copy(zeros, acc.at[pl.ds(s * rows_per_tile, rows_per_tile)])
        plsc.subcore_barrier()

        def group_body(g, carry):
            base = pl.multiple_of(g * grp, 8)
            pltpu.sync_copy(srcg.at[c, s, pl.ds(base, grp)], src_v)
            pltpu.sync_copy(tgtg.at[s, pl.ds(base, grp)], tgt_v)
            g_desc = [None] * grp
            s_desc = [None] * grp
            g_desc[0] = pltpu.async_copy(zflat.at[src_v.at[0]], rows[0],
                                         gsem[0])
            for jj in range(grp):
                b = jj & 1
                nb = 1 - b
                if jj + 1 < grp:
                    if jj >= 1:
                        s_desc[jj - 1].wait()
                    g_desc[jj + 1] = pltpu.async_copy(
                        zflat.at[src_v.at[jj + 1]], rows[nb], gsem[nb])
                g_desc[jj].wait()
                s_desc[jj] = pltpu.async_copy(
                    rows[b], acc.at[tgt_v.at[jj]], ssem[b], add=True)
            s_desc[grp - 2].wait()
            s_desc[grp - 1].wait()
            return carry

        lax.fori_loop(0, ch // grp, group_body, 0)
        plsc.subcore_barrier()
        pltpu.sync_copy(acc.at[pl.ds(s * rows_per_tile, rows_per_tile)],
                        out.at[c, pl.ds(s * rows_per_tile, rows_per_tile)])

    return sc_scatter


def _post_body(a_ref, h_ref, wpa_ref, wpb_ref, wph_ref, bp1_ref, wp2_ref,
               bp2_ref, o_ref):
    z0 = jnp.maximum(a_ref[0], 0.0)
    z1 = jnp.maximum(a_ref[1], 0.0)
    t = jnp.dot(z0, wpa_ref[...], preferred_element_type=jnp.float32,
                precision=_PREC)
    t += jnp.dot(z1, wpb_ref[...], preferred_element_type=jnp.float32,
                 precision=_PREC)
    t += jnp.dot(h_ref[...], wph_ref[...], preferred_element_type=jnp.float32,
                 precision=_PREC)
    t = jnp.maximum(t + bp1_ref[...], 0.0)
    o_ref[...] = jnp.dot(t, wp2_ref[...], preferred_element_type=jnp.float32,
                         precision=_PREC) + bp2_ref[...]


def _post_call(agg, h, wp1, bp1, wp2, bp2, bn):
    n, h_dim = h.shape
    hh = h_dim // 2
    d_out = wp2.shape[1]
    wpa = wp1[:hh]
    wpb = wp1[hh:h_dim]
    wph = wp1[h_dim:]
    grid = (n // bn,)
    return pl.pallas_call(
        _post_body,
        grid=grid,
        in_specs=[
            pl.BlockSpec((2, bn, hh), lambda i: (0, i, 0)),
            pl.BlockSpec((bn, h_dim), lambda i: (i, 0)),
            pl.BlockSpec((hh, h_dim), lambda i: (0, 0)),
            pl.BlockSpec((hh, h_dim), lambda i: (0, 0)),
            pl.BlockSpec((h_dim, h_dim), lambda i: (0, 0)),
            pl.BlockSpec((1, h_dim), lambda i: (0, 0)),
            pl.BlockSpec((h_dim, d_out), lambda i: (0, 0)),
            pl.BlockSpec((1, d_out), lambda i: (0, 0)),
        ],
        out_specs=pl.BlockSpec((bn, d_out), lambda i: (i, 0)),
        out_shape=jax.ShapeDtypeStruct((n, d_out), jnp.float32),
    )(agg, h, wpa, wpb, wph, bp1.reshape(1, -1), wp2, bp2.reshape(1, -1))


def kernel(x, W_pre1, b_pre1, W_pre2, b_pre2, W_conv, b_conv,
           W_post1, b_post1, W_post2, b_post2, edge_index):
    n, _ = x.shape
    h_dim = W_pre1.shape[1]
    hh = h_dim // 2
    e = edge_index.shape[1]

    chunk = 128
    grp = 32
    ch = -(-e // (16 * chunk * grp)) * grp
    per_tile = ch * chunk
    e_pad = per_tile * 16
    np_rows = -(-n // 128) * 128

    bn = 1000 if n % 1000 == 0 else 8
    h, z = _pre_call(x, W_pre1, b_pre1, W_pre2, b_pre2, W_conv, b_conv, bn)
    zflat = jnp.concatenate(
        [z.reshape(2 * n, hh), jnp.zeros((16, hh), jnp.float32)])

    tgt = edge_index[0]
    src = edge_index[1]
    pad = e_pad - e
    pad_ar = jnp.arange(pad, dtype=jnp.int32)
    src_p = jnp.concatenate([src, jnp.full((pad,), 2 * n, jnp.int32)
                             + pad_ar % 16])
    tgt_p = jnp.concatenate([tgt, pad_ar % n])
    srcr = src_p.reshape(16, ch, chunk)
    off = jnp.where(srcr >= 2 * n, 0, n).astype(jnp.int32)
    srcg = jnp.stack([srcr, srcr + off])
    tgtg = tgt_p.reshape(16, ch, chunk)
    zeros = jnp.zeros((np_rows // 16, hh), jnp.float32)

    sc_scatter = _make_sc_scatter(n, np_rows, ch, grp, chunk, hh)
    agg = sc_scatter(zflat, srcg, tgtg, zeros)

    return _post_call(agg, h, W_post1, b_post1, W_post2, b_post2, bn)

# --- scband reference (transcript-rebuilt; emitter-appended) ---
"""Pipeline reference for scband-gnncasimple-4209067950360 (READ-ONLY COPY).

The authoritative reference and input builder live on the scoring server;
editing this copy changes nothing except your own understanding.
"""

import jax, jax.numpy as jnp
import numpy as np

N = 10000
E = 320000
D = 128
H = 256


def setup_inputs(seed: int = 0) -> dict:
    key = jax.random.key(seed)
    ks = jax.random.split(key, 12)
    x = jax.random.normal(ks[0], (N, D), dtype=jnp.float32)
    edge_index = jax.random.randint(ks[1], (2, E), 0, N, dtype=jnp.int32)

    def glorot(k, shape):
        fan_in, fan_out = shape
        lim = float(np.sqrt(6.0 / (fan_in + fan_out)))
        return jax.random.uniform(k, shape, dtype=jnp.float32, minval=-lim, maxval=lim)

    # pre-MLP: 2 layers (D->H, H->H), relu on both
    W_pre1 = glorot(ks[2], (D, H)); b_pre1 = jnp.zeros((H,), jnp.float32)
    W_pre2 = glorot(ks[3], (H, H)); b_pre2 = jnp.zeros((H,), jnp.float32)
    # GeneralConv dense: H->H (linear), then gather/segment-sum, then relu
    W_conv = glorot(ks[4], (H, H)); b_conv = jnp.zeros((H,), jnp.float32)
    # post-MLP: 2 layers (2H->H relu, H->D linear) after 'cat' skip connection
    W_post1 = glorot(ks[5], (2 * H, H)); b_post1 = jnp.zeros((H,), jnp.float32)
    W_post2 = glorot(ks[6], (H, D)); b_post2 = jnp.zeros((D,), jnp.float32)
    return {
        "x": x,
        "W_pre1": W_pre1, "b_pre1": b_pre1,
        "W_pre2": W_pre2, "b_pre2": b_pre2,
        "W_conv": W_conv, "b_conv": b_conv,
        "W_post1": W_post1, "b_post1": b_post1,
        "W_post2": W_post2, "b_post2": b_post2,
        "edge_index": edge_index,
    }


def reference(x, W_pre1, b_pre1, W_pre2, b_pre2, W_conv, b_conv,
              W_post1, b_post1, W_post2, b_post2, edge_index):
    relu = jax.nn.relu
    n_nodes = x.shape[0]
    targets = edge_index[0]  # a.indices[:, 0] (rows / dst)
    sources = edge_index[1]  # a.indices[:, 1] (cols / src)
    # pre-process MLP (batch_norm=False, dropout=0)
    h = relu(x @ W_pre1 + b_pre1)
    h = relu(h @ W_pre2 + b_pre2)
    # GeneralConv (single message-passing step, aggregate='sum')
    z = h @ W_conv + b_conv
    msgs = jnp.take(z, sources, axis=0)            # gather source features per edge
    agg = jax.ops.segment_sum(msgs, targets, num_segments=n_nodes)  # scatter-add to dst
    z = relu(agg)                                   # hidden_activation
    # skip connection: connectivity='cat'
    out = jnp.concatenate([z, h], axis=-1)
    # post-process MLP, final_activation=None (activation=None)
    out = relu(out @ W_post1 + b_post1)
    out = out @ W_post2 + b_post2
    return out

if __name__ == "__main__":
    import jax
    _d = setup_inputs()
    print(jax.jit(kernel)(*tuple(_d.values())))

</pallas_src>

<mosaic_0001>
#map = affine_map<(d0, d1) -> (0, 0)>
#map1 = affine_map<(d0, d1) -> (0, 0, 0, 0)>
#map2 = affine_map<(d0, d1) -> (0, 0, 0)>
module attributes {stable_mosaic.version = 14 : i64} {
  func.func @sc_scatter(%arg0: i32, %arg1: i32, %arg2: memref<20016x128xf32, #tpu.memory_space<hbm>>, %arg3: memref<2x16x160x128xi32, #tpu.memory_space<hbm>>, %arg4: memref<16x160x128xi32, #tpu.memory_space<hbm>>, %arg5: memref<632x128xf32, #tpu.memory_space<hbm>>, %arg6: memref<2x10112x128xf32, #tpu.memory_space<hbm>>, %arg7: memref<32x128xi32, #tpu.memory_space<vmem>>, %arg8: memref<32x128xi32, #tpu.memory_space<vmem>>, %arg9: memref<128x128xf32, #tpu.memory_space<vmem>>, %arg10: memref<128x128xf32, #tpu.memory_space<vmem>>, %arg11: memref<!tpu.dma_semaphore, #tpu.memory_space<semaphore_mem>>, %arg12: memref<!tpu.dma_semaphore, #tpu.memory_space<semaphore_mem>>, %arg13: memref<!tpu.dma_semaphore, #tpu.memory_space<semaphore_mem>>, %arg14: memref<!tpu.dma_semaphore, #tpu.memory_space<semaphore_mem>>, %arg15: memref<10112x128xf32, #tpu.memory_space<vmem_shared>>) attributes {dimension_semantics = [#tpu.dimension_semantics<core_parallel>, #tpu.dimension_semantics<subcore_parallel>], iteration_bounds = array<i64: 2, 16>, scalar_prefetch = 0 : i64, scratch_operands = 9 : i64, tpu.core_type = #tpu.core_type<sc_vector_subcore>, window_params = [{transform_indices = #map}, {transform_indices = #map1}, {transform_indices = #map2}, {transform_indices = #map}, {transform_indices = #map2}]} {
    %mul3A = arith.constant 632 : i32
    %mul3A_0 = arith.muli %arg1, %mul3A : i32
    "tpu.region"() ({
      %run_scoped3A = tpu.sem_alloc : memref<!tpu.dma_semaphore, #tpu.memory_space<semaphore_mem>>
      %dma_start3A = arith.constant 0 : i32
      %dma_start3A_11 = tpu.memref_slice %arg15[%mul3A_0, %dma_start3A] : memref<10112x128xf32, #tpu.memory_space<vmem_shared>> -> memref<632x128xf32, #tpu.memory_space<vmem_shared>>
      tpu.enqueue_dma source(%arg5 : memref<632x128xf32, #tpu.memory_space<hbm>>) target(%dma_start3A_11 : memref<632x128xf32, #tpu.memory_space<vmem_shared>>) target_semaphore(%run_scoped3A : memref<!tpu.dma_semaphore, #tpu.memory_space<semaphore_mem>>)
      %dma_wait3A = arith.constant 0 : i32
      %dma_wait3A_12 = tpu.memref_slice %arg15[%mul3A_0, %dma_wait3A] : memref<10112x128xf32, #tpu.memory_space<vmem_shared>> -> memref<632x128xf32, #tpu.memory_space<vmem_shared>>
      tpu.wait_dma2 semaphore(%run_scoped3A : memref<!tpu.dma_semaphore, #tpu.memory_space<semaphore_mem>>) src(%arg5 : memref<632x128xf32, #tpu.memory_space<hbm>>) dst(%dma_wait3A_12 : memref<632x128xf32, #tpu.memory_space<vmem_shared>>)
      tpu.yield
    }) : () -> ()
    %barrier3A = arith.constant 0 : index
    tpu.barrier barrier_id(%barrier3A)
    %scan3A = arith.constant 0 : i32
    %scan3A_1 = arith.constant 0 : i32
    %scan3A_2 = arith.constant 5 : i32
    %scan3A_3 = arith.addi %scan3A_1, %scan3A_2 : i32
    %scan3A_4 = arith.constant 1 : i32
    scf.for %scan3A_11 = %scan3A_1 to %scan3A_3 step %scan3A_4  : i32 {
      %mul3A_12 = arith.constant 32 : i32
      %mul3A_13 = arith.muli %scan3A_11, %mul3A_12 : i32
      %multiple_of3A = tpu.assume_multiple %mul3A_13, 8 : i32
      "tpu.region"() ({
        %run_scoped3A = tpu.sem_alloc : memref<!tpu.dma_semaphore, #tpu.memory_space<semaphore_mem>>
        %dma_start3A_908 = arith.constant 0 : i32
        %dma_start3A_909 = tpu.memref_slice %arg3[%arg0, %arg1, %multiple_of3A, %dma_start3A_908] : memref<2x16x160x128xi32, #tpu.memory_space<hbm>> -> memref<1x1x32x128xi32, #tpu.memory_space<hbm>>
        %dma_start3A_910 = tpu.memref_squeeze %dma_start3A_909 : memref<1x1x32x128xi32, #tpu.memory_space<hbm>> -> memref<32x128xi32, #tpu.memory_space<hbm>>
        %dma_start3A_911 = arith.constant 0 : i32
        %dma_start3A_912 = tpu.memref_slice %arg3[%arg0, %arg1, %multiple_of3A, %dma_start3A_911] : memref<2x16x160x128xi32, #tpu.memory_space<hbm>> -> memref<1x1x32x128xi32, #tpu.memory_space<hbm>>
        %dma_start3A_913 = tpu.memref_squeeze %dma_start3A_912 : memref<1x1x32x128xi32, #tpu.memory_space<hbm>> -> memref<32x128xi32, #tpu.memory_space<hbm>>
        tpu.enqueue_dma source(%dma_start3A_913 : memref<32x128xi32, #tpu.memory_space<hbm>>) target(%arg7 : memref<32x128xi32, #tpu.memory_space<vmem>>) target_semaphore(%run_scoped3A : memref<!tpu.dma_semaphore, #tpu.memory_space<semaphore_mem>>)
        %dma_wait3A_914 = arith.constant 0 : i32
        %dma_wait3A_915 = tpu.memref_slice %arg3[%arg0, %arg1, %multiple_of3A, %dma_wait3A_914] : memref<2x16x160x128xi32, #tpu.memory_space<hbm>> -> memref<1x1x32x128xi32, #tpu.memory_space<hbm>>
        %dma_wait3A_916 = tpu.memref_squeeze %dma_wait3A_915 : memref<1x1x32x128xi32, #tpu.memory_space<hbm>> -> memref<32x128xi32, #tpu.memory_space<hbm>>
        %dma_wait3A_917 = arith.constant 0 : i32
        %dma_wait3A_918 = tpu.memref_slice %arg3[%arg0, %arg1, %multiple_of3A, %dma_wait3A_917] : memref<2x16x160x128xi32, #tpu.memory_space<hbm>> -> memref<1x1x32x128xi32, #tpu.memory_space<hbm>>
        %dma_wait3A_919 = tpu.memref_squeeze %dma_wait3A_918 : memref<1x1x32x128xi32, #tpu.memory_space<hbm>> -> memref<32x128xi32, #tpu.memory_space<hbm>>
        tpu.wait_dma2 semaphore(%run_scoped3A : memref<!tpu.dma_semaphore, #tpu.memory_space<semaphore_mem>>) src(%dma_wait3A_919 : memref<32x128xi32, #tpu.memory_space<hbm>>) dst(%arg7 : memref<32x128xi32, #tpu.memory_space<vmem>>)
        tpu.yield
      }) : () -> ()
      "tpu.region"() ({
        %run_scoped3A = tpu.sem_alloc : memref<!tpu.dma_semaphore, #tpu.memory_space<semaphore_mem>>
        %dma_start3A_908 = arith.constant 0 : i32
        %dma_start3A_909 = tpu.memref_slice %arg4[%arg1, %multiple_of3A, %dma_start3A_908] : memref<16x160x128xi32, #tpu.memory_space<hbm>> -> memref<1x32x128xi32, #tpu.memory_space<hbm>>
        %dma_start3A_910 = tpu.memref_squeeze %dma_start3A_909 : memref<1x32x128xi32, #tpu.memory_space<hbm>> -> memref<32x128xi32, #tpu.memory_space<hbm>>
        %dma_start3A_911 = arith.constant 0 : i32
        %dma_start3A_912 = tpu.memref_slice %arg4[%arg1, %multiple_of3A, %dma_start3A_911] : memref<16x160x128xi32, #tpu.memory_space<hbm>> -> memref<1x32x128xi32, #tpu.memory_space<hbm>>
        %dma_start3A_913 = tpu.memref_squeeze %dma_start3A_912 : memref<1x32x128xi32, #tpu.memory_space<hbm>> -> memref<32x128xi32, #tpu.memory_space<hbm>>
        tpu.enqueue_dma source(%dma_start3A_913 : memref<32x128xi32, #tpu.memory_space<hbm>>) target(%arg8 : memref<32x128xi32, #tpu.memory_space<vmem>>) target_semaphore(%run_scoped3A : memref<!tpu.dma_semaphore, #tpu.memory_space<semaphore_mem>>)
        %dma_wait3A_914 = arith.constant 0 : i32
        %dma_wait3A_915 = tpu.memref_slice %arg4[%arg1, %multiple_of3A, %dma_wait3A_914] : memref<16x160x128xi32, #tpu.memory_space<hbm>> -> memref<1x32x128xi32, #tpu.memory_space<hbm>>
        %dma_wait3A_916 = tpu.memref_squeeze %dma_wait3A_915 : memref<1x32x128xi32, #tpu.memory_space<hbm>> -> memref<32x128xi32, #tpu.memory_space<hbm>>
        %dma_wait3A_917 = arith.constant 0 : i32
        %dma_wait3A_918 = tpu.memref_slice %arg4[%arg1, %multiple_of3A, %dma_wait3A_917] : memref<16x160x128xi32, #tpu.memory_space<hbm>> -> memref<1x32x128xi32, #tpu.memory_space<hbm>>
        %dma_wait3A_919 = tpu.memref_squeeze %dma_wait3A_918 : memref<1x32x128xi32, #tpu.memory_space<hbm>> -> memref<32x128xi32, #tpu.memory_space<hbm>>
        tpu.wait_dma2 semaphore(%run_scoped3A : memref<!tpu.dma_semaphore, #tpu.memory_space<semaphore_mem>>) src(%dma_wait3A_919 : memref<32x128xi32, #tpu.memory_space<hbm>>) dst(%arg8 : memref<32x128xi32, #tpu.memory_space<vmem>>)
        tpu.yield
      }) : () -> ()
      %dma_start3A = arith.constant 0 : i32
      %dma_start3A_14 = arith.constant 0 : i32
      %dma_start3A_15 = tpu.memref_slice %arg7[%dma_start3A, %dma_start3A_14] : memref<32x128xi32, #tpu.memory_space<vmem>> -> memref<1x128xi32, #tpu.memory_space<vmem>>
      %dma_start3A_16 = tpu.memref_squeeze %dma_start3A_15 : memref<1x128xi32, #tpu.memory_space<vmem>> -> memref<128xi32, #tpu.memory_space<vmem>>
      %dma_start3A_17 = arith.constant 0 : i32
      %dma_start3A_18 = arith.constant 0 : i32
      %dma_start3A_19 = tpu.memref_slice %arg2[%dma_start3A_17, %dma_start3A_18] : memref<20016x128xf32, #tpu.memory_space<hbm>> -> memref<20016x128xf32, #tpu.memory_space<hbm>>
      tpu.enqueue_indirect_dma source(%dma_start3A_19 : memref<20016x128xf32, #tpu.memory_space<hbm>>) target(%arg9 : memref<128x128xf32, #tpu.memory_space<vmem>>) offsets(%dma_start3A_16 : memref<128xi32, #tpu.memory_space<vmem>>) semaphore(%arg11 : memref<!tpu.dma_semaphore, #tpu.memory_space<semaphore_mem>>)
      %dma_start3A_20 = arith.constant 1 : i32
      %dma_start3A_21 = arith.constant 0 : i32
      %dma_start3A_22 = tpu.memref_slice %arg7[%dma_start3A_20, %dma_start3A_21] : memref<32x128xi32, #tpu.memory_space<vmem>> -> memref<1x128xi32, #tpu.memory_space<vmem>>
      %dma_start3A_23 = tpu.memref_squeeze %dma_start3A_22 : memref<1x128xi32, #tpu.memory_space<vmem>> -> memref<128xi32, #tpu.memory_space<vmem>>
      %dma_start3A_24 = arith.constant 0 : i32
      %dma_start3A_25 = arith.constant 0 : i32
      %dma_start3A_26 = tpu.memref_slice %arg2[%dma_start3A_24, %dma_start3A_25] : memref<20016x128xf32, #tpu.memory_space<hbm>> -> memref<20016x128xf32, #tpu.memory_space<hbm>>
      tpu.enqueue_indirect_dma source(%dma_start3A_26 : memref<20016x128xf32, #tpu.memory_space<hbm>>) target(%arg10 : memref<128x128xf32, #tpu.memory_space<vmem>>) offsets(%dma_start3A_23 : memref<128xi32, #tpu.memory_space<vmem>>) semaphore(%arg12 : memref<!tpu.dma_semaphore, #tpu.memory_space<semaphore_mem>>)
      %dma_wait3A = arith.constant 0 : i32
      %dma_wait3A_27 = arith.constant 0 : i32
      %dma_wait3A_28 = tpu.memref_slice %arg7[%dma_wait3A, %dma_wait3A_27] : memref<32x128xi32, #tpu.memory_space<vmem>> -> memref<1x128xi32, #tpu.memory_space<vmem>>
      %dma_wait3A_29 = tpu.memref_squeeze %dma_wait3A_28 : memref<1x128xi32, #tpu.memory_space<vmem>> -> memref<128xi32, #tpu.memory_space<vmem>>
      %dma_wait3A_30 = arith.constant 0 : i32
      %dma_wait3A_31 = arith.constant 0 : i32
      %dma_wait3A_32 = tpu.memref_slice %arg2[%dma_wait3A_30, %dma_wait3A_31] : memref<20016x128xf32, #tpu.memory_space<hbm>> -> memref<20016x128xf32, #tpu.memory_space<hbm>>
      tpu.wait_indirect_dma semaphore(%arg11 : memref<!tpu.dma_semaphore, #tpu.memory_space<semaphore_mem>>) src(%dma_wait3A_32 : memref<20016x128xf32, #tpu.memory_space<hbm>>) dst(%arg9 : memref<128x128xf32, #tpu.memory_space<vmem>>)
      %dma_start3A_33 = arith.constant 0 : i32
      %dma_start3A_34 = arith.constant 0 : i32
      %dma_start3A_35 = tpu.memref_slice %arg8[%dma_start3A_33, %dma_start3A_34] : memref<32x128xi32, #tpu.memory_space<vmem>> -> memref<1x128xi32, #tpu.memory_space<vmem>>
      %dma_start3A_36 = tpu.memref_squeeze %dma_start3A_35 : memref<1x128xi32, #tpu.memory_space<vmem>> -> memref<128xi32, #tpu.memory_space<vmem>>
      %dma_start3A_37 = arith.constant 0 : i32
      %dma_start3A_38 = arith.constant 0 : i32
      %dma_start3A_39 = tpu.memref_slice %arg15[%dma_start3A_37, %dma_start3A_38] : memref<10112x128xf32, #tpu.memory_space<vmem_shared>> -> memref<10112x128xf32, #tpu.memory_space<vmem_shared>>
      tpu.enqueue_indirect_dma source(%arg9 : memref<128x128xf32, #tpu.memory_space<vmem>>) target(%dma_start3A_39 : memref<10112x128xf32, #tpu.memory_space<vmem_shared>>) offsets(%dma_start3A_36 : memref<128xi32, #tpu.memory_space<vmem>>) semaphore(%arg13 : memref<!tpu.dma_semaphore, #tpu.memory_space<semaphore_mem>>) {add = true}
      %dma_wait3A_40 = arith.constant 0 : i32
      %dma_wait3A_41 = arith.constant 0 : i32
      %dma_wait3A_42 = tpu.memref_slice %arg8[%dma_wait3A_40, %dma_wait3A_41] : memref<32x128xi32, #tpu.memory_space<vmem>> -> memref<1x128xi32, #tpu.memory_space<vmem>>
      %dma_wait3A_43 = tpu.memref_squeeze %dma_wait3A_42 : memref<1x128xi32, #tpu.memory_space<vmem>> -> memref<128xi32, #tpu.memory_space<vmem>>
      %dma_wait3A_44 = arith.constant 0 : i32
      %dma_wait3A_45 = arith.constant 0 : i32
      %dma_wait3A_46 = tpu.memref_slice %arg15[%dma_wait3A_44, %dma_wait3A_45] : memref<10112x128xf32, #tpu.memory_space<vmem_shared>> -> memref<10112x128xf32, #tpu.memory_space<vmem_shared>>
      tpu.wait_indirect_dma semaphore(%arg13 : memref<!tpu.dma_semaphore, #tpu.memory_space<semaphore_mem>>) src(%arg9 : memref<128x128xf32, #tpu.memory_space<vmem>>) dst(%dma_wait3A_46 : memref<10112x128xf32, #tpu.memory_space<vmem_shared>>)
      %dma_start3A_47 = arith.constant 2 : i32
      %dma_start3A_48 = arith.constant 0 : i32
      %dma_start3A_49 = tpu.memref_slice %arg7[%dma_start3A_47, %dma_start3A_48] : memref<32x128xi32, #tpu.memory_space<vmem>> -> memref<1x128xi32, #tpu.memory_space<vmem>>
      %dma_start3A_50 = tpu.memref_squeeze %dma_start3A_49 : memref<1x128xi32, #tpu.memory_space<vmem>> -> memref<128xi32, #tpu.memory_space<vmem>>
      %dma_start3A_51 = arith.constant 0 : i32
      %dma_start3A_52 = arith.constant 0 : i32
      %dma_start3A_53 = tpu.memref_slice %arg2[%dma_start3A_51, %dma_start3A_52] : memref<20016x128xf32, #tpu.memory_space<hbm>> -> memref<20016x128xf32, #tpu.memory_space<hbm>>
      tpu.enqueue_indirect_dma source(%dma_start3A_53 : memref<20016x128xf32, #tpu.memory_space<hbm>>) target(%arg9 : memref<128x128xf32, #tpu.memory_space<vmem>>) offsets(%dma_start3A_50 : memref<128xi32, #tpu.memory_space<vmem>>) semaphore(%arg11 : memref<!tpu.dma_semaphore, #tpu.memory_space<semaphore_mem>>)
      %dma_wait3A_54 = arith.constant 1 : i32
      %dma_wait3A_55 = arith.constant 0 : i32
      %dma_wait3A_56 = tpu.memref_slice %arg7[%dma_wait3A_54, %dma_wait3A_55] : memref<32x128xi32, #tpu.memory_space<vmem>> -> memref<1x128xi32, #tpu.memory_space<vmem>>
      %dma_wait3A_57 = tpu.memref_squeeze %dma_wait3A_56 : memref<1x128xi32, #tpu.memory_space<vmem>> -> memref<128xi32, #tpu.memory_space<vmem>>
      %dma_wait3A_58 = arith.constant 0 : i32
      %dma_wait3A_59 = arith.constant 0 : i32
      %dma_wait3A_60 = tpu.memref_slice %arg2[%dma_wait3A_58, %dma_wait3A_59] : memref<20016x128xf32, #tpu.memory_space<hbm>> -> memref<20016x128xf32, #tpu.memory_space<hbm>>
      tpu.wait_indirect_dma semaphore(%arg12 : memref<!tpu.dma_semaphore, #tpu.memory_space<semaphore_mem>>) src(%dma_wait3A_60 : memref<20016x128xf32, #tpu.memory_space<hbm>>) dst(%arg10 : memref<128x128xf32, #tpu.memory_space<vmem>>)
      %dma_start3A_61 = arith.constant 1 : i32
      %dma_start3A_62 = arith.constant 0 : i32
      %dma_start3A_63 = tpu.memref_slice %arg8[%dma_start3A_61, %dma_start3A_62] : memref<32x128xi32, #tpu.memory_space<vmem>> -> memref<1x128xi32, #tpu.memory_space<vmem>>
      %dma_start3A_64 = tpu.memref_squeeze %dma_start3A_63 : memref<1x128xi32, #tpu.memory_space<vmem>> -> memref<128xi32, #tpu.memory_space<vmem>>
      %dma_start3A_65 = arith.constant 0 : i32
      %dma_start3A_66 = arith.constant 0 : i32
      %dma_start3A_67 = tpu.memref_slice %arg15[%dma_start3A_65, %dma_start3A_66] : memref<10112x128xf32, #tpu.memory_space<vmem_shared>> -> memref<10112x128xf32, #tpu.memory_space<vmem_shared>>
      tpu.enqueue_indirect_dma source(%arg10 : memref<128x128xf32, #tpu.memory_space<vmem>>) target(%dma_start3A_67 : memref<10112x128xf32, #tpu.memory_space<vmem_shared>>) offsets(%dma_start3A_64 : memref<128xi32, #tpu.memory_space<vmem>>) semaphore(%arg14 : memref<!tpu.dma_semaphore, #tpu.memory_space<semaphore_mem>>) {add = true}
      %dma_wait3A_68 = arith.constant 1 : i32
      %dma_wait3A_69 = arith.constant 0 : i32
      %dma_wait3A_70 = tpu.memref_slice %arg8[%dma_wait3A_68, %dma_wait3A_69] : memref<32x128xi32, #tpu.memory_space<vmem>> -> memref<1x128xi32, #tpu.memory_space<vmem>>
      %dma_wait3A_71 = tpu.memref_squeeze %dma_wait3A_70 : memref<1x128xi32, #tpu.memory_space<vmem>> -> memref<128xi32, #tpu.memory_space<vmem>>
      %dma_wait3A_72 = arith.constant 0 : i32
      %dma_wait3A_73 = arith.constant 0 : i32
      %dma_wait3A_74 = tpu.memref_slice %arg15[%dma_wait3A_72, %dma_wait3A_73] : memref<10112x128xf32, #tpu.memory_space<vmem_shared>> -> memref<10112x128xf32, #tpu.memory_space<vmem_shared>>
      tpu.wait_indirect_dma semaphore(%arg14 : memref<!tpu.dma_semaphore, #tpu.memory_space<semaphore_mem>>) src(%arg10 : memref<128x128xf32, #tpu.memory_space<vmem>>) dst(%dma_wait3A_74 : memref<10112x128xf32, #tpu.memory_space<vmem_shared>>)
      %dma_start3A_75 = arith.constant 3 : i32
      %dma_start3A_76 = arith.constant 0 : i32
      %dma_start3A_77 = tpu.memref_slice %arg7[%dma_start3A_75, %dma_start3A_76] : memref<32x128xi32, #tpu.memory_space<vmem>> -> memref<1x128xi32, #tpu.memory_space<vmem>>
      %dma_start3A_78 = tpu.memref_squeeze %dma_start3A_77 : memref<1x128xi32, #tpu.memory_space<vmem>> -> memref<128xi32, #tpu.memory_space<vmem>>
      %dma_start3A_79 = arith.constant 0 : i32
      %dma_start3A_80 = arith.constant 0 : i32
      %dma_start3A_81 = tpu.memref_slice %arg2[%dma_start3A_79, %dma_start3A_80] : memref<20016x128xf32, #tpu.memory_space<hbm>> -> memref<20016x128xf32, #tpu.memory_space<hbm>>
      tpu.enqueue_indirect_dma source(%dma_start3A_81 : memref<20016x128xf32, #tpu.memory_space<hbm>>) target(%arg10 : memref<128x128xf32, #tpu.memory_space<vmem>>) offsets(%dma_start3A_78 : memref<128xi32, #tpu.memory_space<vmem>>) semaphore(%arg12 : memref<!tpu.dma_semaphore, #tpu.memory_space<semaphore_mem>>)
      %dma_wait3A_82 = arith.constant 2 : i32
      %dma_wait3A_83 = arith.constant 0 : i32
      %dma_wait3A_84 = tpu.memref_slice %arg7[%dma_wait3A_82, %dma_wait3A_83] : memref<32x128xi32, #tpu.memory_space<vmem>> -> memref<1x128xi32, #tpu.memory_space<vmem>>
      %dma_wait3A_85 = tpu.memref_squeeze %dma_wait3A_84 : memref<1x128xi32, #tpu.memory_space<vmem>> -> memref<128xi32, #tpu.memory_space<vmem>>
      %dma_wait3A_86 = arith.constant 0 : i32
      %dma_wait3A_87 = arith.constant 0 : i32
      %dma_wait3A_88 = tpu.memref_slice %arg2[%dma_wait3A_86, %dma_wait3A_87] : memref<20016x128xf32, #tpu.memory_space<hbm>> -> memref<20016x128xf32, #tpu.memory_space<hbm>>
      tpu.wait_indirect_dma semaphore(%arg11 : memref<!tpu.dma_semaphore, #tpu.memory_space<semaphore_mem>>) src(%dma_wait3A_88 : memref<20016x128xf32, #tpu.memory_space<hbm>>) dst(%arg9 : memref<128x128xf32, #tpu.memory_space<vmem>>)
      %dma_start3A_89 = arith.constant 2 : i32
      %dma_start3A_90 = arith.constant 0 : i32
      %dma_start3A_91 = tpu.memref_slice %arg8[%dma_start3A_89, %dma_start3A_90] : memref<32x128xi32, #tpu.memory_space<vmem>> -> memref<1x128xi32, #tpu.memory_space<vmem>>
      %dma_start3A_92 = tpu.memref_squeeze %dma_start3A_91 : memref<1x128xi32, #tpu.memory_space<vmem>> -> memref<128xi32, #tpu.memory_space<vmem>>
      %dma_start3A_93 = arith.constant 0 : i32
      %dma_start3A_94 = arith.constant 0 : i32
      %dma_start3A_95 = tpu.memref_slice %arg15[%dma_start3A_93, %dma_start3A_94] : memref<10112x128xf32, #tpu.memory_space<vmem_shared>> -> memref<10112x128xf32, #tpu.memory_space<vmem_shared>>
      tpu.enqueue_indirect_dma source(%arg9 : memref<128x128xf32, #tpu.memory_space<vmem>>) target(%dma_start3A_95 : memref<10112x128xf32, #tpu.memory_space<vmem_shared>>) offsets(%dma_start3A_92 : memref<128xi32, #tpu.memory_space<vmem>>) semaphore(%arg13 : memref<!tpu.dma_semaphore, #tpu.memory_space<semaphore_mem>>) {add = true}
      %dma_wait3A_96 = arith.constant 2 : i32
      %dma_wait3A_97 = arith.constant 0 : i32
      %dma_wait3A_98 = tpu.memref_slice %arg8[%dma_wait3A_96, %dma_wait3A_97] : memref<32x128xi32, #tpu.memory_space<vmem>> -> memref<1x128xi32, #tpu.memory_space<vmem>>
      %dma_wait3A_99 = tpu.memref_squeeze %dma_wait3A_98 : memref<1x128xi32, #tpu.memory_space<vmem>> -> memref<128xi32, #tpu.memory_space<vmem>>
      %dma_wait3A_100 = arith.constant 0 : i32
      %dma_wait3A_101 = arith.constant 0 : i32
      %dma_wait3A_102 = tpu.memref_slice %arg15[%dma_wait3A_100, %dma_wait3A_101] : memref<10112x128xf32, #tpu.memory_space<vmem_shared>> -> memref<10112x128xf32, #tpu.memory_space<vmem_shared>>
      tpu.wait_indirect_dma semaphore(%arg13 : memref<!tpu.dma_semaphore, #tpu.memory_space<semaphore_mem>>) src(%arg9 : memref<128x128xf32, #tpu.memory_space<vmem>>) dst(%dma_wait3A_102 : memref<10112x128xf32, #tpu.memory_space<vmem_shared>>)
      %dma_start3A_103 = arith.constant 4 : i32
      %dma_start3A_104 = arith.constant 0 : i32
      %dma_start3A_105 = tpu.memref_slice %arg7[%dma_start3A_103, %dma_start3A_104] : memref<32x128xi32, #tpu.memory_space<vmem>> -> memref<1x128xi32, #tpu.memory_space<vmem>>
      %dma_start3A_106 = tpu.memref_squeeze %dma_start3A_105 : memref<1x128xi32, #tpu.memory_space<vmem>> -> memref<128xi32, #tpu.memory_space<vmem>>
      %dma_start3A_107 = arith.constant 0 : i32
      %dma_start3A_108 = arith.constant 0 : i32
      %dma_start3A_109 = tpu.memref_slice %arg2[%dma_start3A_107, %dma_start3A_108] : memref<20016x128xf32, #tpu.memory_space<hbm>> -> memref<20016x128xf32, #tpu.memory_space<hbm>>
      tpu.enqueue_indirect_dma source(%dma_start3A_109 : memref<20016x128xf32, #tpu.memory_space<hbm>>) target(%arg9 : memref<128x128xf32, #tpu.memory_space<vmem>>) offsets(%dma_start3A_106 : memref<128xi32, #tpu.memory_space<vmem>>) semaphore(%arg11 : memref<!tpu.dma_semaphore, #tpu.memory_space<semaphore_mem>>)
      %dma_wait3A_110 = arith.constant 3 : i32
      %dma_wait3A_111 = arith.constant 0 : i32
      %dma_wait3A_112 = tpu.memref_slice %arg7[%dma_wait3A_110, %dma_wait3A_111] : memref<32x128xi32, #tpu.memory_space<vmem>> -> memref<1x128xi32, #tpu.memory_space<vmem>>
      %dma_wait3A_113 = tpu.memref_squeeze %dma_wait3A_112 : memref<1x128xi32, #tpu.memory_space<vmem>> -> memref<128xi32, #tpu.memory_space<vmem>>
      %dma_wait3A_114 = arith.constant 0 : i32
      %dma_wait3A_115 = arith.constant 0 : i32
      %dma_wait3A_116 = tpu.memref_slice %arg2[%dma_wait3A_114, %dma_wait3A_115] : memref<20016x128xf32, #tpu.memory_space<hbm>> -> memref<20016x128xf32, #tpu.memory_space<hbm>>
      tpu.wait_indirect_dma semaphore(%arg12 : memref<!tpu.dma_semaphore, #tpu.memory_space<semaphore_mem>>) src(%dma_wait3A_116 : memref<20016x128xf32, #tpu.memory_space<hbm>>) dst(%arg10 : memref<128x128xf32, #tpu.memory_space<vmem>>)
      %dma_start3A_117 = arith.constant 3 : i32
      %dma_start3A_118 = arith.constant 0 : i32
      %dma_start3A_119 = tpu.memref_slice %arg8[%dma_start3A_117, %dma_start3A_118] : memref<32x128xi32, #tpu.memory_space<vmem>> -> memref<1x128xi32, #tpu.memory_space<vmem>>
      %dma_start3A_120 = tpu.memref_squeeze %dma_start3A_119 : memref<1x128xi32, #tpu.memory_space<vmem>> -> memref<128xi32, #tpu.memory_space<vmem>>
      %dma_start3A_121 = arith.constant 0 : i32
      %dma_start3A_122 = arith.constant 0 : i32
      %dma_start3A_123 = tpu.memref_slice %arg15[%dma_start3A_121, %dma_start3A_122] : memref<10112x128xf32, #tpu.memory_space<vmem_shared>> -> memref<10112x128xf32, #tpu.memory_space<vmem_shared>>
      tpu.enqueue_indirect_dma source(%arg10 : memref<128x128xf32, #tpu.memory_space<vmem>>) target(%dma_start3A_123 : memref<10112x128xf32, #tpu.memory_space<vmem_shared>>) offsets(%dma_start3A_120 : memref<128xi32, #tpu.memory_space<vmem>>) semaphore(%arg14 : memref<!tpu.dma_semaphore, #tpu.memory_space<semaphore_mem>>) {add = true}
      %dma_wait3A_124 = arith.constant 3 : i32
      %dma_wait3A_125 = arith.constant 0 : i32
      %dma_wait3A_126 = tpu.memref_slice %arg8[%dma_wait3A_124, %dma_wait3A_125] : memref<32x128xi32, #tpu.memory_space<vmem>> -> memref<1x128xi32, #tpu.memory_space<vmem>>
      %dma_wait3A_127 = tpu.memref_squeeze %dma_wait3A_126 : memref<1x128xi32, #tpu.memory_space<vmem>> -> memref<128xi32, #tpu.memory_space<vmem>>
      %dma_wait3A_128 = arith.constant 0 : i32
      %dma_wait3A_129 = arith.constant 0 : i32
      %dma_wait3A_130 = tpu.memref_slice %arg15[%dma_wait3A_128, %dma_wait3A_129] : memref<10112x128xf32, #tpu.memory_space<vmem_shared>> -> memref<10112x128xf32, #tpu.memory_space<vmem_shared>>
      tpu.wait_indirect_dma semaphore(%arg14 : memref<!tpu.dma_semaphore, #tpu.memory_space<semaphore_mem>>) src(%arg10 : memref<128x128xf32, #tpu.memory_space<vmem>>) dst(%dma_wait3A_130 : memref<10112x128xf32, #tpu.memory_space<vmem_shared>>)
      %dma_start3A_131 = arith.constant 5 : i32
      %dma_start3A_132 = arith.constant 0 : i32
      %dma_start3A_133 = tpu.memref_slice %arg7[%dma_start3A_131, %dma_start3A_132] : memref<32x128xi32, #tpu.memory_space<vmem>> -> memref<1x128xi32, #tpu.memory_space<vmem>>
      %dma_start3A_134 = tpu.memref_squeeze %dma_start3A_133 : memref<1x128xi32, #tpu.memory_space<vmem>> -> memref<128xi32, #tpu.memory_space<vmem>>
      %dma_start3A_135 = arith.constant 0 : i32
      %dma_start3A_136 = arith.constant 0 : i32
      %dma_start3A_137 = tpu.memref_slice %arg2[%dma_start3A_135, %dma_start3A_136] : memref<20016x128xf32, #tpu.memory_space<hbm>> -> memref<20016x128xf32, #tpu.memory_space<hbm>>
      tpu.enqueue_indirect_dma source(%dma_start3A_137 : memref<20016x128xf32, #tpu.memory_space<hbm>>) target(%arg10 : memref<128x128xf32, #tpu.memory_space<vmem>>) offsets(%dma_start3A_134 : memref<128xi32, #tpu.memory_space<vmem>>) semaphore(%arg12 : memref<!tpu.dma_semaphore, #tpu.memory_space<semaphore_mem>>)
      %dma_wait3A_138 = arith.constant 4 : i32
      %dma_wait3A_139 = arith.constant 0 : i32
      %dma_wait3A_140 = tpu.memref_slice %arg7[%dma_wait3A_138, %dma_wait3A_139] : memref<32x128xi32, #tpu.memory_space<vmem>> -> memref<1x128xi32, #tpu.memory_space<vmem>>
      %dma_wait3A_141 = tpu.memref_squeeze %dma_wait3A_140 : memref<1x128xi32, #tpu.memory_space<vmem>> -> memref<128xi32, #tpu.memory_space<vmem>>
      %dma_wait3A_142 = arith.constant 0 : i32
      %dma_wait3A_143 = arith.constant 0 : i32
      %dma_wait3A_144 = tpu.memref_slice %arg2[%dma_wait3A_142, %dma_wait3A_143] : memref<20016x128xf32, #tpu.memory_space<hbm>> -> memref<20016x128xf32, #tpu.memory_space<hbm>>
      tpu.wait_indirect_dma semaphore(%arg11 : memref<!tpu.dma_semaphore, #tpu.memory_space<semaphore_mem>>) src(%dma_wait3A_144 : memref<20016x128xf32, #tpu.memory_space<hbm>>) dst(%arg9 : memref<128x128xf32, #tpu.memory_space<vmem>>)
      %dma_start3A_145 = arith.constant 4 : i32
      %dma_start3A_146 = arith.constant 0 : i32
      %dma_start3A_147 = tpu.memref_slice %arg8[%dma_start3A_145, %dma_start3A_146] : memref<32x128xi32, #tpu.memory_space<vmem>> -> memref<1x128xi32, #tpu.memory_space<vmem>>
      %dma_start3A_148 = tpu.memref_squeeze %dma_start3A_147 : memref<1x128xi32, #tpu.memory_space<vmem>> -> memref<128xi32, #tpu.memory_space<vmem>>
      %dma_start3A_149 = arith.constant 0 : i32
      %dma_start3A_150 = arith.constant 0 : i32
      %dma_start3A_151 = tpu.memref_slice %arg15[%dma_start3A_149, %dma_start3A_150] : memref<10112x128xf32, #tpu.memory_space<vmem_shared>> -> memref<10112x128xf32, #tpu.memory_space<vmem_shared>>
      tpu.enqueue_indirect_dma source(%arg9 : memref<128x128xf32, #tpu.memory_space<vmem>>) target(%dma_start3A_151 : memref<10112x128xf32, #tpu.memory_space<vmem_shared>>) offsets(%dma_start3A_148 : memref<128xi32, #tpu.memory_space<vmem>>) semaphore(%arg13 : memref<!tpu.dma_semaphore, #tpu.memory_space<semaphore_mem>>) {add = true}
      %dma_wait3A_152 = arith.constant 4 : i32
      %dma_wait3A_153 = arith.constant 0 : i32
      %dma_wait3A_154 = tpu.memref_slice %arg8[%dma_wait3A_152, %dma_wait3A_153] : memref<32x128xi32, #tpu.memory_space<vmem>> -> memref<1x128xi32, #tpu.memory_space<vmem>>
      %dma_wait3A_155 = tpu.memref_squeeze %dma_wait3A_154 : memref<1x128xi32, #tpu.memory_space<vmem>> -> memref<128xi32, #tpu.memory_space<vmem>>
      %dma_wait3A_156 = arith.constant 0 : i32
      %dma_wait3A_157 = arith.constant 0 : i32
      %dma_wait3A_158 = tpu.memref_slice %arg15[%dma_wait3A_156, %dma_wait3A_157] : memref<10112x128xf32, #tpu.memory_space<vmem_shared>> -> memref<10112x128xf32, #tpu.memory_space<vmem_shared>>
      tpu.wait_indirect_dma semaphore(%arg13 : memref<!tpu.dma_semaphore, #tpu.memory_space<semaphore_mem>>) src(%arg9 : memref<128x128xf32, #tpu.memory_space<vmem>>) dst(%dma_wait3A_158 : memref<10112x128xf32, #tpu.memory_space<vmem_shared>>)
      %dma_start3A_159 = arith.constant 6 : i32
      %dma_start3A_160 = arith.constant 0 : i32
      %dma_start3A_161 = tpu.memref_slice %arg7[%dma_start3A_159, %dma_start3A_160] : memref<32x128xi32, #tpu.memory_space<vmem>> -> memref<1x128xi32, #tpu.memory_space<vmem>>
      %dma_start3A_162 = tpu.memref_squeeze %dma_start3A_161 : memref<1x128xi32, #tpu.memory_space<vmem>> -> memref<128xi32, #tpu.memory_space<vmem>>
      %dma_start3A_163 = arith.constant 0 : i32
      %dma_start3A_164 = arith.constant 0 : i32
      %dma_start3A_165 = tpu.memref_slice %arg2[%dma_start3A_163, %dma_start3A_164] : memref<20016x128xf32, #tpu.memory_space<hbm>> -> memref<20016x128xf32, #tpu.memory_space<hbm>>
      tpu.enqueue_indirect_dma source(%dma_start3A_165 : memref<20016x128xf32, #tpu.memory_space<hbm>>) target(%arg9 : memref<128x128xf32, #tpu.memory_space<vmem>>) offsets(%dma_start3A_162 : memref<128xi32, #tpu.memory_space<vmem>>) semaphore(%arg11 : memref<!tpu.dma_semaphore, #tpu.memory_space<semaphore_mem>>)
      %dma_wait3A_166 = arith.constant 5 : i32
      %dma_wait3A_167 = arith.constant 0 : i32
      %dma_wait3A_168 = tpu.memref_slice %arg7[%dma_wait3A_166, %dma_wait3A_167] : memref<32x128xi32, #tpu.memory_space<vmem>> -> memref<1x128xi32, #tpu.memory_space<vmem>>
      %dma_wait3A_169 = tpu.memref_squeeze %dma_wait3A_168 : memref<1x128xi32, #tpu.memory_space<vmem>> -> memref<128xi32, #tpu.memory_space<vmem>>
      %dma_wait3A_170 = arith.constant 0 : i32
      %dma_wait3A_171 = arith.constant 0 : i32
      %dma_wait3A_172 = tpu.memref_slice %arg2[%dma_wait3A_170, %dma_wait3A_171] : memref<20016x128xf32, #tpu.memory_space<hbm>> -> memref<20016x128xf32, #tpu.memory_space<hbm>>
      tpu.wait_indirect_dma semaphore(%arg12 : memref<!tpu.dma_semaphore, #tpu.memory_space<semaphore_mem>>) src(%dma_wait3A_172 : memref<20016x128xf32, #tpu.memory_space<hbm>>) dst(%arg10 : memref<128x128xf32, #tpu.memory_space<vmem>>)
      %dma_start3A_173 = arith.constant 5 : i32
      %dma_start3A_174 = arith.constant 0 : i32
      %dma_start3A_175 = tpu.memref_slice %arg8[%dma_start3A_173, %dma_start3A_174] : memref<32x128xi32, #tpu.memory_space<vmem>> -> memref<1x128xi32, #tpu.memory_space<vmem>>
      %dma_start3A_176 = tpu.memref_squeeze %dma_start3A_175 : memref<1x128xi32, #tpu.memory_space<vmem>> -> memref<128xi32, #tpu.memory_space<vmem>>
      %dma_start3A_177 = arith.constant 0 : i32
      %dma_start3A_178 = arith.constant 0 : i32
      %dma_start3A_179 = tpu.memref_slice %arg15[%dma_start3A_177, %dma_start3A_178] : memref<10112x128xf32, #tpu.memory_space<vmem_shared>> -> memref<10112x128xf32, #tpu.memory_space<vmem_shared>>
      tpu.enqueue_indirect_dma source(%arg10 : memref<128x128xf32, #tpu.memory_space<vmem>>) target(%dma_start3A_179 : memref<10112x128xf32, #tpu.memory_space<vmem_shared>>) offsets(%dma_start3A_176 : memref<128xi32, #tpu.memory_space<vmem>>) semaphore(%arg14 : memref<!tpu.dma_semaphore, #tpu.memory_space<semaphore_mem>>) {add = true}
      %dma_wait3A_180 = arith.constant 5 : i32
      %dma_wait3A_181 = arith.constant 0 : i32
      %dma_wait3A_182 = tpu.memref_slice %arg8[%dma_wait3A_180, %dma_wait3A_181] : memref<32x128xi32, #tpu.memory_space<vmem>> -> memref<1x128xi32, #tpu.memory_space<vmem>>
      %dma_wait3A_183 = tpu.memref_squeeze %dma_wait3A_182 : memref<1x128xi32, #tpu.memory_space<vmem>> -> memref<128xi32, #tpu.memory_space<vmem>>
      %dma_wait3A_184 = arith.constant 0 : i32
      %dma_wait3A_185 = arith.constant 0 : i32
      %dma_wait3A_186 = tpu.memref_slice %arg15[%dma_wait3A_184, %dma_wait3A_185] : memref<10112x128xf32, #tpu.memory_space<vmem_shared>> -> memref<10112x128xf32, #tpu.memory_space<vmem_shared>>
      tpu.wait_indirect_dma semaphore(%arg14 : memref<!tpu.dma_semaphore, #tpu.memory_space<semaphore_mem>>) src(%arg10 : memref<128x128xf32, #tpu.memory_space<vmem>>) dst(%dma_wait3A_186 : memref<10112x128xf32, #tpu.memory_space<vmem_shared>>)
      %dma_start3A_187 = arith.constant 7 : i32
      %dma_start3A_188 = arith.constant 0 : i32
      %dma_start3A_189 = tpu.memref_slice %arg7[%dma_start3A_187, %dma_start3A_188] : memref<32x128xi32, #tpu.memory_space<vmem>> -> memref<1x128xi32, #tpu.memory_space<vmem>>
      %dma_start3A_190 = tpu.memref_squeeze %dma_start3A_189 : memref<1x128xi32, #tpu.memory_space<vmem>> -> memref<128xi32, #tpu.memory_space<vmem>>
      %dma_start3A_191 = arith.constant 0 : i32
      %dma_start3A_192 = arith.constant 0 : i32
      %dma_start3A_193 = tpu.memref_slice %arg2[%dma_start3A_191, %dma_start3A_192] : memref<20016x128xf32, #tpu.memory_space<hbm>> -> memref<20016x128xf32, #tpu.memory_space<hbm>>
      tpu.enqueue_indirect_dma source(%dma_start3A_193 : memref<20016x128xf32, #tpu.memory_space<hbm>>) target(%arg10 : memref<128x128xf32, #tpu.memory_space<vmem>>) offsets(%dma_start3A_190 : memref<128xi32, #tpu.memory_space<vmem>>) semaphore(%arg12 : memref<!tpu.dma_semaphore, #tpu.memory_space<semaphore_mem>>)
      %dma_wait3A_194 = arith.constant 6 : i32
      %dma_wait3A_195 = arith.constant 0 : i32
      %dma_wait3A_196 = tpu.memref_slice %arg7[%dma_wait3A_194, %dma_wait3A_195] : memref<32x128xi32, #tpu.memory_space<vmem>> -> memref<1x128xi32, #tpu.memory_space<vmem>>
      %dma_wait3A_197 = tpu.memref_squeeze %dma_wait3A_196 : memref<1x128xi32, #tpu.memory_space<vmem>> -> memref<128xi32, #tpu.memory_space<vmem>>
      %dma_wait3A_198 = arith.constant 0 : i32
      %dma_wait3A_199 = arith.constant 0 : i32
      %dma_wait3A_200 = tpu.memref_slice %arg2[%dma_wait3A_198, %dma_wait3A_199] : memref<20016x128xf32, #tpu.memory_space<hbm>> -> memref<20016x128xf32, #tpu.memory_space<hbm>>
      tpu.wait_indirect_dma semaphore(%arg11 : memref<!tpu.dma_semaphore, #tpu.memory_space<semaphore_mem>>) src(%dma_wait3A_200 : memref<20016x128xf32, #tpu.memory_space<hbm>>) dst(%arg9 : memref<128x128xf32, #tpu.memory_space<vmem>>)
      %dma_start3A_201 = arith.constant 6 : i32
      %dma_start3A_202 = arith.constant 0 : i32
      %dma_start3A_203 = tpu.memref_slice %arg8[%dma_start3A_201, %dma_start3A_202] : memref<32x128xi32, #tpu.memory_space<vmem>> -> memref<1x128xi32, #tpu.memory_space<vmem>>
      %dma_start3A_204 = tpu.memref_squeeze %dma_start3A_203 : memref<1x128xi32, #tpu.memory_space<vmem>> -> memref<128xi32, #tpu.memory_space<vmem>>
      %dma_start3A_205 = arith.constant 0 : i32
      %dma_start3A_206 = arith.constant 0 : i32
      %dma_start3A_207 = tpu.memref_slice %arg15[%dma_start3A_205, %dma_start3A_206] : memref<10112x128xf32, #tpu.memory_space<vmem_shared>> -> memref<10112x128xf32, #tpu.memory_space<vmem_shared>>
      tpu.enqueue_indirect_dma source(%arg9 : memref<128x128xf32, #tpu.memory_space<vmem>>) target(%dma_start3A_207 : memref<10112x128xf32, #tpu.memory_space<vmem_shared>>) offsets(%dma_start3A_204 : memref<128xi32, #tpu.memory_space<vmem>>) semaphore(%arg13 : memref<!tpu.dma_semaphore, #tpu.memory_space<semaphore_mem>>) {add = true}
      %dma_wait3A_208 = arith.constant 6 : i32
      %dma_wait3A_209 = arith.constant 0 : i32
      %dma_wait3A_210 = tpu.memref_slice %arg8[%dma_wait3A_208, %dma_wait3A_209] : memref<32x128xi32, #tpu.memory_space<vmem>> -> memref<1x128xi32, #tpu.memory_space<vmem>>
      %dma_wait3A_211 = tpu.memref_squeeze %dma_wait3A_210 : memref<1x128xi32, #tpu.memory_space<vmem>> -> memref<128xi32, #tpu.memory_space<vmem>>
      %dma_wait3A_212 = arith.constant 0 : i32
      %dma_wait3A_213 = arith.constant 0 : i32
      %dma_wait3A_214 = tpu.memref_slice %arg15[%dma_wait3A_212, %dma_wait3A_213] : memref<10112x128xf32, #tpu.memory_space<vmem_shared>> -> memref<10112x128xf32, #tpu.memory_space<vmem_shared>>
      tpu.wait_indirect_dma semaphore(%arg13 : memref<!tpu.dma_semaphore, #tpu.memory_space<semaphore_mem>>) src(%arg9 : memref<128x128xf32, #tpu.memory_space<vmem>>) dst(%dma_wait3A_214 : memref<10112x128xf32, #tpu.memory_space<vmem_shared>>)
      %dma_start3A_215 = arith.constant 8 : i32
      %dma_start3A_216 = arith.constant 0 : i32
      %dma_start3A_217 = tpu.memref_slice %arg7[%dma_start3A_215, %dma_start3A_216] : memref<32x128xi32, #tpu.memory_space<vmem>> -> memref<1x128xi32, #tpu.memory_space<vmem>>
      %dma_start3A_218 = tpu.memref_squeeze %dma_start3A_217 : memref<1x128xi32, #tpu.memory_space<vmem>> -> memref<128xi32, #tpu.memory_space<vmem>>
      %dma_start3A_219 = arith.constant 0 : i32
      %dma_start3A_220 = arith.constant 0 : i32
      %dma_start3A_221 = tpu.memref_slice %arg2[%dma_start3A_219, %dma_start3A_220] : memref<20016x128xf32, #tpu.memory_space<hbm>> -> memref<20016x128xf32, #tpu.memory_space<hbm>>
      tpu.enqueue_indirect_dma source(%dma_start3A_221 : memref<20016x128xf32, #tpu.memory_space<hbm>>) target(%arg9 : memref<128x128xf32, #tpu.memory_space<vmem>>) offsets(%dma_start3A_218 : memref<128xi32, #tpu.memory_space<vmem>>) semaphore(%arg11 : memref<!tpu.dma_semaphore, #tpu.memory_space<semaphore_mem>>)
      %dma_wait3A_222 = arith.constant 7 : i32
      %dma_wait3A_223 = arith.constant 0 : i32
      %dma_wait3A_224 = tpu.memref_slice %arg7[%dma_wait3A_222, %dma_wait3A_223] : memref<32x128xi32, #tpu.memory_space<vmem>> -> memref<1x128xi32, #tpu.memory_space<vmem>>
      %dma_wait3A_225 = tpu.memref_squeeze %dma_wait3A_224 : memref<1x128xi32, #tpu.memory_space<vmem>> -> memref<128xi32, #tpu.memory_space<vmem>>
      %dma_wait3A_226 = arith.constant 0 : i32
      %dma_wait3A_227 = arith.constant 0 : i32
      %dma_wait3A_228 = tpu.memref_slice %arg2[%dma_wait3A_226, %dma_wait3A_227] : memref<20016x128xf32, #tpu.memory_space<hbm>> -> memref<20016x128xf32, #tpu.memory_space<hbm>>
      tpu.wait_indirect_dma semaphore(%arg12 : memref<!tpu.dma_semaphore, #tpu.memory_space<semaphore_mem>>) src(%dma_wait3A_228 : memref<20016x128xf32, #tpu.memory_space<hbm>>) dst(%arg10 : memref<128x128xf32, #tpu.memory_space<vmem>>)
      %dma_start3A_229 = arith.constant 7 : i32
      %dma_start3A_230 = arith.constant 0 : i32
      %dma_start3A_231 = tpu.memref_slice %arg8[%dma_start3A_229, %dma_start3A_230] : memref<32x128xi32, #tpu.memory_space<vmem>> -> memref<1x128xi32, #tpu.memory_space<vmem>>
      %dma_start3A_232 = tpu.memref_squeeze %dma_start3A_231 : memref<1x128xi32, #tpu.memory_space<vmem>> -> memref<128xi32, #tpu.memory_space<vmem>>
      %dma_start3A_233 = arith.constant 0 : i32
      %dma_start3A_234 = arith.constant 0 : i32
      %dma_start3A_235 = tpu.memref_slice %arg15[%dma_start3A_233, %dma_start3A_234] : memref<10112x128xf32, #tpu.memory_space<vmem_shared>> -> memref<10112x128xf32, #tpu.memory_space<vmem_shared>>
      tpu.enqueue_indirect_dma source(%arg10 : memref<128x128xf32, #tpu.memory_space<vmem>>) target(%dma_start3A_235 : memref<10112x128xf32, #tpu.memory_space<vmem_shared>>) offsets(%dma_start3A_232 : memref<128xi32, #tpu.memory_space<vmem>>) semaphore(%arg14 : memref<!tpu.dma_semaphore, #tpu.memory_space<semaphore_mem>>) {add = true}
      %dma_wait3A_236 = arith.constant 7 : i32
      %dma_wait3A_237 = arith.constant 0 : i32
      %dma_wait3A_238 = tpu.memref_slice %arg8[%dma_wait3A_236, %dma_wait3A_237] : memref<32x128xi32, #tpu.memory_space<vmem>> -> memref<1x128xi32, #tpu.memory_space<vmem>>
      %dma_wait3A_239 = tpu.memref_squeeze %dma_wait3A_238 : memref<1x128xi32, #tpu.memory_space<vmem>> -> memref<128xi32, #tpu.memory_space<vmem>>
      %dma_wait3A_240 = arith.constant 0 : i32
      %dma_wait3A_241 = arith.constant 0 : i32
      %dma_wait3A_242 = tpu.memref_slice %arg15[%dma_wait3A_240, %dma_wait3A_241] : memref<10112x128xf32, #tpu.memory_space<vmem_shared>> -> memref<10112x128xf32, #tpu.memory_space<vmem_shared>>
      tpu.wait_indirect_dma semaphore(%arg14 : memref<!tpu.dma_semaphore, #tpu.memory_space<semaphore_mem>>) src(%arg10 : memref<128x128xf32, #tpu.memory_space<vmem>>) dst(%dma_wait3A_242 : memref<10112x128xf32, #tpu.memory_space<vmem_shared>>)
      %dma_start3A_243 = arith.constant 9 : i32
      %dma_start3A_244 = arith.constant 0 : i32
      %dma_start3A_245 = tpu.memref_slice %arg7[%dma_start3A_243, %dma_start3A_244] : memref<32x128xi32, #tpu.memory_space<vmem>> -> memref<1x128xi32, #tpu.memory_space<vmem>>
      %dma_start3A_246 = tpu.memref_squeeze %dma_start3A_245 : memref<1x128xi32, #tpu.memory_space<vmem>> -> memref<128xi32, #tpu.memory_space<vmem>>
      %dma_start3A_247 = arith.constant 0 : i32
      %dma_start3A_248 = arith.constant 0 : i32
      %dma_start3A_249 = tpu.memref_slice %arg2[%dma_start3A_247, %dma_start3A_248] : memref<20016x128xf32, #tpu.memory_space<hbm>> -> memref<20016x128xf32, #tpu.memory_space<hbm>>
      tpu.enqueue_indirect_dma source(%dma_start3A_249 : memref<20016x128xf32, #tpu.memory_space<hbm>>) target(%arg10 : memref<128x128xf32, #tpu.memory_space<vmem>>) offsets(%dma_start3A_246 : memref<128xi32, #tpu.memory_space<vmem>>) semaphore(%arg12 : memref<!tpu.dma_semaphore, #tpu.memory_space<semaphore_mem>>)
      %dma_wait3A_250 = arith.constant 8 : i32
      %dma_wait3A_251 = arith.constant 0 : i32
      %dma_wait3A_252 = tpu.memref_slice %arg7[%dma_wait3A_250, %dma_wait3A_251] : memref<32x128xi32, #tpu.memory_space<vmem>> -> memref<1x128xi32, #tpu.memory_space<vmem>>
      %dma_wait3A_253 = tpu.memref_squeeze %dma_wait3A_252 : memref<1x128xi32, #tpu.memory_space<vmem>> -> memref<128xi32, #tpu.memory_space<vmem>>
      %dma_wait3A_254 = arith.constant 0 : i32
      %dma_wait3A_255 = arith.constant 0 : i32
      %dma_wait3A_256 = tpu.memref_slice %arg2[%dma_wait3A_254, %dma_wait3A_255] : memref<20016x128xf32, #tpu.memory_space<hbm>> -> memref<20016x128xf32, #tpu.memory_space<hbm>>
      tpu.wait_indirect_dma semaphore(%arg11 : memref<!tpu.dma_semaphore, #tpu.memory_space<semaphore_mem>>) src(%dma_wait3A_256 : memref<20016x128xf32, #tpu.memory_space<hbm>>) dst(%arg9 : memref<128x128xf32, #tpu.memory_space<vmem>>)
      %dma_start3A_257 = arith.constant 8 : i32
      %dma_start3A_258 = arith.constant 0 : i32
      %dma_start3A_259 = tpu.memref_slice %arg8[%dma_start3A_257, %dma_start3A_258] : memref<32x128xi32, #tpu.memory_space<vmem>> -> memref<1x128xi32, #tpu.memory_space<vmem>>
      %dma_start3A_260 = tpu.memref_squeeze %dma_start3A_259 : memref<1x128xi32, #tpu.memory_space<vmem>> -> memref<128xi32, #tpu.memory_space<vmem>>
      %dma_start3A_261 = arith.constant 0 : i32
      %dma_start3A_262 = arith.constant 0 : i32
      %dma_start3A_263 = tpu.memref_slice %arg15[%dma_start3A_261, %dma_start3A_262] : memref<10112x128xf32, #tpu.memory_space<vmem_shared>> -> memref<10112x128xf32, #tpu.memory_space<vmem_shared>>
      tpu.enqueue_indirect_dma source(%arg9 : memref<128x128xf32, #tpu.memory_space<vmem>>) target(%dma_start3A_263 : memref<10112x128xf32, #tpu.memory_space<vmem_shared>>) offsets(%dma_start3A_260 : memref<128xi32, #tpu.memory_space<vmem>>) semaphore(%arg13 : memref<!tpu.dma_semaphore, #tpu.memory_space<semaphore_mem>>) {add = true}
      %dma_wait3A_264 = arith.constant 8 : i32
      %dma_wait3A_265 = arith.constant 0 : i32
      %dma_wait3A_266 = tpu.memref_slice %arg8[%dma_wait3A_264, %dma_wait3A_265] : memref<32x128xi32, #tpu.memory_space<vmem>> -> memref<1x128xi32, #tpu.memory_space<vmem>>
      %dma_wait3A_267 = tpu.memref_squeeze %dma_wait3A_266 : memref<1x128xi32, #tpu.memory_space<vmem>> -> memref<128xi32, #tpu.memory_space<vmem>>
      %dma_wait3A_268 = arith.constant 0 : i32
      %dma_wait3A_269 = arith.constant 0 : i32
      %dma_wait3A_270 = tpu.memref_slice %arg15[%dma_wait3A_268, %dma_wait3A_269] : memref<10112x128xf32, #tpu.memory_space<vmem_shared>> -> memref<10112x128xf32, #tpu.memory_space<vmem_shared>>
      tpu.wait_indirect_dma semaphore(%arg13 : memref<!tpu.dma_semaphore, #tpu.memory_space<semaphore_mem>>) src(%arg9 : memref<128x128xf32, #tpu.memory_space<vmem>>) dst(%dma_wait3A_270 : memref<10112x128xf32, #tpu.memory_space<vmem_shared>>)
      %dma_start3A_271 = arith.constant 10 : i32
      %dma_start3A_272 = arith.constant 0 : i32
      %dma_start3A_273 = tpu.memref_slice %arg7[%dma_start3A_271, %dma_start3A_272] : memref<32x128xi32, #tpu.memory_space<vmem>> -> memref<1x128xi32, #tpu.memory_space<vmem>>
      %dma_start3A_274 = tpu.memref_squeeze %dma_start3A_273 : memref<1x128xi32, #tpu.memory_space<vmem>> -> memref<128xi32, #tpu.memory_space<vmem>>
      %dma_start3A_275 = arith.constant 0 : i32
      %dma_start3A_276 = arith.constant 0 : i32
      %dma_start3A_277 = tpu.memref_slice %arg2[%dma_start3A_275, %dma_start3A_276] : memref<20016x128xf32, #tpu.memory_space<hbm>> -> memref<20016x128xf32, #tpu.memory_space<hbm>>
      tpu.enqueue_indirect_dma source(%dma_start3A_277 : memref<20016x128xf32, #tpu.memory_space<hbm>>) target(%arg9 : memref<128x128xf32, #tpu.memory_space<vmem>>) offsets(%dma_start3A_274 : memref<128xi32, #tpu.memory_space<vmem>>) semaphore(%arg11 : memref<!tpu.dma_semaphore, #tpu.memory_space<semaphore_mem>>)
      %dma_wait3A_278 = arith.constant 9 : i32
      %dma_wait3A_279 = arith.constant 0 : i32
      %dma_wait3A_280 = tpu.memref_slice %arg7[%dma_wait3A_278, %dma_wait3A_279] : memref<32x128xi32, #tpu.memory_space<vmem>> -> memref<1x128xi32, #tpu.memory_space<vmem>>
      %dma_wait3A_281 = tpu.memref_squeeze %dma_wait3A_280 : memref<1x128xi32, #tpu.memory_space<vmem>> -> memref<128xi32, #tpu.memory_space<vmem>>
      %dma_wait3A_282 = arith.constant 0 : i32
      %dma_wait3A_283 = arith.constant 0 : i32
      %dma_wait3A_284 = tpu.memref_slice %arg2[%dma_wait3A_282, %dma_wait3A_283] : memref<20016x128xf32, #tpu.memory_space<hbm>> -> memref<20016x128xf32, #tpu.memory_space<hbm>>
      tpu.wait_indirect_dma semaphore(%arg12 : memref<!tpu.dma_semaphore, #tpu.memory_space<semaphore_mem>>) src(%dma_wait3A_284 : memref<20016x128xf32, #tpu.memory_space<hbm>>) dst(%arg10 : memref<128x128xf32, #tpu.memory_space<vmem>>)
      %dma_start3A_285 = arith.constant 9 : i32
      %dma_start3A_286 = arith.constant 0 : i32
      %dma_start3A_287 = tpu.memref_slice %arg8[%dma_start3A_285, %dma_start3A_286] : memref<32x128xi32, #tpu.memory_space<vmem>> -> memref<1x128xi32, #tpu.memory_space<vmem>>
      %dma_start3A_288 = tpu.memref_squeeze %dma_start3A_287 : memref<1x128xi32, #tpu.memory_space<vmem>> -> memref<128xi32, #tpu.memory_space<vmem>>
      %dma_start3A_289 = arith.constant 0 : i32
      %dma_start3A_290 = arith.constant 0 : i32
      %dma_start3A_291 = tpu.memref_slice %arg15[%dma_start3A_289, %dma_start3A_290] : memref<10112x128xf32, #tpu.memory_space<vmem_shared>> -> memref<10112x128xf32, #tpu.memory_space<vmem_shared>>
      tpu.enqueue_indirect_dma source(%arg10 : memref<128x128xf32, #tpu.memory_space<vmem>>) target(%dma_start3A_291 : memref<10112x128xf32, #tpu.memory_space<vmem_shared>>) offsets(%dma_start3A_288 : memref<128xi32, #tpu.memory_space<vmem>>) semaphore(%arg14 : memref<!tpu.dma_semaphore, #tpu.memory_space<semaphore_mem>>) {add = true}
      %dma_wait3A_292 = arith.constant 9 : i32
      %dma_wait3A_293 = arith.constant 0 : i32
      %dma_wait3A_294 = tpu.memref_slice %arg8[%dma_wait3A_292, %dma_wait3A_293] : memref<32x128xi32, #tpu.memory_space<vmem>> -> memref<1x128xi32, #tpu.memory_space<vmem>>
      %dma_wait3A_295 = tpu.memref_squeeze %dma_wait3A_294 : memref<1x128xi32, #tpu.memory_space<vmem>> -> memref<128xi32, #tpu.memory_space<vmem>>
      %dma_wait3A_296 = arith.constant 0 : i32
      %dma_wait3A_297 = arith.constant 0 : i32
      %dma_wait3A_298 = tpu.memref_slice %arg15[%dma_wait3A_296, %dma_wait3A_297] : memref<10112x128xf32, #tpu.memory_space<vmem_shared>> -> memref<10112x128xf32, #tpu.memory_space<vmem_shared>>
      tpu.wait_indirect_dma semaphore(%arg14 : memref<!tpu.dma_semaphore, #tpu.memory_space<semaphore_mem>>) src(%arg10 : memref<128x128xf32, #tpu.memory_space<vmem>>) dst(%dma_wait3A_298 : memref<10112x128xf32, #tpu.memory_space<vmem_shared>>)
      %dma_start3A_299 = arith.constant 11 : i32
      %dma_start3A_300 = arith.constant 0 : i32
      %dma_start3A_301 = tpu.memref_slice %arg7[%dma_start3A_299, %dma_start3A_300] : memref<32x128xi32, #tpu.memory_space<vmem>> -> memref<1x128xi32, #tpu.memory_space<vmem>>
      %dma_start3A_302 = tpu.memref_squeeze %dma_start3A_301 : memref<1x128xi32, #tpu.memory_space<vmem>> -> memref<128xi32, #tpu.memory_space<vmem>>
      %dma_start3A_303 = arith.constant 0 : i32
      %dma_start3A_304 = arith.constant 0 : i32
      %dma_start3A_305 = tpu.memref_slice %arg2[%dma_start3A_303, %dma_start3A_304] : memref<20016x128xf32, #tpu.memory_space<hbm>> -> memref<20016x128xf32, #tpu.memory_space<hbm>>
      tpu.enqueue_indirect_dma source(%dma_start3A_305 : memref<20016x128xf32, #tpu.memory_space<hbm>>) target(%arg10 : memref<128x128xf32, #tpu.memory_space<vmem>>) offsets(%dma_start3A_302 : memref<128xi32, #tpu.memory_space<vmem>>) semaphore(%arg12 : memref<!tpu.dma_semaphore, #tpu.memory_space<semaphore_mem>>)
      %dma_wait3A_306 = arith.constant 10 : i32
      %dma_wait3A_307 = arith.constant 0 : i32
      %dma_wait3A_308 = tpu.memref_slice %arg7[%dma_wait3A_306, %dma_wait3A_307] : memref<32x128xi32, #tpu.memory_space<vmem>> -> memref<1x128xi32, #tpu.memory_space<vmem>>
      %dma_wait3A_309 = tpu.memref_squeeze %dma_wait3A_308 : memref<1x128xi32, #tpu.memory_space<vmem>> -> memref<128xi32, #tpu.memory_space<vmem>>
      %dma_wait3A_310 = arith.constant 0 : i32
      %dma_wait3A_311 = arith.constant 0 : i32
      %dma_wait3A_312 = tpu.memref_slice %arg2[%dma_wait3A_310, %dma_wait3A_311] : memref<20016x128xf32, #tpu.memory_space<hbm>> -> memref<20016x128xf32, #tpu.memory_space<hbm>>
      tpu.wait_indirect_dma semaphore(%arg11 : memref<!tpu.dma_semaphore, #tpu.memory_space<semaphore_mem>>) src(%dma_wait3A_312 : memref<20016x128xf32, #tpu.memory_space<hbm>>) dst(%arg9 : memref<128x128xf32, #tpu.memory_space<vmem>>)
      %dma_start3A_313 = arith.constant 10 : i32
      %dma_start3A_314 = arith.constant 0 : i32
      %dma_start3A_315 = tpu.memref_slice %arg8[%dma_start3A_313, %dma_start3A_314] : memref<32x128xi32, #tpu.memory_space<vmem>> -> memref<1x128xi32, #tpu.memory_space<vmem>>
      %dma_start3A_316 = tpu.memref_squeeze %dma_start3A_315 : memref<1x128xi32, #tpu.memory_space<vmem>> -> memref<128xi32, #tpu.memory_space<vmem>>
      %dma_start3A_317 = arith.constant 0 : i32
      %dma_start3A_318 = arith.constant 0 : i32
      %dma_start3A_319 = tpu.memref_slice %arg15[%dma_start3A_317, %dma_start3A_318] : memref<10112x128xf32, #tpu.memory_space<vmem_shared>> -> memref<10112x128xf32, #tpu.memory_space<vmem_shared>>
      tpu.enqueue_indirect_dma source(%arg9 : memref<128x128xf32, #tpu.memory_space<vmem>>) target(%dma_start3A_319 : memref<10112x128xf32, #tpu.memory_space<vmem_shared>>) offsets(%dma_start3A_316 : memref<128xi32, #tpu.memory_space<vmem>>) semaphore(%arg13 : memref<!tpu.dma_semaphore, #tpu.memory_space<semaphore_mem>>) {add = true}
      %dma_wait3A_320 = arith.constant 10 : i32
      %dma_wait3A_321 = arith.constant 0 : i32
      %dma_wait3A_322 = tpu.memref_slice %arg8[%dma_wait3A_320, %dma_wait3A_321] : memref<32x128xi32, #tpu.memory_space<vmem>> -> memref<1x128xi32, #tpu.memory_space<vmem>>
      %dma_wait3A_323 = tpu.memref_squeeze %dma_wait3A_322 : memref<1x128xi32, #tpu.memory_space<vmem>> -> memref<128xi32, #tpu.memory_space<vmem>>
      %dma_wait3A_324 = arith.constant 0 : i32
      %dma_wait3A_325 = arith.constant 0 : i32
      %dma_wait3A_326 = tpu.memref_slice %arg15[%dma_wait3A_324, %dma_wait3A_325] : memref<10112x128xf32, #tpu.memory_space<vmem_shared>> -> memref<10112x128xf32, #tpu.memory_space<vmem_shared>>
      tpu.wait_indirect_dma semaphore(%arg13 : memref<!tpu.dma_semaphore, #tpu.memory_space<semaphore_mem>>) src(%arg9 : memref<128x128xf32, #tpu.memory_space<vmem>>) dst(%dma_wait3A_326 : memref<10112x128xf32, #tpu.memory_space<vmem_shared>>)
      %dma_start3A_327 = arith.constant 12 : i32
      %dma_start3A_328 = arith.constant 0 : i32
      %dma_start3A_329 = tpu.memref_slice %arg7[%dma_start3A_327, %dma_start3A_328] : memref<32x128xi32, #tpu.memory_space<vmem>> -> memref<1x128xi32, #tpu.memory_space<vmem>>
      %dma_start3A_330 = tpu.memref_squeeze %dma_start3A_329 : memref<1x128xi32, #tpu.memory_space<vmem>> -> memref<128xi32, #tpu.memory_space<vmem>>
      %dma_start3A_331 = arith.constant 0 : i32
      %dma_start3A_332 = arith.constant 0 : i32
      %dma_start3A_333 = tpu.memref_slice %arg2[%dma_start3A_331, %dma_start3A_332] : memref<20016x128xf32, #tpu.memory_space<hbm>> -> memref<20016x128xf32, #tpu.memory_space<hbm>>
      tpu.enqueue_indirect_dma source(%dma_start3A_333 : memref<20016x128xf32, #tpu.memory_space<hbm>>) target(%arg9 : memref<128x128xf32, #tpu.memory_space<vmem>>) offsets(%dma_start3A_330 : memref<128xi32, #tpu.memory_space<vmem>>) semaphore(%arg11 : memref<!tpu.dma_semaphore, #tpu.memory_space<semaphore_mem>>)
      %dma_wait3A_334 = arith.constant 11 : i32
      %dma_wait3A_335 = arith.constant 0 : i32
      %dma_wait3A_336 = tpu.memref_slice %arg7[%dma_wait3A_334, %dma_wait3A_335] : memref<32x128xi32, #tpu.memory_space<vmem>> -> memref<1x128xi32, #tpu.memory_space<vmem>>
      %dma_wait3A_337 = tpu.memref_squeeze %dma_wait3A_336 : memref<1x128xi32, #tpu.memory_space<vmem>> -> memref<128xi32, #tpu.memory_space<vmem>>
      %dma_wait3A_338 = arith.constant 0 : i32
      %dma_wait3A_339 = arith.constant 0 : i32
      %dma_wait3A_340 = tpu.memref_slice %arg2[%dma_wait3A_338, %dma_wait3A_339] : memref<20016x128xf32, #tpu.memory_space<hbm>> -> memref<20016x128xf32, #tpu.memory_space<hbm>>
      tpu.wait_indirect_dma semaphore(%arg12 : memref<!tpu.dma_semaphore, #tpu.memory_space<semaphore_mem>>) src(%dma_wait3A_340 : memref<20016x128xf32, #tpu.memory_space<hbm>>) dst(%arg10 : memref<128x128xf32, #tpu.memory_space<vmem>>)
      %dma_start3A_341 = arith.constant 11 : i32
      %dma_start3A_342 = arith.constant 0 : i32
      %dma_start3A_343 = tpu.memref_slice %arg8[%dma_start3A_341, %dma_start3A_342] : memref<32x128xi32, #tpu.memory_space<vmem>> -> memref<1x128xi32, #tpu.memory_space<vmem>>
      %dma_start3A_344 = tpu.memref_squeeze %dma_start3A_343 : memref<1x128xi32, #tpu.memory_space<vmem>> -> memref<128xi32, #tpu.memory_space<vmem>>
      %dma_start3A_345 = arith.constant 0 : i32
      %dma_start3A_346 = arith.constant 0 : i32
      %dma_start3A_347 = tpu.memref_slice %arg15[%dma_start3A_345, %dma_start3A_346] : memref<10112x128xf32, #tpu.memory_space<vmem_shared>> -> memref<10112x128xf32, #tpu.memory_space<vmem_shared>>
      tpu.enqueue_indirect_dma source(%arg10 : memref<128x128xf32, #tpu.memory_space<vmem>>) target(%dma_start3A_347 : memref<10112x128xf32, #tpu.memory_space<vmem_shared>>) offsets(%dma_start3A_344 : memref<128xi32, #tpu.memory_space<vmem>>) semaphore(%arg14 : memref<!tpu.dma_semaphore, #tpu.memory_space<semaphore_mem>>) {add = true}
      %dma_wait3A_348 = arith.constant 11 : i32
      %dma_wait3A_349 = arith.constant 0 : i32
      %dma_wait3A_350 = tpu.memref_slice %arg8[%dma_wait3A_348, %dma_wait3A_349] : memref<32x128xi32, #tpu.memory_space<vmem>> -> memref<1x128xi32, #tpu.memory_space<vmem>>
      %dma_wait3A_351 = tpu.memref_squeeze %dma_wait3A_350 : memref<1x128xi32, #tpu.memory_space<vmem>> -> memref<128xi32, #tpu.memory_space<vmem>>
      %dma_wait3A_352 = arith.constant 0 : i32
      %dma_wait3A_353 = arith.constant 0 : i32
      %dma_wait3A_354 = tpu.memref_slice %arg15[%dma_wait3A_352, %dma_wait3A_353] : memref<10112x128xf32, #tpu.memory_space<vmem_shared>> -> memref<10112x128xf32, #tpu.memory_space<vmem_shared>>
      tpu.wait_indirect_dma semaphore(%arg14 : memref<!tpu.dma_semaphore, #tpu.memory_space<semaphore_mem>>) src(%arg10 : memref<128x128xf32, #tpu.memory_space<vmem>>) dst(%dma_wait3A_354 : memref<10112x128xf32, #tpu.memory_space<vmem_shared>>)
      %dma_start3A_355 = arith.constant 13 : i32
      %dma_start3A_356 = arith.constant 0 : i32
      %dma_start3A_357 = tpu.memref_slice %arg7[%dma_start3A_355, %dma_start3A_356] : memref<32x128xi32, #tpu.memory_space<vmem>> -> memref<1x128xi32, #tpu.memory_space<vmem>>
      %dma_start3A_358 = tpu.memref_squeeze %dma_start3A_357 : memref<1x128xi32, #tpu.memory_space<vmem>> -> memref<128xi32, #tpu.memory_space<vmem>>
      %dma_start3A_359 = arith.constant 0 : i32
      %dma_start3A_360 = arith.constant 0 : i32
      %dma_start3A_361 = tpu.memref_slice %arg2[%dma_start3A_359, %dma_start3A_360] : memref<20016x128xf32, #tpu.memory_space<hbm>> -> memref<20016x128xf32, #tpu.memory_space<hbm>>
      tpu.enqueue_indirect_dma source(%dma_start3A_361 : memref<20016x128xf32, #tpu.memory_space<hbm>>) target(%arg10 : memref<128x128xf32, #tpu.memory_space<vmem>>) offsets(%dma_start3A_358 : memref<128xi32, #tpu.memory_space<vmem>>) semaphore(%arg12 : memref<!tpu.dma_semaphore, #tpu.memory_space<semaphore_mem>>)
      %dma_wait3A_362 = arith.constant 12 : i32
      %dma_wait3A_363 = arith.constant 0 : i32
      %dma_wait3A_364 = tpu.memref_slice %arg7[%dma_wait3A_362, %dma_wait3A_363] : memref<32x128xi32, #tpu.memory_space<vmem>> -> memref<1x128xi32, #tpu.memory_space<vmem>>
      %dma_wait3A_365 = tpu.memref_squeeze %dma_wait3A_364 : memref<1x128xi32, #tpu.memory_space<vmem>> -> memref<128xi32, #tpu.memory_space<vmem>>
      %dma_wait3A_366 = arith.constant 0 : i32
      %dma_wait3A_367 = arith.constant 0 : i32
      %dma_wait3A_368 = tpu.memref_slice %arg2[%dma_wait3A_366, %dma_wait3A_367] : memref<20016x128xf32, #tpu.memory_space<hbm>> -> memref<20016x128xf32, #tpu.memory_space<hbm>>
      tpu.wait_indirect_dma semaphore(%arg11 : memref<!tpu.dma_semaphore, #tpu.memory_space<semaphore_mem>>) src(%dma_wait3A_368 : memref<20016x128xf32, #tpu.memory_space<hbm>>) dst(%arg9 : memref<128x128xf32, #tpu.memory_space<vmem>>)
      %dma_start3A_369 = arith.constant 12 : i32
      %dma_start3A_370 = arith.constant 0 : i32
      %dma_start3A_371 = tpu.memref_slice %arg8[%dma_start3A_369, %dma_start3A_370] : memref<32x128xi32, #tpu.memory_space<vmem>> -> memref<1x128xi32, #tpu.memory_space<vmem>>
      %dma_start3A_372 = tpu.memref_squeeze %dma_start3A_371 : memref<1x128xi32, #tpu.memory_space<vmem>> -> memref<128xi32, #tpu.memory_space<vmem>>
      %dma_start3A_373 = arith.constant 0 : i32
      %dma_start3A_374 = arith.constant 0 : i32
      %dma_start3A_375 = tpu.memref_slice %arg15[%dma_start3A_373, %dma_start3A_374] : memref<10112x128xf32, #tpu.memory_space<vmem_shared>> -> memref<10112x128xf32, #tpu.memory_space<vmem_shared>>
      tpu.enqueue_indirect_dma source(%arg9 : memref<128x128xf32, #tpu.memory_space<vmem>>) target(%dma_start3A_375 : memref<10112x128xf32, #tpu.memory_space<vmem_shared>>) offsets(%dma_start3A_372 : memref<128xi32, #tpu.memory_space<vmem>>) semaphore(%arg13 : memref<!tpu.dma_semaphore, #tpu.memory_space<semaphore_mem>>) {add = true}
      %dma_wait3A_376 = arith.constant 12 : i32
      %dma_wait3A_377 = arith.constant 0 : i32
      %dma_wait3A_378 = tpu.memref_slice %arg8[%dma_wait3A_376, %dma_wait3A_377] : memref<32x128xi32, #tpu.memory_space<vmem>> -> memref<1x128xi32, #tpu.memory_space<vmem>>
      %dma_wait3A_379 = tpu.memref_squeeze %dma_wait3A_378 : memref<1x128xi32, #tpu.memory_space<vmem>> -> memref<128xi32, #tpu.memory_space<vmem>>
      %dma_wait3A_380 = arith.constant 0 : i32
      %dma_wait3A_381 = arith.constant 0 : i32
      %dma_wait3A_382 = tpu.memref_slice %arg15[%dma_wait3A_380, %dma_wait3A_381] : memref<10112x128xf32, #tpu.memory_space<vmem_shared>> -> memref<10112x128xf32, #tpu.memory_space<vmem_shared>>
      tpu.wait_indirect_dma semaphore(%arg13 : memref<!tpu.dma_semaphore, #tpu.memory_space<semaphore_mem>>) src(%arg9 : memref<128x128xf32, #tpu.memory_space<vmem>>) dst(%dma_wait3A_382 : memref<10112x128xf32, #tpu.memory_space<vmem_shared>>)
      %dma_start3A_383 = arith.constant 14 : i32
      %dma_start3A_384 = arith.constant 0 : i32
      %dma_start3A_385 = tpu.memref_slice %arg7[%dma_start3A_383, %dma_start3A_384] : memref<32x128xi32, #tpu.memory_space<vmem>> -> memref<1x128xi32, #tpu.memory_space<vmem>>
      %dma_start3A_386 = tpu.memref_squeeze %dma_start3A_385 : memref<1x128xi32, #tpu.memory_space<vmem>> -> memref<128xi32, #tpu.memory_space<vmem>>
      %dma_start3A_387 = arith.constant 0 : i32
      %dma_start3A_388 = arith.constant 0 : i32
      %dma_start3A_389 = tpu.memref_slice %arg2[%dma_start3A_387, %dma_start3A_388] : memref<20016x128xf32, #tpu.memory_space<hbm>> -> memref<20016x128xf32, #tpu.memory_space<hbm>>
      tpu.enqueue_indirect_dma source(%dma_start3A_389 : memref<20016x128xf32, #tpu.memory_space<hbm>>) target(%arg9 : memref<128x128xf32, #tpu.memory_space<vmem>>) offsets(%dma_start3A_386 : memref<128xi32, #tpu.memory_space<vmem>>) semaphore(%arg11 : memref<!tpu.dma_semaphore, #tpu.memory_space<semaphore_mem>>)
      %dma_wait3A_390 = arith.constant 13 : i32
      %dma_wait3A_391 = arith.constant 0 : i32
      %dma_wait3A_392 = tpu.memref_slice %arg7[%dma_wait3A_390, %dma_wait3A_391] : memref<32x128xi32, #tpu.memory_space<vmem>> -> memref<1x128xi32, #tpu.memory_space<vmem>>
      %dma_wait3A_393 = tpu.memref_squeeze %dma_wait3A_392 : memref<1x128xi32, #tpu.memory_space<vmem>> -> memref<128xi32, #tpu.memory_space<vmem>>
      %dma_wait3A_394 = arith.constant 0 : i32
      %dma_wait3A_395 = arith.constant 0 : i32
      %dma_wait3A_396 = tpu.memref_slice %arg2[%dma_wait3A_394, %dma_wait3A_395] : memref<20016x128xf32, #tpu.memory_space<hbm>> -> memref<20016x128xf32, #tpu.memory_space<hbm>>
      tpu.wait_indirect_dma semaphore(%arg12 : memref<!tpu.dma_semaphore, #tpu.memory_space<semaphore_mem>>) src(%dma_wait3A_396 : memref<20016x128xf32, #tpu.memory_space<hbm>>) dst(%arg10 : memref<128x128xf32, #tpu.memory_space<vmem>>)
      %dma_start3A_397 = arith.constant 13 : i32
      %dma_start3A_398 = arith.constant 0 : i32
      %dma_start3A_399 = tpu.memref_slice %arg8[%dma_start3A_397, %dma_start3A_398] : memref<32x128xi32, #tpu.memory_space<vmem>> -> memref<1x128xi32, #tpu.memory_space<vmem>>
      %dma_start3A_400 = tpu.memref_squeeze %dma_start3A_399 : memref<1x128xi32, #tpu.memory_space<vmem>> -> memref<128xi32, #tpu.memory_space<vmem>>
      %dma_start3A_401 = arith.constant 0 : i32
      %dma_start3A_402 = arith.constant 0 : i32
      %dma_start3A_403 = tpu.memref_slice %arg15[%dma_start3A_401, %dma_start3A_402] : memref<10112x128xf32, #tpu.memory_space<vmem_shared>> -> memref<10112x128xf32, #tpu.memory_space<vmem_shared>>
      tpu.enqueue_indirect_dma source(%arg10 : memref<128x128xf32, #tpu.memory_space<vmem>>) target(%dma_start3A_403 : memref<10112x128xf32, #tpu.memory_space<vmem_shared>>) offsets(%dma_start3A_400 : memref<128xi32, #tpu.memory_space<vmem>>) semaphore(%arg14 : memref<!tpu.dma_semaphore, #tpu.memory_space<semaphore_mem>>) {add = true}
      %dma_wait3A_404 = arith.constant 13 : i32
      %dma_wait3A_405 = arith.constant 0 : i32
      %dma_wait3A_406 = tpu.memref_slice %arg8[%dma_wait3A_404, %dma_wait3A_405] : memref<32x128xi32, #tpu.memory_space<vmem>> -> memref<1x128xi32, #tpu.memory_space<vmem>>
      %dma_wait3A_407 = tpu.memref_squeeze %dma_wait3A_406 : memref<1x128xi32, #tpu.memory_space<vmem>> -> memref<128xi32, #tpu.memory_space<vmem>>
      %dma_wait3A_408 = arith.constant 0 : i32
      %dma_wait3A_409 = arith.constant 0 : i32
      %dma_wait3A_410 = tpu.memref_slice %arg15[%dma_wait3A_408, %dma_wait3A_409] : memref<10112x128xf32, #tpu.memory_space<vmem_shared>> -> memref<10112x128xf32, #tpu.memory_space<vmem_shared>>
      tpu.wait_indirect_dma semaphore(%arg14 : memref<!tpu.dma_semaphore, #tpu.memory_space<semaphore_mem>>) src(%arg10 : memref<128x128xf32, #tpu.memory_space<vmem>>) dst(%dma_wait3A_410 : memref<10112x128xf32, #tpu.memory_space<vmem_shared>>)
      %dma_start3A_411 = arith.constant 15 : i32
      %dma_start3A_412 = arith.constant 0 : i32
      %dma_start3A_413 = tpu.memref_slice %arg7[%dma_start3A_411, %dma_start3A_412] : memref<32x128xi32, #tpu.memory_space<vmem>> -> memref<1x128xi32, #tpu.memory_space<vmem>>
      %dma_start3A_414 = tpu.memref_squeeze %dma_start3A_413 : memref<1x128xi32, #tpu.memory_space<vmem>> -> memref<128xi32, #tpu.memory_space<vmem>>
      %dma_start3A_415 = arith.constant 0 : i32
      %dma_start3A_416 = arith.constant 0 : i32
      %dma_start3A_417 = tpu.memref_slice %arg2[%dma_start3A_415, %dma_start3A_416] : memref<20016x128xf32, #tpu.memory_space<hbm>> -> memref<20016x128xf32, #tpu.memory_space<hbm>>
      tpu.enqueue_indirect_dma source(%dma_start3A_417 : memref<20016x128xf32, #tpu.memory_space<hbm>>) target(%arg10 : memref<128x128xf32, #tpu.memory_space<vmem>>) offsets(%dma_start3A_414 : memref<128xi32, #tpu.memory_space<vmem>>) semaphore(%arg12 : memref<!tpu.dma_semaphore, #tpu.memory_space<semaphore_mem>>)
      %dma_wait3A_418 = arith.constant 14 : i32
      %dma_wait3A_419 = arith.constant 0 : i32
      %dma_wait3A_420 = tpu.memref_slice %arg7[%dma_wait3A_418, %dma_wait3A_419] : memref<32x128xi32, #tpu.memory_space<vmem>> -> memref<1x128xi32, #tpu.memory_space<vmem>>
      %dma_wait3A_421 = tpu.memref_squeeze %dma_wait3A_420 : memref<1x128xi32, #tpu.memory_space<vmem>> -> memref<128xi32, #tpu.memory_space<vmem>>
      %dma_wait3A_422 = arith.constant 0 : i32
      %dma_wait3A_423 = arith.constant 0 : i32
      %dma_wait3A_424 = tpu.memref_slice %arg2[%dma_wait3A_422, %dma_wait3A_423] : memref<20016x128xf32, #tpu.memory_space<hbm>> -> memref<20016x128xf32, #tpu.memory_space<hbm>>
      tpu.wait_indirect_dma semaphore(%arg11 : memref<!tpu.dma_semaphore, #tpu.memory_space<semaphore_mem>>) src(%dma_wait3A_424 : memref<20016x128xf32, #tpu.memory_space<hbm>>) dst(%arg9 : memref<128x128xf32, #tpu.memory_space<vmem>>)
      %dma_start3A_425 = arith.constant 14 : i32
      %dma_start3A_426 = arith.constant 0 : i32
      %dma_start3A_427 = tpu.memref_slice %arg8[%dma_start3A_425, %dma_start3A_426] : memref<32x128xi32, #tpu.memory_space<vmem>> -> memref<1x128xi32, #tpu.memory_space<vmem>>
      %dma_start3A_428 = tpu.memref_squeeze %dma_start3A_427 : memref<1x128xi32, #tpu.memory_space<vmem>> -> memref<128xi32, #tpu.memory_space<vmem>>
      %dma_start3A_429 = arith.constant 0 : i32
      %dma_start3A_430 = arith.constant 0 : i32
      %dma_start3A_431 = tpu.memref_slice %arg15[%dma_start3A_429, %dma_start3A_430] : memref<10112x128xf32, #tpu.memory_space<vmem_shared>> -> memref<10112x128xf32, #tpu.memory_space<vmem_shared>>
      tpu.enqueue_indirect_dma source(%arg9 : memref<128x128xf32, #tpu.memory_space<vmem>>) target(%dma_start3A_431 : memref<10112x128xf32, #tpu.memory_space<vmem_shared>>) offsets(%dma_start3A_428 : memref<128xi32, #tpu.memory_space<vmem>>) semaphore(%arg13 : memref<!tpu.dma_semaphore, #tpu.memory_space<semaphore_mem>>) {add = true}
      %dma_wait3A_432 = arith.constant 14 : i32
      %dma_wait3A_433 = arith.constant 0 : i32
      %dma_wait3A_434 = tpu.memref_slice %arg8[%dma_wait3A_432, %dma_wait3A_433] : memref<32x128xi32, #tpu.memory_space<vmem>> -> memref<1x128xi32, #tpu.memory_space<vmem>>
      %dma_wait3A_435 = tpu.memref_squeeze %dma_wait3A_434 : memref<1x128xi32, #tpu.memory_space<vmem>> -> memref<128xi32, #tpu.memory_space<vmem>>
      %dma_wait3A_436 = arith.constant 0 : i32
      %dma_wait3A_437 = arith.constant 0 : i32
      %dma_wait3A_438 = tpu.memref_slice %arg15[%dma_wait3A_436, %dma_wait3A_437] : memref<10112x128xf32, #tpu.memory_space<vmem_shared>> -> memref<10112x128xf32, #tpu.memory_space<vmem_shared>>
      tpu.wait_indirect_dma semaphore(%arg13 : memref<!tpu.dma_semaphore, #tpu.memory_space<semaphore_mem>>) src(%arg9 : memref<128x128xf32, #tpu.memory_space<vmem>>) dst(%dma_wait3A_438 : memref<10112x128xf32, #tpu.memory_space<vmem_shared>>)
      %dma_start3A_439 = arith.constant 16 : i32
      %dma_start3A_440 = arith.constant 0 : i32
      %dma_start3A_441 = tpu.memref_slice %arg7[%dma_start3A_439, %dma_start3A_440] : memref<32x128xi32, #tpu.memory_space<vmem>> -> memref<1x128xi32, #tpu.memory_space<vmem>>
      %dma_start3A_442 = tpu.memref_squeeze %dma_start3A_441 : memref<1x128xi32, #tpu.memory_space<vmem>> -> memref<128xi32, #tpu.memory_space<vmem>>
      %dma_start3A_443 = arith.constant 0 : i32
      %dma_start3A_444 = arith.constant 0 : i32
      %dma_start3A_445 = tpu.memref_slice %arg2[%dma_start3A_443, %dma_start3A_444] : memref<20016x128xf32, #tpu.memory_space<hbm>> -> memref<20016x128xf32, #tpu.memory_space<hbm>>
      tpu.enqueue_indirect_dma source(%dma_start3A_445 : memref<20016x128xf32, #tpu.memory_space<hbm>>) target(%arg9 : memref<128x128xf32, #tpu.memory_space<vmem>>) offsets(%dma_start3A_442 : memref<128xi32, #tpu.memory_space<vmem>>) semaphore(%arg11 : memref<!tpu.dma_semaphore, #tpu.memory_space<semaphore_mem>>)
      %dma_wait3A_446 = arith.constant 15 : i32
      %dma_wait3A_447 = arith.constant 0 : i32
      %dma_wait3A_448 = tpu.memref_slice %arg7[%dma_wait3A_446, %dma_wait3A_447] : memref<32x128xi32, #tpu.memory_space<vmem>> -> memref<1x128xi32, #tpu.memory_space<vmem>>
      %dma_wait3A_449 = tpu.memref_squeeze %dma_wait3A_448 : memref<1x128xi32, #tpu.memory_space<vmem>> -> memref<128xi32, #tpu.memory_space<vmem>>
      %dma_wait3A_450 = arith.constant 0 : i32
      %dma_wait3A_451 = arith.constant 0 : i32
      %dma_wait3A_452 = tpu.memref_slice %arg2[%dma_wait3A_450, %dma_wait3A_451] : memref<20016x128xf32, #tpu.memory_space<hbm>> -> memref<20016x128xf32, #tpu.memory_space<hbm>>
      tpu.wait_indirect_dma semaphore(%arg12 : memref<!tpu.dma_semaphore, #tpu.memory_space<semaphore_mem>>) src(%dma_wait3A_452 : memref<20016x128xf32, #tpu.memory_space<hbm>>) dst(%arg10 : memref<128x128xf32, #tpu.memory_space<vmem>>)
      %dma_start3A_453 = arith.constant 15 : i32
      %dma_start3A_454 = arith.constant 0 : i32
      %dma_start3A_455 = tpu.memref_slice %arg8[%dma_start3A_453, %dma_start3A_454] : memref<32x128xi32, #tpu.memory_space<vmem>> -> memref<1x128xi32, #tpu.memory_space<vmem>>
      %dma_start3A_456 = tpu.memref_squeeze %dma_start3A_455 : memref<1x128xi32, #tpu.memory_space<vmem>> -> memref<128xi32, #tpu.memory_space<vmem>>
      %dma_start3A_457 = arith.constant 0 : i32
      %dma_start3A_458 = arith.constant 0 : i32
      %dma_start3A_459 = tpu.memref_slice %arg15[%dma_start3A_457, %dma_start3A_458] : memref<10112x128xf32, #tpu.memory_space<vmem_shared>> -> memref<10112x128xf32, #tpu.memory_space<vmem_shared>>
      tpu.enqueue_indirect_dma source(%arg10 : memref<128x128xf32, #tpu.memory_space<vmem>>) target(%dma_start3A_459 : memref<10112x128xf32, #tpu.memory_space<vmem_shared>>) offsets(%dma_start3A_456 : memref<128xi32, #tpu.memory_space<vmem>>) semaphore(%arg14 : memref<!tpu.dma_semaphore, #tpu.memory_space<semaphore_mem>>) {add = true}
      %dma_wait3A_460 = arith.constant 15 : i32
      %dma_wait3A_461 = arith.constant 0 : i32
      %dma_wait3A_462 = tpu.memref_slice %arg8[%dma_wait3A_460, %dma_wait3A_461] : memref<32x128xi32, #tpu.memory_space<vmem>> -> memref<1x128xi32, #tpu.memory_space<vmem>>
      %dma_wait3A_463 = tpu.memref_squeeze %dma_wait3A_462 : memref<1x128xi32, #tpu.memory_space<vmem>> -> memref<128xi32, #tpu.memory_space<vmem>>
      %dma_wait3A_464 = arith.constant 0 : i32
      %dma_wait3A_465 = arith.constant 0 : i32
      %dma_wait3A_466 = tpu.memref_slice %arg15[%dma_wait3A_464, %dma_wait3A_465] : memref<10112x128xf32, #tpu.memory_space<vmem_shared>> -> memref<10112x128xf32, #tpu.memory_space<vmem_shared>>
      tpu.wait_indirect_dma semaphore(%arg14 : memref<!tpu.dma_semaphore, #tpu.memory_space<semaphore_mem>>) src(%arg10 : memref<128x128xf32, #tpu.memory_space<vmem>>) dst(%dma_wait3A_466 : memref<10112x128xf32, #tpu.memory_space<vmem_shared>>)
      %dma_start3A_467 = arith.constant 17 : i32
      %dma_start3A_468 = arith.constant 0 : i32
      %dma_start3A_469 = tpu.memref_slice %arg7[%dma_start3A_467, %dma_start3A_468] : memref<32x128xi32, #tpu.memory_space<vmem>> -> memref<1x128xi32, #tpu.memory_space<vmem>>
      %dma_start3A_470 = tpu.memref_squeeze %dma_start3A_469 : memref<1x128xi32, #tpu.memory_space<vmem>> -> memref<128xi32, #tpu.memory_space<vmem>>
      %dma_start3A_471 = arith.constant 0 : i32
      %dma_start3A_472 = arith.constant 0 : i32
      %dma_start3A_473 = tpu.memref_slice %arg2[%dma_start3A_471, %dma_start3A_472] : memref<20016x128xf32, #tpu.memory_space<hbm>> -> memref<20016x128xf32, #tpu.memory_space<hbm>>
      tpu.enqueue_indirect_dma source(%dma_start3A_473 : memref<20016x128xf32, #tpu.memory_space<hbm>>) target(%arg10 : memref<128x128xf32, #tpu.memory_space<vmem>>) offsets(%dma_start3A_470 : memref<128xi32, #tpu.memory_space<vmem>>) semaphore(%arg12 : memref<!tpu.dma_semaphore, #tpu.memory_space<semaphore_mem>>)
      %dma_wait3A_474 = arith.constant 16 : i32
      %dma_wait3A_475 = arith.constant 0 : i32
      %dma_wait3A_476 = tpu.memref_slice %arg7[%dma_wait3A_474, %dma_wait3A_475] : memref<32x128xi32, #tpu.memory_space<vmem>> -> memref<1x128xi32, #tpu.memory_space<vmem>>
      %dma_wait3A_477 = tpu.memref_squeeze %dma_wait3A_476 : memref<1x128xi32, #tpu.memory_space<vmem>> -> memref<128xi32, #tpu.memory_space<vmem>>
      %dma_wait3A_478 = arith.constant 0 : i32
      %dma_wait3A_479 = arith.constant 0 : i32
      %dma_wait3A_480 = tpu.memref_slice %arg2[%dma_wait3A_478, %dma_wait3A_479] : memref<20016x128xf32, #tpu.memory_space<hbm>> -> memref<20016x128xf32, #tpu.memory_space<hbm>>
      tpu.wait_indirect_dma semaphore(%arg11 : memref<!tpu.dma_semaphore, #tpu.memory_space<semaphore_mem>>) src(%dma_wait3A_480 : memref<20016x128xf32, #tpu.memory_space<hbm>>) dst(%arg9 : memref<128x128xf32, #tpu.memory_space<vmem>>)
      %dma_start3A_481 = arith.constant 16 : i32
      %dma_start3A_482 = arith.constant 0 : i32
      %dma_start3A_483 = tpu.memref_slice %arg8[%dma_start3A_481, %dma_start3A_482] : memref<32x128xi32, #tpu.memory_space<vmem>> -> memref<1x128xi32, #tpu.memory_space<vmem>>
      %dma_start3A_484 = tpu.memref_squeeze %dma_start3A_483 : memref<1x128xi32, #tpu.memory_space<vmem>> -> memref<128xi32, #tpu.memory_space<vmem>>
      %dma_start3A_485 = arith.constant 0 : i32
      %dma_start3A_486 = arith.constant 0 : i32
      %dma_start3A_487 = tpu.memref_slice %arg15[%dma_start3A_485, %dma_start3A_486] : memref<10112x128xf32, #tpu.memory_space<vmem_shared>> -> memref<10112x128xf32, #tpu.memory_space<vmem_shared>>
      tpu.enqueue_indirect_dma source(%arg9 : memref<128x128xf32, #tpu.memory_space<vmem>>) target(%dma_start3A_487 : memref<10112x128xf32, #tpu.memory_space<vmem_shared>>) offsets(%dma_start3A_484 : memref<128xi32, #tpu.memory_space<vmem>>) semaphore(%arg13 : memref<!tpu.dma_semaphore, #tpu.memory_space<semaphore_mem>>) {add = true}
      %dma_wait3A_488 = arith.constant 16 : i32
      %dma_wait3A_489 = arith.constant 0 : i32
      %dma_wait3A_490 = tpu.memref_slice %arg8[%dma_wait3A_488, %dma_wait3A_489] : memref<32x128xi32, #tpu.memory_space<vmem>> -> memref<1x128xi32, #tpu.memory_space<vmem>>
      %dma_wait3A_491 = tpu.memref_squeeze %dma_wait3A_490 : memref<1x128xi32, #tpu.memory_space<vmem>> -> memref<128xi32, #tpu.memory_space<vmem>>
      %dma_wait3A_492 = arith.constant 0 : i32
      %dma_wait3A_493 = arith.constant 0 : i32
      %dma_wait3A_494 = tpu.memref_slice %arg15[%dma_wait3A_492, %dma_wait3A_493] : memref<10112x128xf32, #tpu.memory_space<vmem_shared>> -> memref<10112x128xf32, #tpu.memory_space<vmem_shared>>
      tpu.wait_indirect_dma semaphore(%arg13 : memref<!tpu.dma_semaphore, #tpu.memory_space<semaphore_mem>>) src(%arg9 : memref<128x128xf32, #tpu.memory_space<vmem>>) dst(%dma_wait3A_494 : memref<10112x128xf32, #tpu.memory_space<vmem_shared>>)
      %dma_start3A_495 = arith.constant 18 : i32
      %dma_start3A_496 = arith.constant 0 : i32
      %dma_start3A_497 = tpu.memref_slice %arg7[%dma_start3A_495, %dma_start3A_496] : memref<32x128xi32, #tpu.memory_space<vmem>> -> memref<1x128xi32, #tpu.memory_space<vmem>>
      %dma_start3A_498 = tpu.memref_squeeze %dma_start3A_497 : memref<1x128xi32, #tpu.memory_space<vmem>> -> memref<128xi32, #tpu.memory_space<vmem>>
      %dma_start3A_499 = arith.constant 0 : i32
      %dma_start3A_500 = arith.constant 0 : i32
      %dma_start3A_501 = tpu.memref_slice %arg2[%dma_start3A_499, %dma_start3A_500] : memref<20016x128xf32, #tpu.memory_space<hbm>> -> memref<20016x128xf32, #tpu.memory_space<hbm>>
      tpu.enqueue_indirect_dma source(%dma_start3A_501 : memref<20016x128xf32, #tpu.memory_space<hbm>>) target(%arg9 : memref<128x128xf32, #tpu.memory_space<vmem>>) offsets(%dma_start3A_498 : memref<128xi32, #tpu.memory_space<vmem>>) semaphore(%arg11 : memref<!tpu.dma_semaphore, #tpu.memory_space<semaphore_mem>>)
      %dma_wait3A_502 = arith.constant 17 : i32
      %dma_wait3A_503 = arith.constant 0 : i32
      %dma_wait3A_504 = tpu.memref_slice %arg7[%dma_wait3A_502, %dma_wait3A_503] : memref<32x128xi32, #tpu.memory_space<vmem>> -> memref<1x128xi32, #tpu.memory_space<vmem>>
      %dma_wait3A_505 = tpu.memref_squeeze %dma_wait3A_504 : memref<1x128xi32, #tpu.memory_space<vmem>> -> memref<128xi32, #tpu.memory_space<vmem>>
      %dma_wait3A_506 = arith.constant 0 : i32
      %dma_wait3A_507 = arith.constant 0 : i32
      %dma_wait3A_508 = tpu.memref_slice %arg2[%dma_wait3A_506, %dma_wait3A_507] : memref<20016x128xf32, #tpu.memory_space<hbm>> -> memref<20016x128xf32, #tpu.memory_space<hbm>>
      tpu.wait_indirect_dma semaphore(%arg12 : memref<!tpu.dma_semaphore, #tpu.memory_space<semaphore_mem>>) src(%dma_wait3A_508 : memref<20016x128xf32, #tpu.memory_space<hbm>>) dst(%arg10 : memref<128x128xf32, #tpu.memory_space<vmem>>)
      %dma_start3A_509 = arith.constant 17 : i32
      %dma_start3A_510 = arith.constant 0 : i32
      %dma_start3A_511 = tpu.memref_slice %arg8[%dma_start3A_509, %dma_start3A_510] : memref<32x128xi32, #tpu.memory_space<vmem>> -> memref<1x128xi32, #tpu.memory_space<vmem>>
      %dma_start3A_512 = tpu.memref_squeeze %dma_start3A_511 : memref<1x128xi32, #tpu.memory_space<vmem>> -> memref<128xi32, #tpu.memory_space<vmem>>
      %dma_start3A_513 = arith.constant 0 : i32
      %dma_start3A_514 = arith.constant 0 : i32
      %dma_start3A_515 = tpu.memref_slice %arg15[%dma_start3A_513, %dma_start3A_514] : memref<10112x128xf32, #tpu.memory_space<vmem_shared>> -> memref<10112x128xf32, #tpu.memory_space<vmem_shared>>
      tpu.enqueue_indirect_dma source(%arg10 : memref<128x128xf32, #tpu.memory_space<vmem>>) target(%dma_start3A_515 : memref<10112x128xf32, #tpu.memory_space<vmem_shared>>) offsets(%dma_start3A_512 : memref<128xi32, #tpu.memory_space<vmem>>) semaphore(%arg14 : memref<!tpu.dma_semaphore, #tpu.memory_space<semaphore_mem>>) {add = true}
      %dma_wait3A_516 = arith.constant 17 : i32
      %dma_wait3A_517 = arith.constant 0 : i32
      %dma_wait3A_518 = tpu.memref_slice %arg8[%dma_wait3A_516, %dma_wait3A_517] : memref<32x128xi32, #tpu.memory_space<vmem>> -> memref<1x128xi32, #tpu.memory_space<vmem>>
      %dma_wait3A_519 = tpu.memref_squeeze %dma_wait3A_518 : memref<1x128xi32, #tpu.memory_space<vmem>> -> memref<128xi32, #tpu.memory_space<vmem>>
      %dma_wait3A_520 = arith.constant 0 : i32
      %dma_wait3A_521 = arith.constant 0 : i32
      %dma_wait3A_522 = tpu.memref_slice %arg15[%dma_wait3A_520, %dma_wait3A_521] : memref<10112x128xf32, #tpu.memory_space<vmem_shared>> -> memref<10112x128xf32, #tpu.memory_space<vmem_shared>>
      tpu.wait_indirect_dma semaphore(%arg14 : memref<!tpu.dma_semaphore, #tpu.memory_space<semaphore_mem>>) src(%arg10 : memref<128x128xf32, #tpu.memory_space<vmem>>) dst(%dma_wait3A_522 : memref<10112x128xf32, #tpu.memory_space<vmem_shared>>)
      %dma_start3A_523 = arith.constant 19 : i32
      %dma_start3A_524 = arith.constant 0 : i32
      %dma_start3A_525 = tpu.memref_slice %arg7[%dma_start3A_523, %dma_start3A_524] : memref<32x128xi32, #tpu.memory_space<vmem>> -> memref<1x128xi32, #tpu.memory_space<vmem>>
      %dma_start3A_526 = tpu.memref_squeeze %dma_start3A_525 : memref<1x128xi32, #tpu.memory_space<vmem>> -> memref<128xi32, #tpu.memory_space<vmem>>
      %dma_start3A_527 = arith.constant 0 : i32
      %dma_start3A_528 = arith.constant 0 : i32
      %dma_start3A_529 = tpu.memref_slice %arg2[%dma_start3A_527, %dma_start3A_528] : memref<20016x128xf32, #tpu.memory_space<hbm>> -> memref<20016x128xf32, #tpu.memory_space<hbm>>
      tpu.enqueue_indirect_dma source(%dma_start3A_529 : memref<20016x128xf32, #tpu.memory_space<hbm>>) target(%arg10 : memref<128x128xf32, #tpu.memory_space<vmem>>) offsets(%dma_start3A_526 : memref<128xi32, #tpu.memory_space<vmem>>) semaphore(%arg12 : memref<!tpu.dma_semaphore, #tpu.memory_space<semaphore_mem>>)
      %dma_wait3A_530 = arith.constant 18 : i32
      %dma_wait3A_531 = arith.constant 0 : i32
      %dma_wait3A_532 = tpu.memref_slice %arg7[%dma_wait3A_530, %dma_wait3A_531] : memref<32x128xi32, #tpu.memory_space<vmem>> -> memref<1x128xi32, #tpu.memory_space<vmem>>
      %dma_wait3A_533 = tpu.memref_squeeze %dma_wait3A_532 : memref<1x128xi32, #tpu.memory_space<vmem>> -> memref<128xi32, #tpu.memory_space<vmem>>
      %dma_wait3A_534 = arith.constant 0 : i32
      %dma_wait3A_535 = arith.constant 0 : i32
      %dma_wait3A_536 = tpu.memref_slice %arg2[%dma_wait3A_534, %dma_wait3A_535] : memref<20016x128xf32, #tpu.memory_space<hbm>> -> memref<20016x128xf32, #tpu.memory_space<hbm>>
      tpu.wait_indirect_dma semaphore(%arg11 : memref<!tpu.dma_semaphore, #tpu.memory_space<semaphore_mem>>) src(%dma_wait3A_536 : memref<20016x128xf32, #tpu.memory_space<hbm>>) dst(%arg9 : memref<128x128xf32, #tpu.memory_space<vmem>>)
      %dma_start3A_537 = arith.constant 18 : i32
      %dma_start3A_538 = arith.constant 0 : i32
      %dma_start3A_539 = tpu.memref_slice %arg8[%dma_start3A_537, %dma_start3A_538] : memref<32x128xi32, #tpu.memory_space<vmem>> -> memref<1x128xi32, #tpu.memory_space<vmem>>
      %dma_start3A_540 = tpu.memref_squeeze %dma_start3A_539 : memref<1x128xi32, #tpu.memory_space<vmem>> -> memref<128xi32, #tpu.memory_space<vmem>>
      %dma_start3A_541 = arith.constant 0 : i32
      %dma_start3A_542 = arith.constant 0 : i32
      %dma_start3A_543 = tpu.memref_slice %arg15[%dma_start3A_541, %dma_start3A_542] : memref<10112x128xf32, #tpu.memory_space<vmem_shared>> -> memref<10112x128xf32, #tpu.memory_space<vmem_shared>>
      tpu.enqueue_indirect_dma source(%arg9 : memref<128x128xf32, #tpu.memory_space<vmem>>) target(%dma_start3A_543 : memref<10112x128xf32, #tpu.memory_space<vmem_shared>>) offsets(%dma_start3A_540 : memref<128xi32, #tpu.memory_space<vmem>>) semaphore(%arg13 : memref<!tpu.dma_semaphore, #tpu.memory_space<semaphore_mem>>) {add = true}
      %dma_wait3A_544 = arith.constant 18 : i32
      %dma_wait3A_545 = arith.constant 0 : i32
      %dma_wait3A_546 = tpu.memref_slice %arg8[%dma_wait3A_544, %dma_wait3A_545] : memref<32x128xi32, #tpu.memory_space<vmem>> -> memref<1x128xi32, #tpu.memory_space<vmem>>
      %dma_wait3A_547 = tpu.memref_squeeze %dma_wait3A_546 : memref<1x128xi32, #tpu.memory_space<vmem>> -> memref<128xi32, #tpu.memory_space<vmem>>
      %dma_wait3A_548 = arith.constant 0 : i32
      %dma_wait3A_549 = arith.constant 0 : i32
      %dma_wait3A_550 = tpu.memref_slice %arg15[%dma_wait3A_548, %dma_wait3A_549] : memref<10112x128xf32, #tpu.memory_space<vmem_shared>> -> memref<10112x128xf32, #tpu.memory_space<vmem_shared>>
      tpu.wait_indirect_dma semaphore(%arg13 : memref<!tpu.dma_semaphore, #tpu.memory_space<semaphore_mem>>) src(%arg9 : memref<128x128xf32, #tpu.memory_space<vmem>>) dst(%dma_wait3A_550 : memref<10112x128xf32, #tpu.memory_space<vmem_shared>>)
      %dma_start3A_551 = arith.constant 20 : i32
      %dma_start3A_552 = arith.constant 0 : i32
      %dma_start3A_553 = tpu.memref_slice %arg7[%dma_start3A_551, %dma_start3A_552] : memref<32x128xi32, #tpu.memory_space<vmem>> -> memref<1x128xi32, #tpu.memory_space<vmem>>
      %dma_start3A_554 = tpu.memref_squeeze %dma_start3A_553 : memref<1x128xi32, #tpu.memory_space<vmem>> -> memref<128xi32, #tpu.memory_space<vmem>>
      %dma_start3A_555 = arith.constant 0 : i32
      %dma_start3A_556 = arith.constant 0 : i32
      %dma_start3A_557 = tpu.memref_slice %arg2[%dma_start3A_555, %dma_start3A_556] : memref<20016x128xf32, #tpu.memory_space<hbm>> -> memref<20016x128xf32, #tpu.memory_space<hbm>>
      tpu.enqueue_indirect_dma source(%dma_start3A_557 : memref<20016x128xf32, #tpu.memory_space<hbm>>) target(%arg9 : memref<128x128xf32, #tpu.memory_space<vmem>>) offsets(%dma_start3A_554 : memref<128xi32, #tpu.memory_space<vmem>>) semaphore(%arg11 : memref<!tpu.dma_semaphore, #tpu.memory_space<semaphore_mem>>)
      %dma_wait3A_558 = arith.constant 19 : i32
      %dma_wait3A_559 = arith.constant 0 : i32
      %dma_wait3A_560 = tpu.memref_slice %arg7[%dma_wait3A_558, %dma_wait3A_559] : memref<32x128xi32, #tpu.memory_space<vmem>> -> memref<1x128xi32, #tpu.memory_space<vmem>>
      %dma_wait3A_561 = tpu.memref_squeeze %dma_wait3A_560 : memref<1x128xi32, #tpu.memory_space<vmem>> -> memref<128xi32, #tpu.memory_space<vmem>>
      %dma_wait3A_562 = arith.constant 0 : i32
      %dma_wait3A_563 = arith.constant 0 : i32
      %dma_wait3A_564 = tpu.memref_slice %arg2[%dma_wait3A_562, %dma_wait3A_563] : memref<20016x128xf32, #tpu.memory_space<hbm>> -> memref<20016x128xf32, #tpu.memory_space<hbm>>
      tpu.wait_indirect_dma semaphore(%arg12 : memref<!tpu.dma_semaphore, #tpu.memory_space<semaphore_mem>>) src(%dma_wait3A_564 : memref<20016x128xf32, #tpu.memory_space<hbm>>) dst(%arg10 : memref<128x128xf32, #tpu.memory_space<vmem>>)
      %dma_start3A_565 = arith.constant 19 : i32
      %dma_start3A_566 = arith.constant 0 : i32
      %dma_start3A_567 = tpu.memref_slice %arg8[%dma_start3A_565, %dma_start3A_566] : memref<32x128xi32, #tpu.memory_space<vmem>> -> memref<1x128xi32, #tpu.memory_space<vmem>>
      %dma_start3A_568 = tpu.memref_squeeze %dma_start3A_567 : memref<1x128xi32, #tpu.memory_space<vmem>> -> memref<128xi32, #tpu.memory_space<vmem>>
      %dma_start3A_569 = arith.constant 0 : i32
      %dma_start3A_570 = arith.constant 0 : i32
      %dma_start3A_571 = tpu.memref_slice %arg15[%dma_start3A_569, %dma_start3A_570] : memref<10112x128xf32, #tpu.memory_space<vmem_shared>> -> memref<10112x128xf32, #tpu.memory_space<vmem_shared>>
      tpu.enqueue_indirect_dma source(%arg10 : memref<128x128xf32, #tpu.memory_space<vmem>>) target(%dma_start3A_571 : memref<10112x128xf32, #tpu.memory_space<vmem_shared>>) offsets(%dma_start3A_568 : memref<128xi32, #tpu.memory_space<vmem>>) semaphore(%arg14 : memref<!tpu.dma_semaphore, #tpu.memory_space<semaphore_mem>>) {add = true}
      %dma_wait3A_572 = arith.constant 19 : i32
      %dma_wait3A_573 = arith.constant 0 : i32
      %dma_wait3A_574 = tpu.memref_slice %arg8[%dma_wait3A_572, %dma_wait3A_573] : memref<32x128xi32, #tpu.memory_space<vmem>> -> memref<1x128xi32, #tpu.memory_space<vmem>>
      %dma_wait3A_575 = tpu.memref_squeeze %dma_wait3A_574 : memref<1x128xi32, #tpu.memory_space<vmem>> -> memref<128xi32, #tpu.memory_space<vmem>>
      %dma_wait3A_576 = arith.constant 0 : i32
      %dma_wait3A_577 = arith.constant 0 : i32
      %dma_wait3A_578 = tpu.memref_slice %arg15[%dma_wait3A_576, %dma_wait3A_577] : memref<10112x128xf32, #tpu.memory_space<vmem_shared>> -> memref<10112x128xf32, #tpu.memory_space<vmem_shared>>
      tpu.wait_indirect_dma semaphore(%arg14 : memref<!tpu.dma_semaphore, #tpu.memory_space<semaphore_mem>>) src(%arg10 : memref<128x128xf32, #tpu.memory_space<vmem>>) dst(%dma_wait3A_578 : memref<10112x128xf32, #tpu.memory_space<vmem_shared>>)
      %dma_start3A_579 = arith.constant 21 : i32
      %dma_start3A_580 = arith.constant 0 : i32
      %dma_start3A_581 = tpu.memref_slice %arg7[%dma_start3A_579, %dma_start3A_580] : memref<32x128xi32, #tpu.memory_space<vmem>> -> memref<1x128xi32, #tpu.memory_space<vmem>>
      %dma_start3A_582 = tpu.memref_squeeze %dma_start3A_581 : memref<1x128xi32, #tpu.memory_space<vmem>> -> memref<128xi32, #tpu.memory_space<vmem>>
      %dma_start3A_583 = arith.constant 0 : i32
      %dma_start3A_584 = arith.constant 0 : i32
      %dma_start3A_585 = tpu.memref_slice %arg2[%dma_start3A_583, %dma_start3A_584] : memref<20016x128xf32, #tpu.memory_space<hbm>> -> memref<20016x128xf32, #tpu.memory_space<hbm>>
      tpu.enqueue_indirect_dma source(%dma_start3A_585 : memref<20016x128xf32, #tpu.memory_space<hbm>>) target(%arg10 : memref<128x128xf32, #tpu.memory_space<vmem>>) offsets(%dma_start3A_582 : memref<128xi32, #tpu.memory_space<vmem>>) semaphore(%arg12 : memref<!tpu.dma_semaphore, #tpu.memory_space<semaphore_mem>>)
      %dma_wait3A_586 = arith.constant 20 : i32
      %dma_wait3A_587 = arith.constant 0 : i32
      %dma_wait3A_588 = tpu.memref_slice %arg7[%dma_wait3A_586, %dma_wait3A_587] : memref<32x128xi32, #tpu.memory_space<vmem>> -> memref<1x128xi32, #tpu.memory_space<vmem>>
      %dma_wait3A_589 = tpu.memref_squeeze %dma_wait3A_588 : memref<1x128xi32, #tpu.memory_space<vmem>> -> memref<128xi32, #tpu.memory_space<vmem>>
      %dma_wait3A_590 = arith.constant 0 : i32
      %dma_wait3A_591 = arith.constant 0 : i32
      %dma_wait3A_592 = tpu.memref_slice %arg2[%dma_wait3A_590, %dma_wait3A_591] : memref<20016x128xf32, #tpu.memory_space<hbm>> -> memref<20016x128xf32, #tpu.memory_space<hbm>>
      tpu.wait_indirect_dma semaphore(%arg11 : memref<!tpu.dma_semaphore, #tpu.memory_space<semaphore_mem>>) src(%dma_wait3A_592 : memref<20016x128xf32, #tpu.memory_space<hbm>>) dst(%arg9 : memref<128x128xf32, #tpu.memory_space<vmem>>)
      %dma_start3A_593 = arith.constant 20 : i32
      %dma_start3A_594 = arith.constant 0 : i32
      %dma_start3A_595 = tpu.memref_slice %arg8[%dma_start3A_593, %dma_start3A_594] : memref<32x128xi32, #tpu.memory_space<vmem>> -> memref<1x128xi32, #tpu.memory_space<vmem>>
      %dma_start3A_596 = tpu.memref_squeeze %dma_start3A_595 : memref<1x128xi32, #tpu.memory_space<vmem>> -> memref<128xi32, #tpu.memory_space<vmem>>
      %dma_start3A_597 = arith.constant 0 : i32
      %dma_start3A_598 = arith.constant 0 : i32
      %dma_start3A_599 = tpu.memref_slice %arg15[%dma_start3A_597, %dma_start3A_598] : memref<10112x128xf32, #tpu.memory_space<vmem_shared>> -> memref<10112x128xf32, #tpu.memory_space<vmem_shared>>
      tpu.enqueue_indirect_dma source(%arg9 : memref<128x128xf32, #tpu.memory_space<vmem>>) target(%dma_start3A_599 : memref<10112x128xf32, #tpu.memory_space<vmem_shared>>) offsets(%dma_start3A_596 : memref<128xi32, #tpu.memory_space<vmem>>) semaphore(%arg13 : memref<!tpu.dma_semaphore, #tpu.memory_space<semaphore_mem>>) {add = true}
      %dma_wait3A_600 = arith.constant 20 : i32
      %dma_wait3A_601 = arith.constant 0 : i32
      %dma_wait3A_602 = tpu.memref_slice %arg8[%dma_wait3A_600, %dma_wait3A_601] : memref<32x128xi32, #tpu.memory_space<vmem>> -> memref<1x128xi32, #tpu.memory_space<vmem>>
      %dma_wait3A_603 = tpu.memref_squeeze %dma_wait3A_602 : memref<1x128xi32, #tpu.memory_space<vmem>> -> memref<128xi32, #tpu.memory_space<vmem>>
      %dma_wait3A_604 = arith.constant 0 : i32
      %dma_wait3A_605 = arith.constant 0 : i32
      %dma_wait3A_606 = tpu.memref_slice %arg15[%dma_wait3A_604, %dma_wait3A_605] : memref<10112x128xf32, #tpu.memory_space<vmem_shared>> -> memref<10112x128xf32, #tpu.memory_space<vmem_shared>>
      tpu.wait_indirect_dma semaphore(%arg13 : memref<!tpu.dma_semaphore, #tpu.memory_space<semaphore_mem>>) src(%arg9 : memref<128x128xf32, #tpu.memory_space<vmem>>) dst(%dma_wait3A_606 : memref<10112x128xf32, #tpu.memory_space<vmem_shared>>)
      %dma_start3A_607 = arith.constant 22 : i32
      %dma_start3A_608 = arith.constant 0 : i32
      %dma_start3A_609 = tpu.memref_slice %arg7[%dma_start3A_607, %dma_start3A_608] : memref<32x128xi32, #tpu.memory_space<vmem>> -> memref<1x128xi32, #tpu.memory_space<vmem>>
      %dma_start3A_610 = tpu.memref_squeeze %dma_start3A_609 : memref<1x128xi32, #tpu.memory_space<vmem>> -> memref<128xi32, #tpu.memory_space<vmem>>
      %dma_start3A_611 = arith.constant 0 : i32
      %dma_start3A_612 = arith.constant 0 : i32
      %dma_start3A_613 = tpu.memref_slice %arg2[%dma_start3A_611, %dma_start3A_612] : memref<20016x128xf32, #tpu.memory_space<hbm>> -> memref<20016x128xf32, #tpu.memory_space<hbm>>
      tpu.enqueue_indirect_dma source(%dma_start3A_613 : memref<20016x128xf32, #tpu.memory_space<hbm>>) target(%arg9 : memref<128x128xf32, #tpu.memory_space<vmem>>) offsets(%dma_start3A_610 : memref<128xi32, #tpu.memory_space<vmem>>) semaphore(%arg11 : memref<!tpu.dma_semaphore, #tpu.memory_space<semaphore_mem>>)
      %dma_wait3A_614 = arith.constant 21 : i32
      %dma_wait3A_615 = arith.constant 0 : i32
      %dma_wait3A_616 = tpu.memref_slice %arg7[%dma_wait3A_614, %dma_wait3A_615] : memref<32x128xi32, #tpu.memory_space<vmem>> -> memref<1x128xi32, #tpu.memory_space<vmem>>
      %dma_wait3A_617 = tpu.memref_squeeze %dma_wait3A_616 : memref<1x128xi32, #tpu.memory_space<vmem>> -> memref<128xi32, #tpu.memory_space<vmem>>
      %dma_wait3A_618 = arith.constant 0 : i32
      %dma_wait3A_619 = arith.constant 0 : i32
      %dma_wait3A_620 = tpu.memref_slice %arg2[%dma_wait3A_618, %dma_wait3A_619] : memref<20016x128xf32, #tpu.memory_space<hbm>> -> memref<20016x128xf32, #tpu.memory_space<hbm>>
      tpu.wait_indirect_dma semaphore(%arg12 : memref<!tpu.dma_semaphore, #tpu.memory_space<semaphore_mem>>) src(%dma_wait3A_620 : memref<20016x128xf32, #tpu.memory_space<hbm>>) dst(%arg10 : memref<128x128xf32, #tpu.memory_space<vmem>>)
      %dma_start3A_621 = arith.constant 21 : i32
      %dma_start3A_622 = arith.constant 0 : i32
      %dma_start3A_623 = tpu.memref_slice %arg8[%dma_start3A_621, %dma_start3A_622] : memref<32x128xi32, #tpu.memory_space<vmem>> -> memref<1x128xi32, #tpu.memory_space<vmem>>
      %dma_start3A_624 = tpu.memref_squeeze %dma_start3A_623 : memref<1x128xi32, #tpu.memory_space<vmem>> -> memref<128xi32, #tpu.memory_space<vmem>>
      %dma_start3A_625 = arith.constant 0 : i32
      %dma_start3A_626 = arith.constant 0 : i32
      %dma_start3A_627 = tpu.memref_slice %arg15[%dma_start3A_625, %dma_start3A_626] : memref<10112x128xf32, #tpu.memory_space<vmem_shared>> -> memref<10112x128xf32, #tpu.memory_space<vmem_shared>>
      tpu.enqueue_indirect_dma source(%arg10 : memref<128x128xf32, #tpu.memory_space<vmem>>) target(%dma_start3A_627 : memref<10112x128xf32, #tpu.memory_space<vmem_shared>>) offsets(%dma_start3A_624 : memref<128xi32, #tpu.memory_space<vmem>>) semaphore(%arg14 : memref<!tpu.dma_semaphore, #tpu.memory_space<semaphore_mem>>) {add = true}
      %dma_wait3A_628 = arith.constant 21 : i32
      %dma_wait3A_629 = arith.constant 0 : i32
      %dma_wait3A_630 = tpu.memref_slice %arg8[%dma_wait3A_628, %dma_wait3A_629] : memref<32x128xi32, #tpu.memory_space<vmem>> -> memref<1x128xi32, #tpu.memory_space<vmem>>
      %dma_wait3A_631 = tpu.memref_squeeze %dma_wait3A_630 : memref<1x128xi32, #tpu.memory_space<vmem>> -> memref<128xi32, #tpu.memory_space<vmem>>
      %dma_wait3A_632 = arith.constant 0 : i32
      %dma_wait3A_633 = arith.constant 0 : i32
      %dma_wait3A_634 = tpu.memref_slice %arg15[%dma_wait3A_632, %dma_wait3A_633] : memref<10112x128xf32, #tpu.memory_space<vmem_shared>> -> memref<10112x128xf32, #tpu.memory_space<vmem_shared>>
      tpu.wait_indirect_dma semaphore(%arg14 : memref<!tpu.dma_semaphore, #tpu.memory_space<semaphore_mem>>) src(%arg10 : memref<128x128xf32, #tpu.memory_space<vmem>>) dst(%dma_wait3A_634 : memref<10112x128xf32, #tpu.memory_space<vmem_shared>>)
      %dma_start3A_635 = arith.constant 23 : i32
      %dma_start3A_636 = arith.constant 0 : i32
      %dma_start3A_637 = tpu.memref_slice %arg7[%dma_start3A_635, %dma_start3A_636] : memref<32x128xi32, #tpu.memory_space<vmem>> -> memref<1x128xi32, #tpu.memory_space<vmem>>
      %dma_start3A_638 = tpu.memref_squeeze %dma_start3A_637 : memref<1x128xi32, #tpu.memory_space<vmem>> -> memref<128xi32, #tpu.memory_space<vmem>>
      %dma_start3A_639 = arith.constant 0 : i32
      %dma_start3A_640 = arith.constant 0 : i32
      %dma_start3A_641 = tpu.memref_slice %arg2[%dma_start3A_639, %dma_start3A_640] : memref<20016x128xf32, #tpu.memory_space<hbm>> -> memref<20016x128xf32, #tpu.memory_space<hbm>>
      tpu.enqueue_indirect_dma source(%dma_start3A_641 : memref<20016x128xf32, #tpu.memory_space<hbm>>) target(%arg10 : memref<128x128xf32, #tpu.memory_space<vmem>>) offsets(%dma_start3A_638 : memref<128xi32, #tpu.memory_space<vmem>>) semaphore(%arg12 : memref<!tpu.dma_semaphore, #tpu.memory_space<semaphore_mem>>)
      %dma_wait3A_642 = arith.constant 22 : i32
      %dma_wait3A_643 = arith.constant 0 : i32
      %dma_wait3A_644 = tpu.memref_slice %arg7[%dma_wait3A_642, %dma_wait3A_643] : memref<32x128xi32, #tpu.memory_space<vmem>> -> memref<1x128xi32, #tpu.memory_space<vmem>>
      %dma_wait3A_645 = tpu.memref_squeeze %dma_wait3A_644 : memref<1x128xi32, #tpu.memory_space<vmem>> -> memref<128xi32, #tpu.memory_space<vmem>>
      %dma_wait3A_646 = arith.constant 0 : i32
      %dma_wait3A_647 = arith.constant 0 : i32
      %dma_wait3A_648 = tpu.memref_slice %arg2[%dma_wait3A_646, %dma_wait3A_647] : memref<20016x128xf32, #tpu.memory_space<hbm>> -> memref<20016x128xf32, #tpu.memory_space<hbm>>
      tpu.wait_indirect_dma semaphore(%arg11 : memref<!tpu.dma_semaphore, #tpu.memory_space<semaphore_mem>>) src(%dma_wait3A_648 : memref<20016x128xf32, #tpu.memory_space<hbm>>) dst(%arg9 : memref<128x128xf32, #tpu.memory_space<vmem>>)
      %dma_start3A_649 = arith.constant 22 : i32
      %dma_start3A_650 = arith.constant 0 : i32
      %dma_start3A_651 = tpu.memref_slice %arg8[%dma_start3A_649, %dma_start3A_650] : memref<32x128xi32, #tpu.memory_space<vmem>> -> memref<1x128xi32, #tpu.memory_space<vmem>>
      %dma_start3A_652 = tpu.memref_squeeze %dma_start3A_651 : memref<1x128xi32, #tpu.memory_space<vmem>> -> memref<128xi32, #tpu.memory_space<vmem>>
      %dma_start3A_653 = arith.constant 0 : i32
      %dma_start3A_654 = arith.constant 0 : i32
      %dma_start3A_655 = tpu.memref_slice %arg15[%dma_start3A_653, %dma_start3A_654] : memref<10112x128xf32, #tpu.memory_space<vmem_shared>> -> memref<10112x128xf32, #tpu.memory_space<vmem_shared>>
      tpu.enqueue_indirect_dma source(%arg9 : memref<128x128xf32, #tpu.memory_space<vmem>>) target(%dma_start3A_655 : memref<10112x128xf32, #tpu.memory_space<vmem_shared>>) offsets(%dma_start3A_652 : memref<128xi32, #tpu.memory_space<vmem>>) semaphore(%arg13 : memref<!tpu.dma_semaphore, #tpu.memory_space<semaphore_mem>>) {add = true}
      %dma_wait3A_656 = arith.constant 22 : i32
      %dma_wait3A_657 = arith.constant 0 : i32
      %dma_wait3A_658 = tpu.memref_slice %arg8[%dma_wait3A_656, %dma_wait3A_657] : memref<32x128xi32, #tpu.memory_space<vmem>> -> memref<1x128xi32, #tpu.memory_space<vmem>>
      %dma_wait3A_659 = tpu.memref_squeeze %dma_wait3A_658 : memref<1x128xi32, #tpu.memory_space<vmem>> -> memref<128xi32, #tpu.memory_space<vmem>>
      %dma_wait3A_660 = arith.constant 0 : i32
      %dma_wait3A_661 = arith.constant 0 : i32
      %dma_wait3A_662 = tpu.memref_slice %arg15[%dma_wait3A_660, %dma_wait3A_661] : memref<10112x128xf32, #tpu.memory_space<vmem_shared>> -> memref<10112x128xf32, #tpu.memory_space<vmem_shared>>
      tpu.wait_indirect_dma semaphore(%arg13 : memref<!tpu.dma_semaphore, #tpu.memory_space<semaphore_mem>>) src(%arg9 : memref<128x128xf32, #tpu.memory_space<vmem>>) dst(%dma_wait3A_662 : memref<10112x128xf32, #tpu.memory_space<vmem_shared>>)
      %dma_start3A_663 = arith.constant 24 : i32
      %dma_start3A_664 = arith.constant 0 : i32
      %dma_start3A_665 = tpu.memref_slice %arg7[%dma_start3A_663, %dma_start3A_664] : memref<32x128xi32, #tpu.memory_space<vmem>> -> memref<1x128xi32, #tpu.memory_space<vmem>>
      %dma_start3A_666 = tpu.memref_squeeze %dma_start3A_665 : memref<1x128xi32, #tpu.memory_space<vmem>> -> memref<128xi32, #tpu.memory_space<vmem>>
      %dma_start3A_667 = arith.constant 0 : i32
      %dma_start3A_668 = arith.constant 0 : i32
      %dma_start3A_669 = tpu.memref_slice %arg2[%dma_start3A_667, %dma_start3A_668] : memref<20016x128xf32, #tpu.memory_space<hbm>> -> memref<20016x128xf32, #tpu.memory_space<hbm>>
      tpu.enqueue_indirect_dma source(%dma_start3A_669 : memref<20016x128xf32, #tpu.memory_space<hbm>>) target(%arg9 : memref<128x128xf32, #tpu.memory_space<vmem>>) offsets(%dma_start3A_666 : memref<128xi32, #tpu.memory_space<vmem>>) semaphore(%arg11 : memref<!tpu.dma_semaphore, #tpu.memory_space<semaphore_mem>>)
      %dma_wait3A_670 = arith.constant 23 : i32
      %dma_wait3A_671 = arith.constant 0 : i32
      %dma_wait3A_672 = tpu.memref_slice %arg7[%dma_wait3A_670, %dma_wait3A_671] : memref<32x128xi32, #tpu.memory_space<vmem>> -> memref<1x128xi32, #tpu.memory_space<vmem>>
      %dma_wait3A_673 = tpu.memref_squeeze %dma_wait3A_672 : memref<1x128xi32, #tpu.memory_space<vmem>> -> memref<128xi32, #tpu.memory_space<vmem>>
      %dma_wait3A_674 = arith.constant 0 : i32
      %dma_wait3A_675 = arith.constant 0 : i32
      %dma_wait3A_676 = tpu.memref_slice %arg2[%dma_wait3A_674, %dma_wait3A_675] : memref<20016x128xf32, #tpu.memory_space<hbm>> -> memref<20016x128xf32, #tpu.memory_space<hbm>>
      tpu.wait_indirect_dma semaphore(%arg12 : memref<!tpu.dma_semaphore, #tpu.memory_space<semaphore_mem>>) src(%dma_wait3A_676 : memref<20016x128xf32, #tpu.memory_space<hbm>>) dst(%arg10 : memref<128x128xf32, #tpu.memory_space<vmem>>)
      %dma_start3A_677 = arith.constant 23 : i32
      %dma_start3A_678 = arith.constant 0 : i32
      %dma_start3A_679 = tpu.memref_slice %arg8[%dma_start3A_677, %dma_start3A_678] : memref<32x128xi32, #tpu.memory_space<vmem>> -> memref<1x128xi32, #tpu.memory_space<vmem>>
      %dma_start3A_680 = tpu.memref_squeeze %dma_start3A_679 : memref<1x128xi32, #tpu.memory_space<vmem>> -> memref<128xi32, #tpu.memory_space<vmem>>
      %dma_start3A_681 = arith.constant 0 : i32
      %dma_start3A_682 = arith.constant 0 : i32
      %dma_start3A_683 = tpu.memref_slice %arg15[%dma_start3A_681, %dma_start3A_682] : memref<10112x128xf32, #tpu.memory_space<vmem_shared>> -> memref<10112x128xf32, #tpu.memory_space<vmem_shared>>
      tpu.enqueue_indirect_dma source(%arg10 : memref<128x128xf32, #tpu.memory_space<vmem>>) target(%dma_start3A_683 : memref<10112x128xf32, #tpu.memory_space<vmem_shared>>) offsets(%dma_start3A_680 : memref<128xi32, #tpu.memory_space<vmem>>) semaphore(%arg14 : memref<!tpu.dma_semaphore, #tpu.memory_space<semaphore_mem>>) {add = true}
      %dma_wait3A_684 = arith.constant 23 : i32
      %dma_wait3A_685 = arith.constant 0 : i32
      %dma_wait3A_686 = tpu.memref_slice %arg8[%dma_wait3A_684, %dma_wait3A_685] : memref<32x128xi32, #tpu.memory_space<vmem>> -> memref<1x128xi32, #tpu.memory_space<vmem>>
      %dma_wait3A_687 = tpu.memref_squeeze %dma_wait3A_686 : memref<1x128xi32, #tpu.memory_space<vmem>> -> memref<128xi32, #tpu.memory_space<vmem>>
      %dma_wait3A_688 = arith.constant 0 : i32
      %dma_wait3A_689 = arith.constant 0 : i32
      %dma_wait3A_690 = tpu.memref_slice %arg15[%dma_wait3A_688, %dma_wait3A_689] : memref<10112x128xf32, #tpu.memory_space<vmem_shared>> -> memref<10112x128xf32, #tpu.memory_space<vmem_shared>>
      tpu.wait_indirect_dma semaphore(%arg14 : memref<!tpu.dma_semaphore, #tpu.memory_space<semaphore_mem>>) src(%arg10 : memref<128x128xf32, #tpu.memory_space<vmem>>) dst(%dma_wait3A_690 : memref<10112x128xf32, #tpu.memory_space<vmem_shared>>)
      %dma_start3A_691 = arith.constant 25 : i32
      %dma_start3A_692 = arith.constant 0 : i32
      %dma_start3A_693 = tpu.memref_slice %arg7[%dma_start3A_691, %dma_start3A_692] : memref<32x128xi32, #tpu.memory_space<vmem>> -> memref<1x128xi32, #tpu.memory_space<vmem>>
      %dma_start3A_694 = tpu.memref_squeeze %dma_start3A_693 : memref<1x128xi32, #tpu.memory_space<vmem>> -> memref<128xi32, #tpu.memory_space<vmem>>
      %dma_start3A_695 = arith.constant 0 : i32
      %dma_start3A_696 = arith.constant 0 : i32
      %dma_start3A_697 = tpu.memref_slice %arg2[%dma_start3A_695, %dma_start3A_696] : memref<20016x128xf32, #tpu.memory_space<hbm>> -> memref<20016x128xf32, #tpu.memory_space<hbm>>
      tpu.enqueue_indirect_dma source(%dma_start3A_697 : memref<20016x128xf32, #tpu.memory_space<hbm>>) target(%arg10 : memref<128x128xf32, #tpu.memory_space<vmem>>) offsets(%dma_start3A_694 : memref<128xi32, #tpu.memory_space<vmem>>) semaphore(%arg12 : memref<!tpu.dma_semaphore, #tpu.memory_space<semaphore_mem>>)
      %dma_wait3A_698 = arith.constant 24 : i32
      %dma_wait3A_699 = arith.constant 0 : i32
      %dma_wait3A_700 = tpu.memref_slice %arg7[%dma_wait3A_698, %dma_wait3A_699] : memref<32x128xi32, #tpu.memory_space<vmem>> -> memref<1x128xi32, #tpu.memory_space<vmem>>
      %dma_wait3A_701 = tpu.memref_squeeze %dma_wait3A_700 : memref<1x128xi32, #tpu.memory_space<vmem>> -> memref<128xi32, #tpu.memory_space<vmem>>
      %dma_wait3A_702 = arith.constant 0 : i32
      %dma_wait3A_703 = arith.constant 0 : i32
      %dma_wait3A_704 = tpu.memref_slice %arg2[%dma_wait3A_702, %dma_wait3A_703] : memref<20016x128xf32, #tpu.memory_space<hbm>> -> memref<20016x128xf32, #tpu.memory_space<hbm>>
      tpu.wait_indirect_dma semaphore(%arg11 : memref<!tpu.dma_semaphore, #tpu.memory_space<semaphore_mem>>) src(%dma_wait3A_704 : memref<20016x128xf32, #tpu.memory_space<hbm>>) dst(%arg9 : memref<128x128xf32, #tpu.memory_space<vmem>>)
      %dma_start3A_705 = arith.constant 24 : i32
      %dma_start3A_706 = arith.constant 0 : i32
      %dma_start3A_707 = tpu.memref_slice %arg8[%dma_start3A_705, %dma_start3A_706] : memref<32x128xi32, #tpu.memory_space<vmem>> -> memref<1x128xi32, #tpu.memory_space<vmem>>
      %dma_start3A_708 = tpu.memref_squeeze %dma_start3A_707 : memref<1x128xi32, #tpu.memory_space<vmem>> -> memref<128xi32, #tpu.memory_space<vmem>>
      %dma_start3A_709 = arith.constant 0 : i32
      %dma_start3A_710 = arith.constant 0 : i32
      %dma_start3A_711 = tpu.memref_slice %arg15[%dma_start3A_709, %dma_start3A_710] : memref<10112x128xf32, #tpu.memory_space<vmem_shared>> -> memref<10112x128xf32, #tpu.memory_space<vmem_shared>>
      tpu.enqueue_indirect_dma source(%arg9 : memref<128x128xf32, #tpu.memory_space<vmem>>) target(%dma_start3A_711 : memref<10112x128xf32, #tpu.memory_space<vmem_shared>>) offsets(%dma_start3A_708 : memref<128xi32, #tpu.memory_space<vmem>>) semaphore(%arg13 : memref<!tpu.dma_semaphore, #tpu.memory_space<semaphore_mem>>) {add = true}
      %dma_wait3A_712 = arith.constant 24 : i32
      %dma_wait3A_713 = arith.constant 0 : i32
      %dma_wait3A_714 = tpu.memref_slice %arg8[%dma_wait3A_712, %dma_wait3A_713] : memref<32x128xi32, #tpu.memory_space<vmem>> -> memref<1x128xi32, #tpu.memory_space<vmem>>
      %dma_wait3A_715 = tpu.memref_squeeze %dma_wait3A_714 : memref<1x128xi32, #tpu.memory_space<vmem>> -> memref<128xi32, #tpu.memory_space<vmem>>
      %dma_wait3A_716 = arith.constant 0 : i32
      %dma_wait3A_717 = arith.constant 0 : i32
      %dma_wait3A_718 = tpu.memref_slice %arg15[%dma_wait3A_716, %dma_wait3A_717] : memref<10112x128xf32, #tpu.memory_space<vmem_shared>> -> memref<10112x128xf32, #tpu.memory_space<vmem_shared>>
      tpu.wait_indirect_dma semaphore(%arg13 : memref<!tpu.dma_semaphore, #tpu.memory_space<semaphore_mem>>) src(%arg9 : memref<128x128xf32, #tpu.memory_space<vmem>>) dst(%dma_wait3A_718 : memref<10112x128xf32, #tpu.memory_space<vmem_shared>>)
      %dma_start3A_719 = arith.constant 26 : i32
      %dma_start3A_720 = arith.constant 0 : i32
      %dma_start3A_721 = tpu.memref_slice %arg7[%dma_start3A_719, %dma_start3A_720] : memref<32x128xi32, #tpu.memory_space<vmem>> -> memref<1x128xi32, #tpu.memory_space<vmem>>
      %dma_start3A_722 = tpu.memref_squeeze %dma_start3A_721 : memref<1x128xi32, #tpu.memory_space<vmem>> -> memref<128xi32, #tpu.memory_space<vmem>>
      %dma_start3A_723 = arith.constant 0 : i32
      %dma_start3A_724 = arith.constant 0 : i32
      %dma_start3A_725 = tpu.memref_slice %arg2[%dma_start3A_723, %dma_start3A_724] : memref<20016x128xf32, #tpu.memory_space<hbm>> -> memref<20016x128xf32, #tpu.memory_space<hbm>>
      tpu.enqueue_indirect_dma source(%dma_start3A_725 : memref<20016x128xf32, #tpu.memory_space<hbm>>) target(%arg9 : memref<128x128xf32, #tpu.memory_space<vmem>>) offsets(%dma_start3A_722 : memref<128xi32, #tpu.memory_space<vmem>>) semaphore(%arg11 : memref<!tpu.dma_semaphore, #tpu.memory_space<semaphore_mem>>)
      %dma_wait3A_726 = arith.constant 25 : i32
      %dma_wait3A_727 = arith.constant 0 : i32
      %dma_wait3A_728 = tpu.memref_slice %arg7[%dma_wait3A_726, %dma_wait3A_727] : memref<32x128xi32, #tpu.memory_space<vmem>> -> memref<1x128xi32, #tpu.memory_space<vmem>>
      %dma_wait3A_729 = tpu.memref_squeeze %dma_wait3A_728 : memref<1x128xi32, #tpu.memory_space<vmem>> -> memref<128xi32, #tpu.memory_space<vmem>>
      %dma_wait3A_730 = arith.constant 0 : i32
      %dma_wait3A_731 = arith.constant 0 : i32
      %dma_wait3A_732 = tpu.memref_slice %arg2[%dma_wait3A_730, %dma_wait3A_731] : memref<20016x128xf32, #tpu.memory_space<hbm>> -> memref<20016x128xf32, #tpu.memory_space<hbm>>
      tpu.wait_indirect_dma semaphore(%arg12 : memref<!tpu.dma_semaphore, #tpu.memory_space<semaphore_mem>>) src(%dma_wait3A_732 : memref<20016x128xf32, #tpu.memory_space<hbm>>) dst(%arg10 : memref<128x128xf32, #tpu.memory_space<vmem>>)
      %dma_start3A_733 = arith.constant 25 : i32
      %dma_start3A_734 = arith.constant 0 : i32
      %dma_start3A_735 = tpu.memref_slice %arg8[%dma_start3A_733, %dma_start3A_734] : memref<32x128xi32, #tpu.memory_space<vmem>> -> memref<1x128xi32, #tpu.memory_space<vmem>>
      %dma_start3A_736 = tpu.memref_squeeze %dma_start3A_735 : memref<1x128xi32, #tpu.memory_space<vmem>> -> memref<128xi32, #tpu.memory_space<vmem>>
      %dma_start3A_737 = arith.constant 0 : i32
      %dma_start3A_738 = arith.constant 0 : i32
      %dma_start3A_739 = tpu.memref_slice %arg15[%dma_start3A_737, %dma_start3A_738] : memref<10112x128xf32, #tpu.memory_space<vmem_shared>> -> memref<10112x128xf32, #tpu.memory_space<vmem_shared>>
      tpu.enqueue_indirect_dma source(%arg10 : memref<128x128xf32, #tpu.memory_space<vmem>>) target(%dma_start3A_739 : memref<10112x128xf32, #tpu.memory_space<vmem_shared>>) offsets(%dma_start3A_736 : memref<128xi32, #tpu.memory_space<vmem>>) semaphore(%arg14 : memref<!tpu.dma_semaphore, #tpu.memory_space<semaphore_mem>>) {add = true}
      %dma_wait3A_740 = arith.constant 25 : i32
      %dma_wait3A_741 = arith.constant 0 : i32
      %dma_wait3A_742 = tpu.memref_slice %arg8[%dma_wait3A_740, %dma_wait3A_741] : memref<32x128xi32, #tpu.memory_space<vmem>> -> memref<1x128xi32, #tpu.memory_space<vmem>>
      %dma_wait3A_743 = tpu.memref_squeeze %dma_wait3A_742 : memref<1x128xi32, #tpu.memory_space<vmem>> -> memref<128xi32, #tpu.memory_space<vmem>>
      %dma_wait3A_744 = arith.constant 0 : i32
      %dma_wait3A_745 = arith.constant 0 : i32
      %dma_wait3A_746 = tpu.memref_slice %arg15[%dma_wait3A_744, %dma_wait3A_745] : memref<10112x128xf32, #tpu.memory_space<vmem_shared>> -> memref<10112x128xf32, #tpu.memory_space<vmem_shared>>
      tpu.wait_indirect_dma semaphore(%arg14 : memref<!tpu.dma_semaphore, #tpu.memory_space<semaphore_mem>>) src(%arg10 : memref<128x128xf32, #tpu.memory_space<vmem>>) dst(%dma_wait3A_746 : memref<10112x128xf32, #tpu.memory_space<vmem_shared>>)
      %dma_start3A_747 = arith.constant 27 : i32
      %dma_start3A_748 = arith.constant 0 : i32
      %dma_start3A_749 = tpu.memref_slice %arg7[%dma_start3A_747, %dma_start3A_748] : memref<32x128xi32, #tpu.memory_space<vmem>> -> memref<1x128xi32, #tpu.memory_space<vmem>>
      %dma_start3A_750 = tpu.memref_squeeze %dma_start3A_749 : memref<1x128xi32, #tpu.memory_space<vmem>> -> memref<128xi32, #tpu.memory_space<vmem>>
      %dma_start3A_751 = arith.constant 0 : i32
      %dma_start3A_752 = arith.constant 0 : i32
      %dma_start3A_753 = tpu.memref_slice %arg2[%dma_start3A_751, %dma_start3A_752] : memref<20016x128xf32, #tpu.memory_space<hbm>> -> memref<20016x128xf32, #tpu.memory_space<hbm>>
      tpu.enqueue_indirect_dma source(%dma_start3A_753 : memref<20016x128xf32, #tpu.memory_space<hbm>>) target(%arg10 : memref<128x128xf32, #tpu.memory_space<vmem>>) offsets(%dma_start3A_750 : memref<128xi32, #tpu.memory_space<vmem>>) semaphore(%arg12 : memref<!tpu.dma_semaphore, #tpu.memory_space<semaphore_mem>>)
      %dma_wait3A_754 = arith.constant 26 : i32
      %dma_wait3A_755 = arith.constant 0 : i32
      %dma_wait3A_756 = tpu.memref_slice %arg7[%dma_wait3A_754, %dma_wait3A_755] : memref<32x128xi32, #tpu.memory_space<vmem>> -> memref<1x128xi32, #tpu.memory_space<vmem>>
      %dma_wait3A_757 = tpu.memref_squeeze %dma_wait3A_756 : memref<1x128xi32, #tpu.memory_space<vmem>> -> memref<128xi32, #tpu.memory_space<vmem>>
      %dma_wait3A_758 = arith.constant 0 : i32
      %dma_wait3A_759 = arith.constant 0 : i32
      %dma_wait3A_760 = tpu.memref_slice %arg2[%dma_wait3A_758, %dma_wait3A_759] : memref<20016x128xf32, #tpu.memory_space<hbm>> -> memref<20016x128xf32, #tpu.memory_space<hbm>>
      tpu.wait_indirect_dma semaphore(%arg11 : memref<!tpu.dma_semaphore, #tpu.memory_space<semaphore_mem>>) src(%dma_wait3A_760 : memref<20016x128xf32, #tpu.memory_space<hbm>>) dst(%arg9 : memref<128x128xf32, #tpu.memory_space<vmem>>)
      %dma_start3A_761 = arith.constant 26 : i32
      %dma_start3A_762 = arith.constant 0 : i32
      %dma_start3A_763 = tpu.memref_slice %arg8[%dma_start3A_761, %dma_start3A_762] : memref<32x128xi32, #tpu.memory_space<vmem>> -> memref<1x128xi32, #tpu.memory_space<vmem>>
      %dma_start3A_764 = tpu.memref_squeeze %dma_start3A_763 : memref<1x128xi32, #tpu.memory_space<vmem>> -> memref<128xi32, #tpu.memory_space<vmem>>
      %dma_start3A_765 = arith.constant 0 : i32
      %dma_start3A_766 = arith.constant 0 : i32
      %dma_start3A_767 = tpu.memref_slice %arg15[%dma_start3A_765, %dma_start3A_766] : memref<10112x128xf32, #tpu.memory_space<vmem_shared>> -> memref<10112x128xf32, #tpu.memory_space<vmem_shared>>
      tpu.enqueue_indirect_dma source(%arg9 : memref<128x128xf32, #tpu.memory_space<vmem>>) target(%dma_start3A_767 : memref<10112x128xf32, #tpu.memory_space<vmem_shared>>) offsets(%dma_start3A_764 : memref<128xi32, #tpu.memory_space<vmem>>) semaphore(%arg13 : memref<!tpu.dma_semaphore, #tpu.memory_space<semaphore_mem>>) {add = true}
      %dma_wait3A_768 = arith.constant 26 : i32
      %dma_wait3A_769 = arith.constant 0 : i32
      %dma_wait3A_770 = tpu.memref_slice %arg8[%dma_wait3A_768, %dma_wait3A_769] : memref<32x128xi32, #tpu.memory_space<vmem>> -> memref<1x128xi32, #tpu.memory_space<vmem>>
      %dma_wait3A_771 = tpu.memref_squeeze %dma_wait3A_770 : memref<1x128xi32, #tpu.memory_space<vmem>> -> memref<128xi32, #tpu.memory_space<vmem>>
      %dma_wait3A_772 = arith.constant 0 : i32
      %dma_wait3A_773 = arith.constant 0 : i32
      %dma_wait3A_774 = tpu.memref_slice %arg15[%dma_wait3A_772, %dma_wait3A_773] : memref<10112x128xf32, #tpu.memory_space<vmem_shared>> -> memref<10112x128xf32, #tpu.memory_space<vmem_shared>>
      tpu.wait_indirect_dma semaphore(%arg13 : memref<!tpu.dma_semaphore, #tpu.memory_space<semaphore_mem>>) src(%arg9 : memref<128x128xf32, #tpu.memory_space<vmem>>) dst(%dma_wait3A_774 : memref<10112x128xf32, #tpu.memory_space<vmem_shared>>)
      %dma_start3A_775 = arith.constant 28 : i32
      %dma_start3A_776 = arith.constant 0 : i32
      %dma_start3A_777 = tpu.memref_slice %arg7[%dma_start3A_775, %dma_start3A_776] : memref<32x128xi32, #tpu.memory_space<vmem>> -> memref<1x128xi32, #tpu.memory_space<vmem>>
      %dma_start3A_778 = tpu.memref_squeeze %dma_start3A_777 : memref<1x128xi32, #tpu.memory_space<vmem>> -> memref<128xi32, #tpu.memory_space<vmem>>
      %dma_start3A_779 = arith.constant 0 : i32
      %dma_start3A_780 = arith.constant 0 : i32
      %dma_start3A_781 = tpu.memref_slice %arg2[%dma_start3A_779, %dma_start3A_780] : memref<20016x128xf32, #tpu.memory_space<hbm>> -> memref<20016x128xf32, #tpu.memory_space<hbm>>
      tpu.enqueue_indirect_dma source(%dma_start3A_781 : memref<20016x128xf32, #tpu.memory_space<hbm>>) target(%arg9 : memref<128x128xf32, #tpu.memory_space<vmem>>) offsets(%dma_start3A_778 : memref<128xi32, #tpu.memory_space<vmem>>) semaphore(%arg11 : memref<!tpu.dma_semaphore, #tpu.memory_space<semaphore_mem>>)
      %dma_wait3A_782 = arith.constant 27 : i32
      %dma_wait3A_783 = arith.constant 0 : i32
      %dma_wait3A_784 = tpu.memref_slice %arg7[%dma_wait3A_782, %dma_wait3A_783] : memref<32x128xi32, #tpu.memory_space<vmem>> -> memref<1x128xi32, #tpu.memory_space<vmem>>
      %dma_wait3A_785 = tpu.memref_squeeze %dma_wait3A_784 : memref<1x128xi32, #tpu.memory_space<vmem>> -> memref<128xi32, #tpu.memory_space<vmem>>
      %dma_wait3A_786 = arith.constant 0 : i32
      %dma_wait3A_787 = arith.constant 0 : i32
      %dma_wait3A_788 = tpu.memref_slice %arg2[%dma_wait3A_786, %dma_wait3A_787] : memref<20016x128xf32, #tpu.memory_space<hbm>> -> memref<20016x128xf32, #tpu.memory_space<hbm>>
      tpu.wait_indirect_dma semaphore(%arg12 : memref<!tpu.dma_semaphore, #tpu.memory_space<semaphore_mem>>) src(%dma_wait3A_788 : memref<20016x128xf32, #tpu.memory_space<hbm>>) dst(%arg10 : memref<128x128xf32, #tpu.memory_space<vmem>>)
      %dma_start3A_789 = arith.constant 27 : i32
      %dma_start3A_790 = arith.constant 0 : i32
      %dma_start3A_791 = tpu.memref_slice %arg8[%dma_start3A_789, %dma_start3A_790] : memref<32x128xi32, #tpu.memory_space<vmem>> -> memref<1x128xi32, #tpu.memory_space<vmem>>
      %dma_start3A_792 = tpu.memref_squeeze %dma_start3A_791 : memref<1x128xi32, #tpu.memory_space<vmem>> -> memref<128xi32, #tpu.memory_space<vmem>>
      %dma_start3A_793 = arith.constant 0 : i32
      %dma_start3A_794 = arith.constant 0 : i32
      %dma_start3A_795 = tpu.memref_slice %arg15[%dma_start3A_793, %dma_start3A_794] : memref<10112x128xf32, #tpu.memory_space<vmem_shared>> -> memref<10112x128xf32, #tpu.memory_space<vmem_shared>>
      tpu.enqueue_indirect_dma source(%arg10 : memref<128x128xf32, #tpu.memory_space<vmem>>) target(%dma_start3A_795 : memref<10112x128xf32, #tpu.memory_space<vmem_shared>>) offsets(%dma_start3A_792 : memref<128xi32, #tpu.memory_space<vmem>>) semaphore(%arg14 : memref<!tpu.dma_semaphore, #tpu.memory_space<semaphore_mem>>) {add = true}
      %dma_wait3A_796 = arith.constant 27 : i32
      %dma_wait3A_797 = arith.constant 0 : i32
      %dma_wait3A_798 = tpu.memref_slice %arg8[%dma_wait3A_796, %dma_wait3A_797] : memref<32x128xi32, #tpu.memory_space<vmem>> -> memref<1x128xi32, #tpu.memory_space<vmem>>
      %dma_wait3A_799 = tpu.memref_squeeze %dma_wait3A_798 : memref<1x128xi32, #tpu.memory_space<vmem>> -> memref<128xi32, #tpu.memory_space<vmem>>
      %dma_wait3A_800 = arith.constant 0 : i32
      %dma_wait3A_801 = arith.constant 0 : i32
      %dma_wait3A_802 = tpu.memref_slice %arg15[%dma_wait3A_800, %dma_wait3A_801] : memref<10112x128xf32, #tpu.memory_space<vmem_shared>> -> memref<10112x128xf32, #tpu.memory_space<vmem_shared>>
      tpu.wait_indirect_dma semaphore(%arg14 : memref<!tpu.dma_semaphore, #tpu.memory_space<semaphore_mem>>) src(%arg10 : memref<128x128xf32, #tpu.memory_space<vmem>>) dst(%dma_wait3A_802 : memref<10112x128xf32, #tpu.memory_space<vmem_shared>>)
      %dma_start3A_803 = arith.constant 29 : i32
      %dma_start3A_804 = arith.constant 0 : i32
      %dma_start3A_805 = tpu.memref_slice %arg7[%dma_start3A_803, %dma_start3A_804] : memref<32x128xi32, #tpu.memory_space<vmem>> -> memref<1x128xi32, #tpu.memory_space<vmem>>
      %dma_start3A_806 = tpu.memref_squeeze %dma_start3A_805 : memref<1x128xi32, #tpu.memory_space<vmem>> -> memref<128xi32, #tpu.memory_space<vmem>>
      %dma_start3A_807 = arith.constant 0 : i32
      %dma_start3A_808 = arith.constant 0 : i32
      %dma_start3A_809 = tpu.memref_slice %arg2[%dma_start3A_807, %dma_start3A_808] : memref<20016x128xf32, #tpu.memory_space<hbm>> -> memref<20016x128xf32, #tpu.memory_space<hbm>>
      tpu.enqueue_indirect_dma source(%dma_start3A_809 : memref<20016x128xf32, #tpu.memory_space<hbm>>) target(%arg10 : memref<128x128xf32, #tpu.memory_space<vmem>>) offsets(%dma_start3A_806 : memref<128xi32, #tpu.memory_space<vmem>>) semaphore(%arg12 : memref<!tpu.dma_semaphore, #tpu.memory_space<semaphore_mem>>)
      %dma_wait3A_810 = arith.constant 28 : i32
      %dma_wait3A_811 = arith.constant 0 : i32
      %dma_wait3A_812 = tpu.memref_slice %arg7[%dma_wait3A_810, %dma_wait3A_811] : memref<32x128xi32, #tpu.memory_space<vmem>> -> memref<1x128xi32, #tpu.memory_space<vmem>>
      %dma_wait3A_813 = tpu.memref_squeeze %dma_wait3A_812 : memref<1x128xi32, #tpu.memory_space<vmem>> -> memref<128xi32, #tpu.memory_space<vmem>>
      %dma_wait3A_814 = arith.constant 0 : i32
      %dma_wait3A_815 = arith.constant 0 : i32
      %dma_wait3A_816 = tpu.memref_slice %arg2[%dma_wait3A_814, %dma_wait3A_815] : memref<20016x128xf32, #tpu.memory_space<hbm>> -> memref<20016x128xf32, #tpu.memory_space<hbm>>
      tpu.wait_indirect_dma semaphore(%arg11 : memref<!tpu.dma_semaphore, #tpu.memory_space<semaphore_mem>>) src(%dma_wait3A_816 : memref<20016x128xf32, #tpu.memory_space<hbm>>) dst(%arg9 : memref<128x128xf32, #tpu.memory_space<vmem>>)
      %dma_start3A_817 = arith.constant 28 : i32
      %dma_start3A_818 = arith.constant 0 : i32
      %dma_start3A_819 = tpu.memref_slice %arg8[%dma_start3A_817, %dma_start3A_818] : memref<32x128xi32, #tpu.memory_space<vmem>> -> memref<1x128xi32, #tpu.memory_space<vmem>>
      %dma_start3A_820 = tpu.memref_squeeze %dma_start3A_819 : memref<1x128xi32, #tpu.memory_space<vmem>> -> memref<128xi32, #tpu.memory_space<vmem>>
      %dma_start3A_821 = arith.constant 0 : i32
      %dma_start3A_822 = arith.constant 0 : i32
      %dma_start3A_823 = tpu.memref_slice %arg15[%dma_start3A_821, %dma_start3A_822] : memref<10112x128xf32, #tpu.memory_space<vmem_shared>> -> memref<10112x128xf32, #tpu.memory_space<vmem_shared>>
      tpu.enqueue_indirect_dma source(%arg9 : memref<128x128xf32, #tpu.memory_space<vmem>>) target(%dma_start3A_823 : memref<10112x128xf32, #tpu.memory_space<vmem_shared>>) offsets(%dma_start3A_820 : memref<128xi32, #tpu.memory_space<vmem>>) semaphore(%arg13 : memref<!tpu.dma_semaphore, #tpu.memory_space<semaphore_mem>>) {add = true}
      %dma_wait3A_824 = arith.constant 28 : i32
      %dma_wait3A_825 = arith.constant 0 : i32
      %dma_wait3A_826 = tpu.memref_slice %arg8[%dma_wait3A_824, %dma_wait3A_825] : memref<32x128xi32, #tpu.memory_space<vmem>> -> memref<1x128xi32, #tpu.memory_space<vmem>>
      %dma_wait3A_827 = tpu.memref_squeeze %dma_wait3A_826 : memref<1x128xi32, #tpu.memory_space<vmem>> -> memref<128xi32, #tpu.memory_space<vmem>>
      %dma_wait3A_828 = arith.constant 0 : i32
      %dma_wait3A_829 = arith.constant 0 : i32
      %dma_wait3A_830 = tpu.memref_slice %arg15[%dma_wait3A_828, %dma_wait3A_829] : memref<10112x128xf32, #tpu.memory_space<vmem_shared>> -> memref<10112x128xf32, #tpu.memory_space<vmem_shared>>
      tpu.wait_indirect_dma semaphore(%arg13 : memref<!tpu.dma_semaphore, #tpu.memory_space<semaphore_mem>>) src(%arg9 : memref<128x128xf32, #tpu.memory_space<vmem>>) dst(%dma_wait3A_830 : memref<10112x128xf32, #tpu.memory_space<vmem_shared>>)
      %dma_start3A_831 = arith.constant 30 : i32
      %dma_start3A_832 = arith.constant 0 : i32
      %dma_start3A_833 = tpu.memref_slice %arg7[%dma_start3A_831, %dma_start3A_832] : memref<32x128xi32, #tpu.memory_space<vmem>> -> memref<1x128xi32, #tpu.memory_space<vmem>>
      %dma_start3A_834 = tpu.memref_squeeze %dma_start3A_833 : memref<1x128xi32, #tpu.memory_space<vmem>> -> memref<128xi32, #tpu.memory_space<vmem>>
      %dma_start3A_835 = arith.constant 0 : i32
      %dma_start3A_836 = arith.constant 0 : i32
      %dma_start3A_837 = tpu.memref_slice %arg2[%dma_start3A_835, %dma_start3A_836] : memref<20016x128xf32, #tpu.memory_space<hbm>> -> memref<20016x128xf32, #tpu.memory_space<hbm>>
      tpu.enqueue_indirect_dma source(%dma_start3A_837 : memref<20016x128xf32, #tpu.memory_space<hbm>>) target(%arg9 : memref<128x128xf32, #tpu.memory_space<vmem>>) offsets(%dma_start3A_834 : memref<128xi32, #tpu.memory_space<vmem>>) semaphore(%arg11 : memref<!tpu.dma_semaphore, #tpu.memory_space<semaphore_mem>>)
      %dma_wait3A_838 = arith.constant 29 : i32
      %dma_wait3A_839 = arith.constant 0 : i32
      %dma_wait3A_840 = tpu.memref_slice %arg7[%dma_wait3A_838, %dma_wait3A_839] : memref<32x128xi32, #tpu.memory_space<vmem>> -> memref<1x128xi32, #tpu.memory_space<vmem>>
      %dma_wait3A_841 = tpu.memref_squeeze %dma_wait3A_840 : memref<1x128xi32, #tpu.memory_space<vmem>> -> memref<128xi32, #tpu.memory_space<vmem>>
      %dma_wait3A_842 = arith.constant 0 : i32
      %dma_wait3A_843 = arith.constant 0 : i32
      %dma_wait3A_844 = tpu.memref_slice %arg2[%dma_wait3A_842, %dma_wait3A_843] : memref<20016x128xf32, #tpu.memory_space<hbm>> -> memref<20016x128xf32, #tpu.memory_space<hbm>>
      tpu.wait_indirect_dma semaphore(%arg12 : memref<!tpu.dma_semaphore, #tpu.memory_space<semaphore_mem>>) src(%dma_wait3A_844 : memref<20016x128xf32, #tpu.memory_space<hbm>>) dst(%arg10 : memref<128x128xf32, #tpu.memory_space<vmem>>)
      %dma_start3A_845 = arith.constant 29 : i32
      %dma_start3A_846 = arith.constant 0 : i32
      %dma_start3A_847 = tpu.memref_slice %arg8[%dma_start3A_845, %dma_start3A_846] : memref<32x128xi32, #tpu.memory_space<vmem>> -> memref<1x128xi32, #tpu.memory_space<vmem>>
      %dma_start3A_848 = tpu.memref_squeeze %dma_start3A_847 : memref<1x128xi32, #tpu.memory_space<vmem>> -> memref<128xi32, #tpu.memory_space<vmem>>
      %dma_start3A_849 = arith.constant 0 : i32
      %dma_start3A_850 = arith.constant 0 : i32
      %dma_start3A_851 = tpu.memref_slice %arg15[%dma_start3A_849, %dma_start3A_850] : memref<10112x128xf32, #tpu.memory_space<vmem_shared>> -> memref<10112x128xf32, #tpu.memory_space<vmem_shared>>
      tpu.enqueue_indirect_dma source(%arg10 : memref<128x128xf32, #tpu.memory_space<vmem>>) target(%dma_start3A_851 : memref<10112x128xf32, #tpu.memory_space<vmem_shared>>) offsets(%dma_start3A_848 : memref<128xi32, #tpu.memory_space<vmem>>) semaphore(%arg14 : memref<!tpu.dma_semaphore, #tpu.memory_space<semaphore_mem>>) {add = true}
      %dma_wait3A_852 = arith.constant 29 : i32
      %dma_wait3A_853 = arith.constant 0 : i32
      %dma_wait3A_854 = tpu.memref_slice %arg8[%dma_wait3A_852, %dma_wait3A_853] : memref<32x128xi32, #tpu.memory_space<vmem>> -> memref<1x128xi32, #tpu.memory_space<vmem>>
      %dma_wait3A_855 = tpu.memref_squeeze %dma_wait3A_854 : memref<1x128xi32, #tpu.memory_space<vmem>> -> memref<128xi32, #tpu.memory_space<vmem>>
      %dma_wait3A_856 = arith.constant 0 : i32
      %dma_wait3A_857 = arith.constant 0 : i32
      %dma_wait3A_858 = tpu.memref_slice %arg15[%dma_wait3A_856, %dma_wait3A_857] : memref<10112x128xf32, #tpu.memory_space<vmem_shared>> -> memref<10112x128xf32, #tpu.memory_space<vmem_shared>>
      tpu.wait_indirect_dma semaphore(%arg14 : memref<!tpu.dma_semaphore, #tpu.memory_space<semaphore_mem>>) src(%arg10 : memref<128x128xf32, #tpu.memory_space<vmem>>) dst(%dma_wait3A_858 : memref<10112x128xf32, #tpu.memory_space<vmem_shared>>)
      %dma_start3A_859 = arith.constant 31 : i32
      %dma_start3A_860 = arith.constant 0 : i32
      %dma_start3A_861 = tpu.memref_slice %arg7[%dma_start3A_859, %dma_start3A_860] : memref<32x128xi32, #tpu.memory_space<vmem>> -> memref<1x128xi32, #tpu.memory_space<vmem>>
      %dma_start3A_862 = tpu.memref_squeeze %dma_start3A_861 : memref<1x128xi32, #tpu.memory_space<vmem>> -> memref<128xi32, #tpu.memory_space<vmem>>
      %dma_start3A_863 = arith.constant 0 : i32
      %dma_start3A_864 = arith.constant 0 : i32
      %dma_start3A_865 = tpu.memref_slice %arg2[%dma_start3A_863, %dma_start3A_864] : memref<20016x128xf32, #tpu.memory_space<hbm>> -> memref<20016x128xf32, #tpu.memory_space<hbm>>
      tpu.enqueue_indirect_dma source(%dma_start3A_865 : memref<20016x128xf32, #tpu.memory_space<hbm>>) target(%arg10 : memref<128x128xf32, #tpu.memory_space<vmem>>) offsets(%dma_start3A_862 : memref<128xi32, #tpu.memory_space<vmem>>) semaphore(%arg12 : memref<!tpu.dma_semaphore, #tpu.memory_space<semaphore_mem>>)
      %dma_wait3A_866 = arith.constant 30 : i32
      %dma_wait3A_867 = arith.constant 0 : i32
      %dma_wait3A_868 = tpu.memref_slice %arg7[%dma_wait3A_866, %dma_wait3A_867] : memref<32x128xi32, #tpu.memory_space<vmem>> -> memref<1x128xi32, #tpu.memory_space<vmem>>
      %dma_wait3A_869 = tpu.memref_squeeze %dma_wait3A_868 : memref<1x128xi32, #tpu.memory_space<vmem>> -> memref<128xi32, #tpu.memory_space<vmem>>
      %dma_wait3A_870 = arith.constant 0 : i32
      %dma_wait3A_871 = arith.constant 0 : i32
      %dma_wait3A_872 = tpu.memref_slice %arg2[%dma_wait3A_870, %dma_wait3A_871] : memref<20016x128xf32, #tpu.memory_space<hbm>> -> memref<20016x128xf32, #tpu.memory_space<hbm>>
      tpu.wait_indirect_dma semaphore(%arg11 : memref<!tpu.dma_semaphore, #tpu.memory_space<semaphore_mem>>) src(%dma_wait3A_872 : memref<20016x128xf32, #tpu.memory_space<hbm>>) dst(%arg9 : memref<128x128xf32, #tpu.memory_space<vmem>>)
      %dma_start3A_873 = arith.constant 30 : i32
      %dma_start3A_874 = arith.constant 0 : i32
      %dma_start3A_875 = tpu.memref_slice %arg8[%dma_start3A_873, %dma_start3A_874] : memref<32x128xi32, #tpu.memory_space<vmem>> -> memref<1x128xi32, #tpu.memory_space<vmem>>
      %dma_start3A_876 = tpu.memref_squeeze %dma_start3A_875 : memref<1x128xi32, #tpu.memory_space<vmem>> -> memref<128xi32, #tpu.memory_space<vmem>>
      %dma_start3A_877 = arith.constant 0 : i32
      %dma_start3A_878 = arith.constant 0 : i32
      %dma_start3A_879 = tpu.memref_slice %arg15[%dma_start3A_877, %dma_start3A_878] : memref<10112x128xf32, #tpu.memory_space<vmem_shared>> -> memref<10112x128xf32, #tpu.memory_space<vmem_shared>>
      tpu.enqueue_indirect_dma source(%arg9 : memref<128x128xf32, #tpu.memory_space<vmem>>) target(%dma_start3A_879 : memref<10112x128xf32, #tpu.memory_space<vmem_shared>>) offsets(%dma_start3A_876 : memref<128xi32, #tpu.memory_space<vmem>>) semaphore(%arg13 : memref<!tpu.dma_semaphore, #tpu.memory_space<semaphore_mem>>) {add = true}
      %dma_wait3A_880 = arith.constant 31 : i32
      %dma_wait3A_881 = arith.constant 0 : i32
      %dma_wait3A_882 = tpu.memref_slice %arg7[%dma_wait3A_880, %dma_wait3A_881] : memref<32x128xi32, #tpu.memory_space<vmem>> -> memref<1x128xi32, #tpu.memory_space<vmem>>
      %dma_wait3A_883 = tpu.memref_squeeze %dma_wait3A_882 : memref<1x128xi32, #tpu.memory_space<vmem>> -> memref<128xi32, #tpu.memory_space<vmem>>
      %dma_wait3A_884 = arith.constant 0 : i32
      %dma_wait3A_885 = arith.constant 0 : i32
      %dma_wait3A_886 = tpu.memref_slice %arg2[%dma_wait3A_884, %dma_wait3A_885] : memref<20016x128xf32, #tpu.memory_space<hbm>> -> memref<20016x128xf32, #tpu.memory_space<hbm>>
      tpu.wait_indirect_dma semaphore(%arg12 : memref<!tpu.dma_semaphore, #tpu.memory_space<semaphore_mem>>) src(%dma_wait3A_886 : memref<20016x128xf32, #tpu.memory_space<hbm>>) dst(%arg10 : memref<128x128xf32, #tpu.memory_space<vmem>>)
      %dma_start3A_887 = arith.constant 31 : i32
      %dma_start3A_888 = arith.constant 0 : i32
      %dma_start3A_889 = tpu.memref_slice %arg8[%dma_start3A_887, %dma_start3A_888] : memref<32x128xi32, #tpu.memory_space<vmem>> -> memref<1x128xi32, #tpu.memory_space<vmem>>
      %dma_start3A_890 = tpu.memref_squeeze %dma_start3A_889 : memref<1x128xi32, #tpu.memory_space<vmem>> -> memref<128xi32, #tpu.memory_space<vmem>>
      %dma_start3A_891 = arith.constant 0 : i32
      %dma_start3A_892 = arith.constant 0 : i32
      %dma_start3A_893 = tpu.memref_slice %arg15[%dma_start3A_891, %dma_start3A_892] : memref<10112x128xf32, #tpu.memory_space<vmem_shared>> -> memref<10112x128xf32, #tpu.memory_space<vmem_shared>>
      tpu.enqueue_indirect_dma source(%arg10 : memref<128x128xf32, #tpu.memory_space<vmem>>) target(%dma_start3A_893 : memref<10112x128xf32, #tpu.memory_space<vmem_shared>>) offsets(%dma_start3A_890 : memref<128xi32, #tpu.memory_space<vmem>>) semaphore(%arg14 : memref<!tpu.dma_semaphore, #tpu.memory_space<semaphore_mem>>) {add = true}
      %dma_wait3A_894 = arith.constant 30 : i32
      %dma_wait3A_895 = arith.constant 0 : i32
      %dma_wait3A_896 = tpu.memref_slice %arg8[%dma_wait3A_894, %dma_wait3A_895] : memref<32x128xi32, #tpu.memory_space<vmem>> -> memref<1x128xi32, #tpu.memory_space<vmem>>
      %dma_wait3A_897 = tpu.memref_squeeze %dma_wait3A_896 : memref<1x128xi32, #tpu.memory_space<vmem>> -> memref<128xi32, #tpu.memory_space<vmem>>
      %dma_wait3A_898 = arith.constant 0 : i32
      %dma_wait3A_899 = arith.constant 0 : i32
      %dma_wait3A_900 = tpu.memref_slice %arg15[%dma_wait3A_898, %dma_wait3A_899] : memref<10112x128xf32, #tpu.memory_space<vmem_shared>> -> memref<10112x128xf32, #tpu.memory_space<vmem_shared>>
      tpu.wait_indirect_dma semaphore(%arg13 : memref<!tpu.dma_semaphore, #tpu.memory_space<semaphore_mem>>) src(%arg9 : memref<128x128xf32, #tpu.memory_space<vmem>>) dst(%dma_wait3A_900 : memref<10112x128xf32, #tpu.memory_space<vmem_shared>>)
      %dma_wait3A_901 = arith.constant 31 : i32
      %dma_wait3A_902 = arith.constant 0 : i32
      %dma_wait3A_903 = tpu.memref_slice %arg8[%dma_wait3A_901, %dma_wait3A_902] : memref<32x128xi32, #tpu.memory_space<vmem>> -> memref<1x128xi32, #tpu.memory_space<vmem>>
      %dma_wait3A_904 = tpu.memref_squeeze %dma_wait3A_903 : memref<1x128xi32, #tpu.memory_space<vmem>> -> memref<128xi32, #tpu.memory_space<vmem>>
      %dma_wait3A_905 = arith.constant 0 : i32
      %dma_wait3A_906 = arith.constant 0 : i32
      %dma_wait3A_907 = tpu.memref_slice %arg15[%dma_wait3A_905, %dma_wait3A_906] : memref<10112x128xf32, #tpu.memory_space<vmem_shared>> -> memref<10112x128xf32, #tpu.memory_space<vmem_shared>>
      tpu.wait_indirect_dma semaphore(%arg14 : memref<!tpu.dma_semaphore, #tpu.memory_space<semaphore_mem>>) src(%arg10 : memref<128x128xf32, #tpu.memory_space<vmem>>) dst(%dma_wait3A_907 : memref<10112x128xf32, #tpu.memory_space<vmem_shared>>)
    }
    %scan3A_5 = arith.constant 5 : i32
    %barrier3A_6 = arith.constant 0 : index
    tpu.barrier barrier_id(%barrier3A_6)
    %mul3A_7 = arith.constant 632 : i32
    %mul3A_8 = arith.muli %arg1, %mul3A_7 : i32
    %mul3A_9 = arith.constant 632 : i32
    %mul3A_10 = arith.muli %arg1, %mul3A_9 : i32
    "tpu.region"() ({
      %run_scoped3A = tpu.sem_alloc : memref<!tpu.dma_semaphore, #tpu.memory_space<semaphore_mem>>
      %dma_start3A = arith.constant 0 : i32
      %dma_start3A_11 = tpu.memref_slice %arg6[%arg0, %mul3A_10, %dma_start3A] : memref<2x10112x128xf32, #tpu.memory_space<hbm>> -> memref<1x632x128xf32, #tpu.memory_space<hbm>>
      %dma_start3A_12 = tpu.memref_squeeze %dma_start3A_11 : memref<1x632x128xf32, #tpu.memory_space<hbm>> -> memref<632x128xf32, #tpu.memory_space<hbm>>
      %dma_start3A_13 = arith.constant 0 : i32
      %dma_start3A_14 = tpu.memref_slice %arg15[%mul3A_8, %dma_start3A_13] : memref<10112x128xf32, #tpu.memory_space<vmem_shared>> -> memref<632x128xf32, #tpu.memory_space<vmem_shared>>
      tpu.enqueue_dma source(%dma_start3A_14 : memref<632x128xf32, #tpu.memory_space<vmem_shared>>) target(%dma_start3A_12 : memref<632x128xf32, #tpu.memory_space<hbm>>) target_semaphore(%run_scoped3A : memref<!tpu.dma_semaphore, #tpu.memory_space<semaphore_mem>>)
      %dma_wait3A = arith.constant 0 : i32
      %dma_wait3A_15 = tpu.memref_slice %arg6[%arg0, %mul3A_10, %dma_wait3A] : memref<2x10112x128xf32, #tpu.memory_space<hbm>> -> memref<1x632x128xf32, #tpu.memory_space<hbm>>
      %dma_wait3A_16 = tpu.memref_squeeze %dma_wait3A_15 : memref<1x632x128xf32, #tpu.memory_space<hbm>> -> memref<632x128xf32, #tpu.memory_space<hbm>>
      %dma_wait3A_17 = arith.constant 0 : i32
      %dma_wait3A_18 = tpu.memref_slice %arg15[%mul3A_8, %dma_wait3A_17] : memref<10112x128xf32, #tpu.memory_space<vmem_shared>> -> memref<632x128xf32, #tpu.memory_space<vmem_shared>>
      tpu.wait_dma2 semaphore(%run_scoped3A : memref<!tpu.dma_semaphore, #tpu.memory_space<semaphore_mem>>) src(%dma_wait3A_18 : memref<632x128xf32, #tpu.memory_space<vmem_shared>>) dst(%dma_wait3A_16 : memref<632x128xf32, #tpu.memory_space<hbm>>)
      tpu.yield
    }) : () -> ()
    return
  }
}

module attributes {stable_mosaic.version = 14 : i64} {
  func.func @_pre_body(%arg0: i32, %arg1: memref<1000x128xf32, #tpu.memory_space<vmem>>, %arg2: memref<128x256xf32, #tpu.memory_space<vmem>>, %arg3: memref<1x256xf32, #tpu.memory_space<vmem>>, %arg4: memref<256x256xf32, #tpu.memory_space<vmem>>, %arg5: memref<1x256xf32, #tpu.memory_space<vmem>>, %arg6: memref<256x256xf32, #tpu.memory_space<vmem>>, %arg7: memref<1x256xf32, #tpu.memory_space<vmem>>, %arg8: memref<1000x256xf32, #tpu.memory_space<vmem>>, %arg9: memref<2x1000x128xf32, #tpu.memory_space<vmem>>) attributes {dimension_semantics = [#tpu.dimension_semantics<arbitrary>], iteration_bounds = array<i64: 10>, scalar_prefetch = 0 : i64, scratch_operands = 0 : i64, tpu.core_type = #tpu.core_type<tc>, window_params = [{transform_indices = @transform_0, window_bounds = array<i64: 1000, 128>}, {pipeline_mode = #tpu.pipeline_mode<synchronous>, transform_indices = @transform_1, window_bounds = array<i64: 128, 256>}, {pipeline_mode = #tpu.pipeline_mode<synchronous>, transform_indices = @transform_2, window_bounds = array<i64: 1, 256>}, {pipeline_mode = #tpu.pipeline_mode<synchronous>, transform_indices = @transform_3, window_bounds = array<i64: 256, 256>}, {pipeline_mode = #tpu.pipeline_mode<synchronous>, transform_indices = @transform_4, window_bounds = array<i64: 1, 256>}, {pipeline_mode = #tpu.pipeline_mode<synchronous>, transform_indices = @transform_5, window_bounds = array<i64: 256, 256>}, {pipeline_mode = #tpu.pipeline_mode<synchronous>, transform_indices = @transform_6, window_bounds = array<i64: 1, 256>}, {transform_indices = @transform_7, window_bounds = array<i64: 1000, 256>}, {transform_indices = @transform_8, window_bounds = array<i64: 2, 1000, 128>}]} {
    %get3A = arith.constant 0 : index
    %get3A_0 = arith.constant 0 : index
    %get3A_1 = vector.load %arg1[%get3A, %get3A_0] : memref<1000x128xf32, #tpu.memory_space<vmem>>, vector<1000x128xf32>
    %get3A_2 = arith.constant 0 : index
    %get3A_3 = arith.constant 0 : index
    %get3A_4 = vector.load %arg2[%get3A_2, %get3A_3] : memref<128x256xf32, #tpu.memory_space<vmem>>, vector<128x256xf32>
    %dot_general3A = arith.constant dense<0.000000e+00> : vector<1000x256xf32>
    %dot_general3A_5 = tpu.matmul %get3A_1, %get3A_4, %dot_general3A {dimension_numbers = #tpu.dot_dimension_numbers<[1], [0], [0], [1], [0, 0, 1, 1], [], []>, transpose_lhs_hint = false} : vector<1000x128xf32>, vector<128x256xf32>, vector<1000x256xf32> -> vector<1000x256xf32>
    %get3A_6 = arith.constant 0 : index
    %get3A_7 = arith.constant 0 : index
    %get3A_8 = vector.load %arg3[%get3A_6, %get3A_7] : memref<1x256xf32, #tpu.memory_space<vmem>>, vector<1x256xf32>
    %add3A = vector.broadcast %get3A_8 : vector<1x256xf32> to vector<1000x256xf32>
    %add3A_9 = arith.addf %dot_general3A_5, %add3A : vector<1000x256xf32>
    %max3A = arith.constant 0.000000e+00 : f32
    %max3A_10 = vector.broadcast %max3A : f32 to vector<1000x256xf32>
    %max3A_11 = arith.maximumf %add3A_9, %max3A_10 : vector<1000x256xf32>
    %get3A_12 = arith.constant 0 : index
    %get3A_13 = arith.constant 0 : index
    %get3A_14 = vector.load %arg4[%get3A_12, %get3A_13] : memref<256x256xf32, #tpu.memory_space<vmem>>, vector<256x256xf32>
    %dot_general3A_15 = arith.constant dense<0.000000e+00> : vector<1000x256xf32>
    %dot_general3A_16 = tpu.matmul %max3A_11, %get3A_14, %dot_general3A_15 {dimension_numbers = #tpu.dot_dimension_numbers<[1], [0], [0], [1], [0, 0, 1, 1], [], []>, transpose_lhs_hint = false} : vector<1000x256xf32>, vector<256x256xf32>, vector<1000x256xf32> -> vector<1000x256xf32>
    %get3A_17 = arith.constant 0 : index
    %get3A_18 = arith.constant 0 : index
    %get3A_19 = vector.load %arg5[%get3A_17, %get3A_18] : memref<1x256xf32, #tpu.memory_space<vmem>>, vector<1x256xf32>
    %add3A_20 = vector.broadcast %get3A_19 : vector<1x256xf32> to vector<1000x256xf32>
    %add3A_21 = arith.addf %dot_general3A_16, %add3A_20 : vector<1000x256xf32>
    %max3A_22 = arith.constant 0.000000e+00 : f32
    %max3A_23 = vector.broadcast %max3A_22 : f32 to vector<1000x256xf32>
    %max3A_24 = arith.maximumf %add3A_21, %max3A_23 : vector<1000x256xf32>
    %swap3A = arith.constant 0 : index
    %swap3A_25 = arith.constant 0 : index
    %swap3A_26 = vector.load %arg8[%swap3A, %swap3A_25] : memref<1000x256xf32, #tpu.memory_space<vmem>>, vector<1000x256xf32>
    tpu.vector_store %arg8[%swap3A, %swap3A_25], %max3A_24 {strides = array<i32>} : memref<1000x256xf32, #tpu.memory_space<vmem>>, vector<1000x256xf32>,
    %get3A_27 = arith.constant 0 : index
    %get3A_28 = arith.constant 0 : index
    %get3A_29 = vector.load %arg6[%get3A_27, %get3A_28] : memref<256x256xf32, #tpu.memory_space<vmem>>, vector<256x256xf32>
    %dot_general3A_30 = arith.constant dense<0.000000e+00> : vector<1000x256xf32>
    %dot_general3A_31 = tpu.matmul %max3A_24, %get3A_29, %dot_general3A_30 {dimension_numbers = #tpu.dot_dimension_numbers<[1], [0], [0], [1], [0, 0, 1, 1], [], []>, transpose_lhs_hint = false} : vector<1000x256xf32>, vector<256x256xf32>, vector<1000x256xf32> -> vector<1000x256xf32>
    %get3A_32 = arith.constant 0 : index
    %get3A_33 = arith.constant 0 : index
    %get3A_34 = vector.load %arg7[%get3A_32, %get3A_33] : memref<1x256xf32, #tpu.memory_space<vmem>>, vector<1x256xf32>
    %add3A_35 = vector.broadcast %get3A_34 : vector<1x256xf32> to vector<1000x256xf32>
    %add3A_36 = arith.addf %dot_general3A_31, %add3A_35 : vector<1000x256xf32>
    %slice3A = vector.extract_strided_slice %add3A_36 {offsets = [0, 0], sizes = [1000, 128], strides = [1, 1]} : vector<1000x256xf32> to vector<1000x128xf32>
    %swap3A_37 = arith.constant 0 : index
    %swap3A_38 = arith.constant 0 : index
    %swap3A_39 = arith.constant 0 : index
    %swap3A_40 = vector.load %arg9[%swap3A_37, %swap3A_38, %swap3A_39] : memref<2x1000x128xf32, #tpu.memory_space<vmem>>, vector<1x1000x128xf32>
    %swap3A_41 = vector.shape_cast %swap3A_40 : vector<1x1000x128xf32> to vector<1000x128xf32>
    %swap3A_42 = vector.shape_cast %slice3A : vector<1000x128xf32> to vector<1x1000x128xf32>
    tpu.vector_store %arg9[%swap3A_37, %swap3A_38, %swap3A_39], %swap3A_42 {strides = array<i32>} : memref<2x1000x128xf32, #tpu.memory_space<vmem>>, vector<1x1000x128xf32>,
    %slice3A_43 = vector.extract_strided_slice %add3A_36 {offsets = [0, 128], sizes = [1000, 128], strides = [1, 1]} : vector<1000x256xf32> to vector<1000x128xf32>
    %swap3A_44 = arith.constant 1 : index
    %swap3A_45 = arith.constant 0 : index
    %swap3A_46 = arith.constant 0 : index
    %swap3A_47 = vector.load %arg9[%swap3A_44, %swap3A_45, %swap3A_46] : memref<2x1000x128xf32, #tpu.memory_space<vmem>>, vector<1x1000x128xf32>
    %swap3A_48 = vector.shape_cast %swap3A_47 : vector<1x1000x128xf32> to vector<1000x128xf32>
    %swap3A_49 = vector.shape_cast %slice3A_43 : vector<1000x128xf32> to vector<1x1000x128xf32>
    tpu.vector_store %arg9[%swap3A_44, %swap3A_45, %swap3A_46], %swap3A_49 {strides = array<i32>} : memref<2x1000x128xf32, #tpu.memory_space<vmem>>, vector<1x1000x128xf32>,
    return
  }
  func.func @transform_0(%arg0: i32) -> (i32, i32) {
    %c0_i32 = arith.constant 0 : i32
    %c0_i32_0 = arith.constant 0 : i32
    return %arg0, %c0_i32 : i32, i32
  }
  func.func @transform_1(%arg0: i32) -> (i32, i32) {
    %c0_i32 = arith.constant 0 : i32
    %c0_i32_0 = arith.constant 0 : i32
    %c0_i32_1 = arith.constant 0 : i32
    return %c0_i32, %c0_i32_0 : i32, i32
  }
  func.func @transform_2(%arg0: i32) -> (i32, i32) {
    %c0_i32 = arith.constant 0 : i32
    %c0_i32_0 = arith.constant 0 : i32
    %c0_i32_1 = arith.constant 0 : i32
    return %c0_i32, %c0_i32_0 : i32, i32
  }
  func.func @transform_3(%arg0: i32) -> (i32, i32) {
    %c0_i32 = arith.constant 0 : i32
    %c0_i32_0 = arith.constant 0 : i32
    %c0_i32_1 = arith.constant 0 : i32
    return %c0_i32, %c0_i32_0 : i32, i32
  }
  func.func @transform_4(%arg0: i32) -> (i32, i32) {
    %c0_i32 = arith.constant 0 : i32
    %c0_i32_0 = arith.constant 0 : i32
    %c0_i32_1 = arith.constant 0 : i32
    return %c0_i32, %c0_i32_0 : i32, i32
  }
  func.func @transform_5(%arg0: i32) -> (i32, i32) {
    %c0_i32 = arith.constant 0 : i32
    %c0_i32_0 = arith.constant 0 : i32
    %c0_i32_1 = arith.constant 0 : i32
    return %c0_i32, %c0_i32_0 : i32, i32
  }
  func.func @transform_6(%arg0: i32) -> (i32, i32) {
    %c0_i32 = arith.constant 0 : i32
    %c0_i32_0 = arith.constant 0 : i32
    %c0_i32_1 = arith.constant 0 : i32
    return %c0_i32, %c0_i32_0 : i32, i32
  }
  func.func @transform_7(%arg0: i32) -> (i32, i32) {
    %c0_i32 = arith.constant 0 : i32
    %c0_i32_0 = arith.constant 0 : i32
    return %arg0, %c0_i32 : i32, i32
  }
  func.func @transform_8(%arg0: i32) -> (i32, i32, i32) {
    %c0_i32 = arith.constant 0 : i32
    %c0_i32_0 = arith.constant 0 : i32
    %c0_i32_1 = arith.constant 0 : i32
    return %c0_i32, %arg0, %c0_i32_0 : i32, i32, i32
  }
}

module attributes {stable_mosaic.version = 14 : i64} {
  func.func @_post_body(%arg0: i32, %arg1: memref<2x1000x128xf32, #tpu.memory_space<vmem>>, %arg2: memref<1000x256xf32, #tpu.memory_space<vmem>>, %arg3: memref<128x256xf32, #tpu.memory_space<vmem>>, %arg4: memref<128x256xf32, #tpu.memory_space<vmem>>, %arg5: memref<256x256xf32, #tpu.memory_space<vmem>>, %arg6: memref<1x256xf32, #tpu.memory_space<vmem>>, %arg7: memref<256x128xf32, #tpu.memory_space<vmem>>, %arg8: memref<1x128xf32, #tpu.memory_space<vmem>>, %arg9: memref<1000x128xf32, #tpu.memory_space<vmem>>) attributes {dimension_semantics = [#tpu.dimension_semantics<arbitrary>], iteration_bounds = array<i64: 10>, scalar_prefetch = 0 : i64, scratch_operands = 0 : i64, tpu.core_type = #tpu.core_type<tc>, window_params = [{transform_indices = @transform_0, window_bounds = array<i64: 2, 1000, 128>}, {transform_indices = @transform_1, window_bounds = array<i64: 1000, 256>}, {pipeline_mode = #tpu.pipeline_mode<synchronous>, transform_indices = @transform_2, window_bounds = array<i64: 128, 256>}, {pipeline_mode = #tpu.pipeline_mode<synchronous>, transform_indices = @transform_3, window_bounds = array<i64: 128, 256>}, {pipeline_mode = #tpu.pipeline_mode<synchronous>, transform_indices = @transform_4, window_bounds = array<i64: 256, 256>}, {pipeline_mode = #tpu.pipeline_mode<synchronous>, transform_indices = @transform_5, window_bounds = array<i64: 1, 256>}, {pipeline_mode = #tpu.pipeline_mode<synchronous>, transform_indices = @transform_6, window_bounds = array<i64: 256, 128>}, {pipeline_mode = #tpu.pipeline_mode<synchronous>, transform_indices = @transform_7, window_bounds = array<i64: 1, 128>}, {transform_indices = @transform_8, window_bounds = array<i64: 1000, 128>}]} {
    %get3A = arith.constant 0 : index
    %get3A_0 = arith.constant 0 : index
    %get3A_1 = arith.constant 0 : index
    %get3A_2 = vector.load %arg1[%get3A, %get3A_0, %get3A_1] : memref<2x1000x128xf32, #tpu.memory_space<vmem>>, vector<1x1000x128xf32>
    %get3A_3 = vector.shape_cast %get3A_2 : vector<1x1000x128xf32> to vector<1000x128xf32>
    %max3A = arith.constant 0.000000e+00 : f32
    %max3A_4 = vector.broadcast %max3A : f32 to vector<1000x128xf32>
    %max3A_5 = arith.maximumf %get3A_3, %max3A_4 : vector<1000x128xf32>
    %get3A_6 = arith.constant 1 : index
    %get3A_7 = arith.constant 0 : index
    %get3A_8 = arith.constant 0 : index
    %get3A_9 = vector.load %arg1[%get3A_6, %get3A_7, %get3A_8] : memref<2x1000x128xf32, #tpu.memory_space<vmem>>, vector<1x1000x128xf32>
    %get3A_10 = vector.shape_cast %get3A_9 : vector<1x1000x128xf32> to vector<1000x128xf32>
    %max3A_11 = arith.constant 0.000000e+00 : f32
    %max3A_12 = vector.broadcast %max3A_11 : f32 to vector<1000x128xf32>
    %max3A_13 = arith.maximumf %get3A_10, %max3A_12 : vector<1000x128xf32>
    %get3A_14 = arith.constant 0 : index
    %get3A_15 = arith.constant 0 : index
    %get3A_16 = vector.load %arg3[%get3A_14, %get3A_15] : memref<128x256xf32, #tpu.memory_space<vmem>>, vector<128x256xf32>
    %dot_general3A = arith.constant dense<0.000000e+00> : vector<1000x256xf32>
    %dot_general3A_17 = tpu.matmul %max3A_5, %get3A_16, %dot_general3A {dimension_numbers = #tpu.dot_dimension_numbers<[1], [0], [0], [1], [0, 0, 1, 1], [], []>, transpose_lhs_hint = false} : vector<1000x128xf32>, vector<128x256xf32>, vector<1000x256xf32> -> vector<1000x256xf32>
    %get3A_18 = arith.constant 0 : index
    %get3A_19 = arith.constant 0 : index
    %get3A_20 = vector.load %arg4[%get3A_18, %get3A_19] : memref<128x256xf32, #tpu.memory_space<vmem>>, vector<128x256xf32>
    %dot_general3A_21 = arith.constant dense<0.000000e+00> : vector<1000x256xf32>
    %dot_general3A_22 = tpu.matmul %max3A_13, %get3A_20, %dot_general3A_21 {dimension_numbers = #tpu.dot_dimension_numbers<[1], [0], [0], [1], [0, 0, 1, 1], [], []>, transpose_lhs_hint = false} : vector<1000x128xf32>, vector<128x256xf32>, vector<1000x256xf32> -> vector<1000x256xf32>
    %add3A = arith.addf %dot_general3A_17, %dot_general3A_22 : vector<1000x256xf32>
    %get3A_23 = arith.constant 0 : index
    %get3A_24 = arith.constant 0 : index
    %get3A_25 = vector.load %arg2[%get3A_23, %get3A_24] : memref<1000x256xf32, #tpu.memory_space<vmem>>, vector<1000x256xf32>
    %get3A_26 = arith.constant 0 : index
    %get3A_27 = arith.constant 0 : index
    %get3A_28 = vector.load %arg5[%get3A_26, %get3A_27] : memref<256x256xf32, #tpu.memory_space<vmem>>, vector<256x256xf32>
    %dot_general3A_29 = arith.constant dense<0.000000e+00> : vector<1000x256xf32>
    %dot_general3A_30 = tpu.matmul %get3A_25, %get3A_28, %dot_general3A_29 {dimension_numbers = #tpu.dot_dimension_numbers<[1], [0], [0], [1], [0, 0, 1, 1], [], []>, transpose_lhs_hint = false} : vector<1000x256xf32>, vector<256x256xf32>, vector<1000x256xf32> -> vector<1000x256xf32>
    %add3A_31 = arith.addf %add3A, %dot_general3A_30 : vector<1000x256xf32>
    %get3A_32 = arith.constant 0 : index
    %get3A_33 = arith.constant 0 : index
    %get3A_34 = vector.load %arg6[%get3A_32, %get3A_33] : memref<1x256xf32, #tpu.memory_space<vmem>>, vector<1x256xf32>
    %add3A_35 = vector.broadcast %get3A_34 : vector<1x256xf32> to vector<1000x256xf32>
    %add3A_36 = arith.addf %add3A_31, %add3A_35 : vector<1000x256xf32>
    %max3A_37 = arith.constant 0.000000e+00 : f32
    %max3A_38 = vector.broadcast %max3A_37 : f32 to vector<1000x256xf32>
    %max3A_39 = arith.maximumf %add3A_36, %max3A_38 : vector<1000x256xf32>
    %get3A_40 = arith.constant 0 : index
    %get3A_41 = arith.constant 0 : index
    %get3A_42 = vector.load %arg7[%get3A_40, %get3A_41] : memref<256x128xf32, #tpu.memory_space<vmem>>, vector<256x128xf32>
    %dot_general3A_43 = arith.constant dense<0.000000e+00> : vector<1000x128xf32>
    %dot_general3A_44 = tpu.matmul %max3A_39, %get3A_42, %dot_general3A_43 {dimension_numbers = #tpu.dot_dimension_numbers<[1], [0], [0], [1], [0, 0, 1, 1], [], []>, transpose_lhs_hint = false} : vector<1000x256xf32>, vector<256x128xf32>, vector<1000x128xf32> -> vector<1000x128xf32>
    %get3A_45 = arith.constant 0 : index
    %get3A_46 = arith.constant 0 : index
    %get3A_47 = vector.load %arg8[%get3A_45, %get3A_46] : memref<1x128xf32, #tpu.memory_space<vmem>>, vector<1x128xf32>
    %add3A_48 = vector.broadcast %get3A_47 : vector<1x128xf32> to vector<1000x128xf32>
    %add3A_49 = arith.addf %dot_general3A_44, %add3A_48 : vector<1000x128xf32>
    %swap3A = arith.constant 0 : index
    %swap3A_50 = arith.constant 0 : index
    %swap3A_51 = vector.load %arg9[%swap3A, %swap3A_50] : memref<1000x128xf32, #tpu.memory_space<vmem>>, vector<1000x128xf32>
    tpu.vector_store %arg9[%swap3A, %swap3A_50], %add3A_49 {strides = array<i32>} : memref<1000x128xf32, #tpu.memory_space<vmem>>, vector<1000x128xf32>,
    return
  }
  func.func @transform_0(%arg0: i32) -> (i32, i32, i32) {
    %c0_i32 = arith.constant 0 : i32
    %c0_i32_0 = arith.constant 0 : i32
    %c0_i32_1 = arith.constant 0 : i32
    return %c0_i32, %arg0, %c0_i32_0 : i32, i32, i32
  }
  func.func @transform_1(%arg0: i32) -> (i32, i32) {
    %c0_i32 = arith.constant 0 : i32
    %c0_i32_0 = arith.constant 0 : i32
    return %arg0, %c0_i32 : i32, i32
  }
  func.func @transform_2(%arg0: i32) -> (i32, i32) {
    %c0_i32 = arith.constant 0 : i32
    %c0_i32_0 = arith.constant 0 : i32
    %c0_i32_1 = arith.constant 0 : i32
    return %c0_i32, %c0_i32_0 : i32, i32
  }
  func.func @transform_3(%arg0: i32) -> (i32, i32) {
    %c0_i32 = arith.constant 0 : i32
    %c0_i32_0 = arith.constant 0 : i32
    %c0_i32_1 = arith.constant 0 : i32
    return %c0_i32, %c0_i32_0 : i32, i32
  }
  func.func @transform_4(%arg0: i32) -> (i32, i32) {
    %c0_i32 = arith.constant 0 : i32
    %c0_i32_0 = arith.constant 0 : i32
    %c0_i32_1 = arith.constant 0 : i32
    return %c0_i32, %c0_i32_0 : i32, i32
  }
  func.func @transform_5(%arg0: i32) -> (i32, i32) {
    %c0_i32 = arith.constant 0 : i32
    %c0_i32_0 = arith.constant 0 : i32
    %c0_i32_1 = arith.constant 0 : i32
    return %c0_i32, %c0_i32_0 : i32, i32
  }
  func.func @transform_6(%arg0: i32) -> (i32, i32) {
    %c0_i32 = arith.constant 0 : i32
    %c0_i32_0 = arith.constant 0 : i32
    %c0_i32_1 = arith.constant 0 : i32
    return %c0_i32, %c0_i32_0 : i32, i32
  }
  func.func @transform_7(%arg0: i32) -> (i32, i32) {
    %c0_i32 = arith.constant 0 : i32
    %c0_i32_0 = arith.constant 0 : i32
    %c0_i32_1 = arith.constant 0 : i32
    return %c0_i32, %c0_i32_0 : i32, i32
  }
  func.func @transform_8(%arg0: i32) -> (i32, i32) {
    %c0_i32 = arith.constant 0 : i32
    %c0_i32_0 = arith.constant 0 : i32
    return %arg0, %c0_i32 : i32, i32
  }
}

</mosaic_0001>

<sc_bundles>
// kernel: kernel.5.cloned.1.call-start
scs
__scs_entry_jumppad:
0x0: {  	(pc) =	sbr.rel $0x88, $3  }
0x1: {  	(tag) =	ssettag $0x0;
	lr =	simm.s32 $0x1  }
0x2: {  	[smem:$0x3F95] =	sst lr;
	_ =	strace $0xD0000000  }
0x3: {  	_ = 	snop  }
0x4: {  	_ = 	snop  }
0x5: {  	_ = 	snop  }
0x6: {  	_ = 	snop  }
0x7: {  	_ = 	snop  }
__scs_overlays_trampoline_lowered:
0x8: {  	[smem:$0x3FA4] =	sst s0  }
0x9: {  	[smem:$0x3FA5] =	sst s1  }
0xa: {  	[smem:$0x3FA6] =	sst s2  }
0xb: {  	[smem:$0x3FA7] =	sst s3  }
0xc: {  	[smem:$0x3FA8] =	sst s4  }
0xd: {  	[smem:$0x3FA9] =	sst s5  }
0xe: {  	[smem:$0x3FAA] =	sst s6  }
0xf: {  	[smem:$0x3FAB] =	sst s7  }
0x10: {  	[smem:$0x3FAC] =	sst s8  }
0x11: {  	[smem:$0x3FAD] =	sst s9;
	s0 =	simm.s32 @!p0 $0x0  }
0x12: {  	s1 =	sld [smem:$0x3F93];
	s0 =	simm.s32 @p0 $0x1  }
0x13: {  	[smem:$0x3FAE] =	sst s0;
	s0 =	simm.s32 @!p1 $0x0  }
0x14: {  	s2 =	sld [smem:$0x3F92];
	s0 =	simm.s32 @p1 $0x1  }
0x15: {  	[smem:$0x3FAF] =	sst s0;
	s0 =	simm.s32 @!p2 $0x0  }
0x16: {  	s3 =	sld [smem:$0x3FDB];
	s0 =	simm.s32 @p2 $0x1  }
0x17: {  	s4 =	simm.s32 $0x1BF5;
	[smem:$0x3FB1] =	sst s0  }
0x18: {  	s0 =	sld [smem:$0x3F94];
	_ =	swait.ge [sflag:s4], $0x0  }
0x19: {  	s7 =	sld [smem:$0x3F95]  }
0x1a: {  	s8 =	sadd.s32 $0xFFFFE003, lr  }
0x1b: {  	s9 =	sadd.s32 $0xFFFFFEF7, lr;
	s5 =	simm.s32 $0xFFFFFFFF;
	p2 =	slt.u32 s8, $0xFFFFF086  }
0x1c: {  	p1 =	slt.u32 s9, $0xF7A;
	s5 =	simm.s32 @!p2 $0x0  }
0x1d: {  	s5 =	simm.s32 @p1 $0x1;
	p0 =	seq.s32 s7, s2  }
0x1e: {  	s7 =	smul.u32 @!p0 $0xF7A, s2;
	p2 =	seq.s32 @!p0 s5, $0x0  }
0x1f: {  	s9 =	smul.u32 $0xF7A, s1;
	s8 =	simm.s32 @!p0 $0x1BF5;
	p2 =	por !p2, p0  }
0x20: {  	[sflag:s8] =	ssyncset.s32 @!p0 $0xFFFFF086;
	s6 =	sadd.s32 @!p0 s3, s7;
	s7 =	simm.s32 @!p0 $0x108  }
0x21: {  	s3 =	sadd.s32 s3, s9;
	s6 =	sadd.s32 @!p0 $0x88, s6;
	s7 =	simm.s32 @p2 $0x1082  }
0x22: {  	[simem:s7], [sflag:s8] =	dma.local @!p0 [hbm:s6], $0xF7A  }
0x23: {  	s9 =	sor.u32 $0xD0000000, s2;
	s6 =	simm.s32 $0x108;
	_ =	swait.ge @!p0 [sflag:s8], $0x0  }
0x24: {  	s3 =	sadd.s32 $0x88, s3;
	s6 =	simm.s32 @!p1 $0x1082;
	[sflag:s4] =	ssyncset.s32 $0xFFFFF086  }
0x25: {  	[simem:s6], [sflag:s4] =	dma.local [hbm:s3], $0xF7A  }
0x26: {  	[smem:$0x3F95] =	sst s1;
	(tag) =	ssettag s2;
	_ =	strace s9  }
0x27: {  	s1 =	sld [smem:$0x3FA5]  }
0x28: {  	s2 =	sld [smem:$0x3FA6]  }
0x29: {  	s4 =	sld [smem:$0x3FA8]  }
0x2a: {  	p0 =	seq.s32 s5, $0x0;
	s5 =	sld [smem:$0x3FA9]  }
0x2b: {  	s6 =	sld [smem:$0x3FAA]  }
0x2c: {  	s7 =	sld [smem:$0x3FAB]  }
0x2d: {  	s3 =	simm.s32 $0x108;
	s8 =	sld [smem:$0x3FAC]  }
0x2e: {  	s3 =	simm.s32 @!p0 $0x1082;
	s9 =	sld [smem:$0x3FAD]  }
0x2f: {  	lr =	sadd.s32 s0, s3;
	s0 =	sld [smem:$0x3FA4]  }
0x30: {  	s3 =	sld [smem:$0x3FA7]  }
0x31: {  	[smem:$0x3FB0] =	sst s10  }
0x32: {  	s10 =	sld [smem:$0x3FAE];
	_ =	sdelay $0x3  }
0x33: {  	p0 =	seq.s32 s10, $0x1;
	s10 =	sld [smem:$0x3FB0];
	_ =	sdelay $0x3  }
0x34: {  	[smem:$0x3FB0] =	sst s10  }
0x35: {  	s10 =	sld [smem:$0x3FAF];
	_ =	sdelay $0x3  }
0x36: {  	p1 =	seq.s32 s10, $0x1;
	s10 =	sld [smem:$0x3FB0];
	_ =	sdelay $0x3  }
0x37: {  	[smem:$0x3FB0] =	sst s10  }
0x38: {  	s10 =	sld [smem:$0x3FB1]  }
0x39: {  	_ = 	snop;
	(pc) =	sbr.ind lr, $3  }
0x3a: {  	_ = 	snop  }
0x3b: {  	_ = 	snop  }
0x3c: {  	p2 =	seq.s32 s10, $0x1;
	s10 =	sld [smem:$0x3FB0]  }
0x3d: {  	_ =	shalt  }
0x3e: {  	_ =	shalt  }
0x3f: {  	_ =	shalt  }
0x40: {  	_ =	shalt  }
0x41: {  	_ =	shalt  }
0x42: {  	_ =	shalt  }
0x43: {  	_ =	shalt  }
0x44: {  	_ =	shalt  }
0x45: {  	_ =	shalt  }
0x46: {  	_ =	shalt  }
0x47: {  	_ =	shalt  }
0x48: {  	_ =	shalt  }
0x49: {  	_ =	shalt  }
0x4a: {  	_ =	shalt  }
0x4b: {  	_ =	shalt  }
0x4c: {  	_ =	shalt  }
0x4d: {  	_ =	shalt  }
0x4e: {  	_ =	shalt  }
0x4f: {  	_ =	shalt  }
0x50: {  	_ =	shalt  }
0x51: {  	_ =	shalt  }
0x52: {  	_ =	shalt  }
0x53: {  	_ =	shalt  }
0x54: {  	_ =	shalt  }
0x55: {  	_ =	shalt  }
0x56: {  	_ =	shalt  }
0x57: {  	_ =	shalt  }
0x58: {  	_ =	shalt  }
0x59: {  	_ =	shalt  }
0x5a: {  	_ =	shalt  }
0x5b: {  	_ =	shalt  }
0x5c: {  	_ =	shalt  }
0x5d: {  	_ =	shalt  }
0x5e: {  	_ =	shalt  }
0x5f: {  	_ =	shalt  }
0x60: {  	_ =	shalt  }
0x61: {  	_ =	shalt  }
0x62: {  	_ =	shalt  }
0x63: {  	_ =	shalt  }
0x64: {  	_ =	shalt  }
0x65: {  	_ =	shalt  }
0x66: {  	_ =	shalt  }
0x67: {  	_ =	shalt  }
0x68: {  	_ =	shalt  }
0x69: {  	_ =	shalt  }
0x6a: {  	_ =	shalt  }
0x6b: {  	_ =	shalt  }
0x6c: {  	_ =	shalt  }
0x6d: {  	_ =	shalt  }
0x6e: {  	_ =	shalt  }
0x6f: {  	_ =	shalt  }
0x70: {  	_ =	shalt  }
0x71: {  	_ =	shalt  }
0x72: {  	_ =	shalt  }
0x73: {  	_ =	shalt  }
0x74: {  	_ =	shalt  }
0x75: {  	_ =	shalt  }
0x76: {  	_ =	shalt  }
0x77: {  	_ =	shalt  }
0x78: {  	_ =	shalt  }
0x79: {  	_ =	shalt  }
0x7a: {  	_ =	shalt  }
0x7b: {  	_ =	shalt  }
0x7c: {  	_ =	shalt  }
0x7d: {  	_ =	shalt  }
0x7e: {  	_ =	shalt  }
0x7f: {  	_ =	shalt  }
0x80: {  	_ =	shalt  }
0x81: {  	_ =	shalt  }
0x82: {  	_ =	shalt  }
0x83: {  	_ =	shalt  }
0x84: {  	_ =	shalt  }
0x85: {  	_ =	shalt  }
0x86: {  	_ =	shalt  }
0x87: {  	_ =	shalt  }
.Lfunc_end0:
.L_simem_size_0:
called_computation_lowered:
.L_overlay_start_0:
0x88: {  	s2 =	sld [smem:$0x3FD9]  }
0x89: {  	s3 =	sld [smem:$0x3FFE];
	_ =	sdelay $0x1  }
0x8a: {  	s1 =	srdreg.scid  }
0x8b: {  	s0 =	sand.u32 $0x1, s1  }
0x8c: {  	s17 =	sshll.u32 s0, $0xA;
	s2 =	sadd.s32 s3, s2  }
0x8d: {  	s2 =	sadd.s32 s2, s17  }
0x8e: {  	[smem:$0x3FBC] =	sst s2  }
0x8f: {  	_ = 	snop  }
0x90: {  	s2 =	sld [smem:$0x3FD0];
	(tm) =	ssettm $0x1  }
0x91: {  	s18 =	sld [smem:$0x3FFB];
	_ =	sdelay $0x3  }
0x92: {  	_ =	strace s18  }
0x93: {  	s3 =	sld [smem:$0x3FFC];
	_ =	sdelay $0x3  }
0x94: {  	_ =	strace s3  }
0x95: {  	s3 =	sld [smem:$0x3FFD];
	_ =	sdelay $0x3  }
0x96: {  	_ =	strace s3  }
0x97: {  	_ =	strace $0x8FFFFFFF  }
0x98: {  	s19 =	sld [smem:$0x3FDB];
	_ =	sdelay $0x1  }
0x99: {  	s4 =	simm.s32 $_scs_section_size  }
0x9a: {  	s5 =	simm.s32 $_size__tile_overlayer_lowered;
	s6 =	simm.s32 $_tile_overlayer_lowered  }
0x9b: {  	s22 =	simm.s32 $0x1BFF;
	s21 =	sshll.u32 s6, $0x1;
	s3 =	sadd.s32 s4, s19  }
0x9c: {  	s7 =	simm.s32 $0x0;
	s20 =	sshll.u32 s5, $0x1;
	s5 =	sadd.s32 s21, s3  }
0x9d: {  	[timem:s7], [sflag:s22] =	dma.local [hbm:s5], s20  }
0x9e: {  	_ =	swait.ge [sflag:s22], s20  }
0x9f: {  	s4 =	ssub.s32 $0x0, s20;
	[sflag:s22] =	ssyncset.done $0x0  }
0xa0: {  	[sflag:s22] =	ssyncadd.s32 s4;
	_ =	sdelay $0x1  }
0xa1: {  	s23 =	simm.s32 $0x1B8B  }
0xa2: {  	_ =	swait.ge [sflag:s23], $0x1  }
0xa3: {  	[sflag:s23] =	ssyncset.done $0x0  }
0xa4: {  	s25 =	simm.s32 $0x1B8E;
	s24 =	sld [smem:$0x3FFE];
	[sflag:s23] =	ssyncadd.s32 $0xFFFFFFFF  }
0xa5: {  	s26 =	simm.s32 $execute0_lowered;
	[smem:$0x3FD2] =	sst s25  }
0xa6: {  	s5 =	sshll.u32 s26, $0x1;
	_ =	strace $0x80000046;
	[dreg:$0x1] =	wrdreg $0xFFFFFFFF  }
0xa7: {  	s28 =	simm.s32 $_size_execute0_lowered;
	s3 =	sadd.s32 s3, s5;
	[dreg:$0x0] =	wrdreg $0x0  }
0xa8: {  	s5 =	sshll.u32 s28, $0x1;
	[dreg:$0x2] =	wrdreg s3  }
0xa9: {  	[dreg:$0x3] =	wrdreg s5  }
0xaa: {  	[dreg:$0x4] =	wrdreg $0xC0  }
0xab: {  	_ =	task [dreg:s7], $0x5FFFF  }
0xac: {  	[dreg:$0x1] =	wrdreg $0xFFFFFFFF  }
0xad: {  	[dreg:$0x0] =	wrdreg $0x60  }
0xae: {  	[dreg:$0x2] =	wrdreg s24  }
0xaf: {  	[dreg:$0x3] =	wrdreg s2  }
0xb0: {  	[dreg:$0x4] =	wrdreg $0xA0000  }
0xb1: {  	[dreg:$0x5] =	wrdreg $0x9  }
0xb2: {  	_ =	task.clear_ibuf [dreg:s7], $0x6FFFF;
	_ =	strace $0x90000046  }
0xb3: {  	s29 =	simm.s32 $0x9;
	_ =	strace $0x80000048  }
0xb4: {  	_ =	swait.ge [sflag:s29], $0x1  }
0xb5: {  	[sflag:s29] =	ssyncadd.s32 $0xFFFFFFFF  }
0xb6: {  	_ =	strace $0x90000048  }
0xb7: {  	_ =	sfence  }
0xb8: {  	s30 =	sld [smem:$0x0];
	_ =	sdelay $0x2  }
0xb9: {  	s31 =	sshll.u32 s1, $0xD;
	s1 =	sshrl.u32 s1, $0x2  }
0xba: {  	s3 =	sand.u32 $0x4000, s31;
	s1 =	sadd.s32 s1, s30  }
0xbb: {  	s0 =	sor.u32 s3, s0;
	s1 =	sshll.u32 s1, $0x11  }
0xbc: {  	s0 =	sor.u32 s1, s0  }
0xbd: {  	s0 =	sadd.s32 $0x8F2B, s0  }
0xbe: {  	[sflag:s0] =	ssyncadd.remote.s32 $0x1  }
0xbf: {  	_ =	sfence.sel $0xFFFF  }
0xc0: {  	[dreg:$0x0] =	wrdreg $0xFFFFFFFF;
	(pc) =	sbr.abs _section_cstart, $3  }
0xc1: {  	[dreg:$0x1] =	wrdreg $0xFFFFFFFF  }
0xc2: {  	_ =	task.clear_ibuf [dreg:s7], $0x2FFFF;
	_ =	strace $0x9FFFFFFF  }
0xc3: {  	(tm) =	ssettm $0x7FFFFFFF  }
tec
execute0_lowered:
.L_overlay_start_1:
0x0: {  	(tag) =	ssettag $0x1  }
0x1: {  	s0 =	rddreg [dreg:$0x0]  }
0x2: {  	s4 =	rddreg [dreg:$0x1]  }
0x3: {  	s2 =	rddreg [dreg:$0x2];
	s3 =	simm.s32 $0x0  }
0x4: {  	s14 =	simm.s32 $0x100;
	[smem:$0x7FF] =	sst s3  }
0x5: {  	s15 =	simm.s32 $0x1080;
	_ =	strace $0x80000047;
	[dreg:$0x6] =	wrdreg s14  }
0x6: {  	s16 =	simm.s32 $0x180;
	[dreg:$0x7] =	wrdreg s15  }
0x7: {  	s17 =	simm.s32 $0x1100;
	[dreg:$0x8] =	wrdreg s16  }
0x8: {  	s18 =	simm.s32 $0x200;
	[dreg:$0x9] =	wrdreg s17  }
0x9: {  	s19 =	simm.s32 $0x1180;
	[dreg:$0xa] =	wrdreg s18  }
0xa: {  	s20 =	simm.s32 $0x280;
	[dreg:$0xb] =	wrdreg s19  }
0xb: {  	s21 =	simm.s32 $0x1200;
	[dreg:$0xc] =	wrdreg s20  }
0xc: {  	s22 =	simm.s32 $0x300;
	[dreg:$0xd] =	wrdreg s21  }
0xd: {  	s23 =	simm.s32 $0x1280;
	[dreg:$0xe] =	wrdreg s22  }
0xe: {  	s24 =	simm.s32 $0x380;
	[dreg:$0xf] =	wrdreg s23  }
0xf: {  	s1 =	srdreg.scid;
	s25 =	simm.s32 $0x1300;
	[dreg:$0x10] =	wrdreg s24  }
0x10: {  	s8 =	stileid.u32;
	s26 =	simm.s32 $0x400;
	[dreg:$0x11] =	wrdreg s25  }
0x11: {  	s9 =	simm.s32 $0x500;
	s10 =	simm.s32 $0x1480;
	[dreg:$0x12] =	wrdreg s26  }
0x12: {  	s11 =	simm.s32 $0x580;
	s28 =	simm.s32 $0xE80;
	[dreg:$0x16] =	wrdreg s9  }
0x13: {  	s29 =	simm.s32 $0x1E00;
	s30 =	simm.s32 $0xF00;
	[dreg:$0x17] =	wrdreg s10  }
0x14: {  	s31 =	simm.s32 $0x1E80;
	[dreg:$0x18] =	wrdreg s11;
	s15 =	simm.s32 $0x1580  }
0x15: {  	s1 =	sand.u32 $0x1, s1;
	s9 =	sadd.s32 $0xC000, s0;
	[dreg:$0x1b] =	wrdreg s15  }
0x16: {  	s6 =	smul.u32 $0x5000, s8;
	s17 =	simm.s32 $0x680;
	[smem:$0x7E5] =	sst s9  }
0x17: {  	s7 =	smul.u32 $0xA00, s8;
	s18 =	simm.s32 $0x1600;
	[dreg:$0x1c] =	wrdreg s17  }
0x18: {  	s5 =	smul.u32 $0x50000, s1;
	s19 =	simm.s32 $0x700;
	[dreg:$0x1d] =	wrdreg s18  }
0x19: {  	s14 =	smul.u32 $0x13C000, s1;
	s20 =	simm.s32 $0x1680;
	[dreg:$0x1e] =	wrdreg s19  }
0x1a: {  	s16 =	smul.u32 $0x13C00, s8;
	s21 =	simm.s32 $0x780;
	[dreg:$0x1f] =	wrdreg s20  }
0x1b: {  	s1 =	ssub.s32 $0x2, s1;
	s22 =	simm.s32 $0x1700;
	[smem:$0x7E6] =	sst s21  }
0x1c: {  	s24 =	simm.s32 $0x800;
	s25 =	smul.u32 $0x4F000, s8;
	[smem:$0x7E7] =	sst s22  }
0x1d: {  	s26 =	simm.s32 $0x1780;
	s11 =	simm.s32 $0x1800;
	[smem:$0x7E8] =	sst s24  }
0x1e: {  	s12 =	sadd.s32 s7, s0;
	s7 =	simm.s32 $0x1400;
	[smem:$0x7E9] =	sst s26  }
0x1f: {  	s23 =	sshrl.u32 s1, $0x1;
	s9 =	simm.s32 $0x880;
	[smem:$0x7EB] =	sst s11  }
0x20: {  	s15 =	simm.s32 $0x980;
	s17 =	simm.s32 $0xA00;
	[dreg:$0x15] =	wrdreg s7  }
0x21: {  	s18 =	simm.s32 $0x1980;
	s19 =	simm.s32 $0xA80;
	[smem:$0x7EA] =	sst s9  }
0x22: {  	s11 =	simm.s32 $0x1000;
	s20 =	simm.s32 $0x1A00;
	[smem:$0x7EF] =	sst s15  }
0x23: {  	s21 =	simm.s32 $0xB00;
	s22 =	simm.s32 $0x1A80;
	[smem:$0x7F2] =	sst s17  }
0x24: {  	s24 =	simm.s32 $0x1B00;
	s26 =	simm.s32 $0x1B80;
	[smem:$0x7F3] =	sst s18  }
0x25: {  	s5 =	sadd.s32 s5, s6;
	s13 =	sadd.s32 $0x2000, s12;
	[smem:$0x7F4] =	sst s19  }
0x26: {  	s6 =	simm.s32 $0x480;
	s12 =	simm.s32 $0x1500;
	[smem:$0x7F5] =	sst s20  }
0x27: {  	s1 =	ssub.s32 s1, s23;
	s10 =	sshrl.u32 s25, $0x2;
	[smem:$0x7F6] =	sst s21  }
0x28: {  	[smem:$0x7F7] =	sst s22;
	s23 =	simm.s32 $0xB80;
	s15 =	simm.s32 $0x1  }
0x29: {  	[smem:$0x7F9] =	sst s24;
	s25 =	simm.s32 $0xC00;
	s17 =	simm.s32 $0x2  }
0x2a: {  	s18 =	simm.s32 $0x4;
	[smem:$0x7FB] =	sst s26;
	s19 =	simm.s32 $0xC80  }
0x2b: {  	s20 =	simm.s32 $0x1C00;
	s21 =	simm.s32 $0xD00;
	[dreg:$0x5] =	wrdreg s13  }
0x2c: {  	s22 =	simm.s32 $0x1C80;
	s24 =	simm.s32 $0x1D00;
	[dreg:$0x14] =	wrdreg s6  }
0x2d: {  	s26 =	simm.s32 $0x1D80;
	s9 =	simm.s32 $0x0;
	[dreg:$0x19] =	wrdreg s12  }
0x2e: {  	s5 =	sshrl.u32 s5, $0x3;
	s13 =	simm.s32 $0x600;
	[smem:$0x7F8] =	sst s23  }
0x2f: {  	s6 =	sadd.s32 s16, s14;
	s12 =	simm.s32 $0x900;
	[smem:$0x7FA] =	sst s25  }
0x30: {  	s14 =	simm.s32 $0x1880;
	s16 =	simm.s32 $0x1900;
	[dreg:$0x1a] =	wrdreg s13  }
0x31: {  	s1 =	smax.u32 s1, $0x1;
	s23 =	simm.s32 $0xD80;
	[smem:$0x7EC] =	sst s12  }
0x32: {  	s25 =	simm.s32 $0xE00;
	s4 =	sadd.s32 s5, s4;
	[smem:$0x7ED] =	sst s14  }
0x33: {  	s5 =	simm.s32 $0x1380;
	s6 =	sshrl.u32 s6, $0x3;
	[smem:$0x7F0] =	sst s1  }
0x34: {  	s13 =	sshll.u32 s8, $0x6;
	[smem:$0x7F1] =	sst s16;
	s12 =	simm.s32 $0x80  }
0x35: {  	s14 =	simm.s32 $0x6000;
	s16 =	simm.s32 $0x3;
	[dreg:$0x4] =	wrdreg s4  }
0x36: {  	s1 =	simm.s32 $0xF80;
	[dreg:$0x13] =	wrdreg s5;
	s4 =	sadd.s32 $0x5A200, s0  }
0x37: {  	s0 =	sadd.s32 s6, s0;
	s6 =	sadd.s32 s10, s2;
	s7 =	sor.u32 $0x1C05, s13  }
0x38: {  	s10 =	simm.s32 $0x5;
	s0 =	sadd.s32 $0xA8600, s0;
	[smem:$0x7FC] =	sst s7  }
0x39: {  	s13 =	simm.s32 $0x2000;
	s8 =	sshrl.u32 s6, $0x3;
	[smem:$0x7EE] =	sst s0  }
0x3a: {  	s5 =	simm.s32 $0x1F80;
	s0 =	simm.s32 $0x1F00;
	[smem:$0x7FD] =	sst s8  }
.LBB2_1:
0x3b: {  	s6 =	sld [smem:$0x7E5];
	_ =	sdelay $0x1  }
0x3c: {  	[smem:$0x7E4] =	sst s9  }
0x3d: {  	[spmem:s8], [sflag:s7] =	dma.local [hbm:s6], $0x2780  }
0x3e: {  	_ =	swait.ge [sflag:s10], $0x2780  }
0x3f: {  	[sflag:s10] =	ssyncset.done $0x0  }
0x40: {  	[sflag:s10] =	ssyncadd.s32 $0xFFFFD880  }
0x41: {  	[bflag:$0x0] =	sbarrier.arrive $0xFFFF  }
0x42: {  	s7 =	rddreg [dreg:$0x4]  }
0x43: {  	s6 =	sadd.s32 $0x0, s7  }
0x44: {  	[tilespmem:s3], [sflag:$0x5] =	stream.linear.gather [hbm4b:s6+s3], $0x1000, $0x38;
	[tilespmem:$0x1DC00] =	vst v63  }
0x45: {  	_ =	swait.ge [sflag:s10], $0x1000  }
0x46: {  	s8 =	rddreg [dreg:$0x5];
	[sflag:s10] =	ssyncset.done $0x0  }
0x47: {  	[sflag:s10] =	ssyncadd.s32 $0xFFFFF000;
	s6 =	sadd.s32 $0x0, s8  }
0x48: {  	[tilespmem:s11], [sflag:$0x5] =	stream.linear.gather [hbm4b:s6+s3], $0x1000, $0x38;
	[tilespmem:$0x1DC00] =	vst v63  }
0x49: {  	_ =	swait.ge [sflag:s10], $0x1000  }
0x4a: {  	[sflag:s10] =	ssyncset.done $0x0  }
0x4b: {  	[sflag:s10] =	ssyncadd.s32 $0xFFFFF000  }
0x4c: {  	[tilespmem:s13], [sflag:$0x1] =	stream.indirect.gather [hbm4b:s4+s12], $0x80, s3, s12, $0xb8;
	[tilespmem:$0x1DC00] =	vst v63  }
0x4d: {  	_ = 	snop  }
0x4e: {  	[tilespmem:s14], [sflag:$0x2] =	stream.indirect.gather [hbm4b:s4+s12], $0x80, s12, s12, $0xb8;
	[tilespmem:$0x1DC00] =	vst v63  }
0x4f: {  	_ =	swait.ge [sflag:s15], $0x4000  }
0x50: {  	[sflag:s15] =	ssyncset.done $0x0  }
0x51: {  	[sflag:s15] =	ssyncadd.s32 $0xFFFFC000  }
0x52: {  	[spmem:s2] =	stream.indirect.scatter.add.f32 [tilespmem:s13], [sflag:$0x3], $0x80, s11, s12, $0xb8;
	[tilespmem:$0x1DC00] =	vst v63  }
0x53: {  	_ =	swait.ge [sflag:s16], $0x4000  }
0x54: {  	[sflag:s16] =	ssyncset.done $0x0  }
0x55: {  	s9 =	rddreg [dreg:$0x6];
	[sflag:s16] =	ssyncadd.s32 $0xFFFFC000  }
0x56: {  	[tilespmem:s13], [sflag:$0x1] =	stream.indirect.gather [hbm4b:s4+s12], $0x80, s9, s12, $0xb8;
	[tilespmem:$0x1DC00] =	vst v63  }
0x57: {  	_ =	swait.ge [sflag:s17], $0x4000  }
0x58: {  	[sflag:s17] =	ssyncset.done $0x0  }
0x59: {  	s7 =	rddreg [dreg:$0x7];
	[sflag:s17] =	ssyncadd.s32 $0xFFFFC000  }
0x5a: {  	[spmem:s2] =	stream.indirect.scatter.add.f32 [tilespmem:s14], [sflag:$0x4], $0x80, s7, s12, $0xb8;
	[tilespmem:$0x1DC00] =	vst v63  }
0x5b: {  	_ =	swait.ge [sflag:s18], $0x4000  }
0x5c: {  	[sflag:s18] =	ssyncset.done $0x0  }
0x5d: {  	s8 =	rddreg [dreg:$0x8];
	[sflag:s18] =	ssyncadd.s32 $0xFFFFC000  }
0x5e: {  	[tilespmem:s14], [sflag:$0x2] =	stream.indirect.gather [hbm4b:s4+s12], $0x80, s8, s12, $0xb8;
	[tilespmem:$0x1DC00] =	vst v63  }
0x5f: {  	_ =	swait.ge [sflag:s15], $0x4000  }
0x60: {  	[sflag:s15] =	ssyncset.done $0x0  }
0x61: {  	s9 =	rddreg [dreg:$0x9];
	[sflag:s15] =	ssyncadd.s32 $0xFFFFC000  }
0x62: {  	[spmem:s2] =	stream.indirect.scatter.add.f32 [tilespmem:s13], [sflag:$0x3], $0x80, s9, s12, $0xb8;
	[tilespmem:$0x1DC00] =	vst v63  }
0x63: {  	_ =	swait.ge [sflag:s16], $0x4000  }
0x64: {  	[sflag:s16] =	ssyncset.done $0x0  }
0x65: {  	s7 =	rddreg [dreg:$0xa];
	[sflag:s16] =	ssyncadd.s32 $0xFFFFC000  }
0x66: {  	[tilespmem:s13], [sflag:$0x1] =	stream.indirect.gather [hbm4b:s4+s12], $0x80, s7, s12, $0xb8;
	[tilespmem:$0x1DC00] =	vst v63  }
0x67: {  	_ =	swait.ge [sflag:s17], $0x4000  }
0x68: {  	[sflag:s17] =	ssyncset.done $0x0  }
0x69: {  	s8 =	rddreg [dreg:$0xb];
	[sflag:s17] =	ssyncadd.s32 $0xFFFFC000  }
0x6a: {  	[spmem:s2] =	stream.indirect.scatter.add.f32 [tilespmem:s14], [sflag:$0x4], $0x80, s8, s12, $0xb8;
	[tilespmem:$0x1DC00] =	vst v63  }
0x6b: {  	_ =	swait.ge [sflag:s18], $0x4000  }
0x6c: {  	[sflag:s18] =	ssyncset.done $0x0  }
0x6d: {  	s9 =	rddreg [dreg:$0xc];
	[sflag:s18] =	ssyncadd.s32 $0xFFFFC000  }
0x6e: {  	[tilespmem:s14], [sflag:$0x2] =	stream.indirect.gather [hbm4b:s4+s12], $0x80, s9, s12, $0xb8;
	[tilespmem:$0x1DC00] =	vst v63  }
0x6f: {  	_ =	swait.ge [sflag:s15], $0x4000  }
0x70: {  	[sflag:s15] =	ssyncset.done $0x0  }
0x71: {  	s7 =	rddreg [dreg:$0xd];
	[sflag:s15] =	ssyncadd.s32 $0xFFFFC000  }
0x72: {  	[spmem:s2] =	stream.indirect.scatter.add.f32 [tilespmem:s13], [sflag:$0x3], $0x80, s7, s12, $0xb8;
	[tilespmem:$0x1DC00] =	vst v63  }
0x73: {  	_ =	swait.ge [sflag:s16], $0x4000  }
0x74: {  	[sflag:s16] =	ssyncset.done $0x0  }
0x75: {  	s8 =	rddreg [dreg:$0xe];
	[sflag:s16] =	ssyncadd.s32 $0xFFFFC000  }
0x76: {  	[tilespmem:s13], [sflag:$0x1] =	stream.indirect.gather [hbm4b:s4+s12], $0x80, s8, s12, $0xb8;
	[tilespmem:$0x1DC00] =	vst v63  }
0x77: {  	_ =	swait.ge [sflag:s17], $0x4000  }
0x78: {  	[sflag:s17] =	ssyncset.done $0x0  }
0x79: {  	s9 =	rddreg [dreg:$0xf];
	[sflag:s17] =	ssyncadd.s32 $0xFFFFC000  }
0x7a: {  	[spmem:s2] =	stream.indirect.scatter.add.f32 [tilespmem:s14], [sflag:$0x4], $0x80, s9, s12, $0xb8;
	[tilespmem:$0x1DC00] =	vst v63  }
0x7b: {  	_ =	swait.ge [sflag:s18], $0x4000  }
0x7c: {  	[sflag:s18] =	ssyncset.done $0x0  }
0x7d: {  	s7 =	rddreg [dreg:$0x10];
	[sflag:s18] =	ssyncadd.s32 $0xFFFFC000  }
0x7e: {  	[tilespmem:s14], [sflag:$0x2] =	stream.indirect.gather [hbm4b:s4+s12], $0x80, s7, s12, $0xb8;
	[tilespmem:$0x1DC00] =	vst v63  }
0x7f: {  	_ =	swait.ge [sflag:s15], $0x4000  }
0x80: {  	[sflag:s15] =	ssyncset.done $0x0  }
0x81: {  	s8 =	rddreg [dreg:$0x11];
	[sflag:s15] =	ssyncadd.s32 $0xFFFFC000  }
0x82: {  	[spmem:s2] =	stream.indirect.scatter.add.f32 [tilespmem:s13], [sflag:$0x3], $0x80, s8, s12, $0xb8;
	[tilespmem:$0x1DC00] =	vst v63  }
0x83: {  	_ =	swait.ge [sflag:s16], $0x4000  }
0x84: {  	[sflag:s16] =	ssyncset.done $0x0  }
0x85: {  	s9 =	rddreg [dreg:$0x12];
	[sflag:s16] =	ssyncadd.s32 $0xFFFFC000  }
0x86: {  	[tilespmem:s13], [sflag:$0x1] =	stream.indirect.gather [hbm4b:s4+s12], $0x80, s9, s12, $0xb8;
	[tilespmem:$0x1DC00] =	vst v63  }
0x87: {  	_ =	swait.ge [sflag:s17], $0x4000  }
0x88: {  	[sflag:s17] =	ssyncset.done $0x0  }
0x89: {  	s7 =	rddreg [dreg:$0x13];
	[sflag:s17] =	ssyncadd.s32 $0xFFFFC000  }
0x8a: {  	[spmem:s2] =	stream.indirect.scatter.add.f32 [tilespmem:s14], [sflag:$0x4], $0x80, s7, s12, $0xb8;
	[tilespmem:$0x1DC00] =	vst v63  }
0x8b: {  	_ =	swait.ge [sflag:s18], $0x4000  }
0x8c: {  	[sflag:s18] =	ssyncset.done $0x0  }
0x8d: {  	s8 =	rddreg [dreg:$0x14];
	[sflag:s18] =	ssyncadd.s32 $0xFFFFC000  }
0x8e: {  	[tilespmem:s14], [sflag:$0x2] =	stream.indirect.gather [hbm4b:s4+s12], $0x80, s8, s12, $0xb8;
	[tilespmem:$0x1DC00] =	vst v63  }
0x8f: {  	_ =	swait.ge [sflag:s15], $0x4000  }
0x90: {  	[sflag:s15] =	ssyncset.done $0x0  }
0x91: {  	s9 =	rddreg [dreg:$0x15];
	[sflag:s15] =	ssyncadd.s32 $0xFFFFC000  }
0x92: {  	[spmem:s2] =	stream.indirect.scatter.add.f32 [tilespmem:s13], [sflag:$0x3], $0x80, s9, s12, $0xb8;
	[tilespmem:$0x1DC00] =	vst v63  }
0x93: {  	_ =	swait.ge [sflag:s16], $0x4000  }
0x94: {  	[sflag:s16] =	ssyncset.done $0x0  }
0x95: {  	s7 =	rddreg [dreg:$0x16];
	[sflag:s16] =	ssyncadd.s32 $0xFFFFC000  }
0x96: {  	[tilespmem:s13], [sflag:$0x1] =	stream.indirect.gather [hbm4b:s4+s12], $0x80, s7, s12, $0xb8;
	[tilespmem:$0x1DC00] =	vst v63  }
0x97: {  	_ =	swait.ge [sflag:s17], $0x4000  }
0x98: {  	[sflag:s17] =	ssyncset.done $0x0  }
0x99: {  	s8 =	rddreg [dreg:$0x17];
	[sflag:s17] =	ssyncadd.s32 $0xFFFFC000  }
0x9a: {  	[spmem:s2] =	stream.indirect.scatter.add.f32 [tilespmem:s14], [sflag:$0x4], $0x80, s8, s12, $0xb8;
	[tilespmem:$0x1DC00] =	vst v63  }
0x9b: {  	_ =	swait.ge [sflag:s18], $0x4000  }
0x9c: {  	[sflag:s18] =	ssyncset.done $0x0  }
0x9d: {  	s9 =	rddreg [dreg:$0x18];
	[sflag:s18] =	ssyncadd.s32 $0xFFFFC000  }
0x9e: {  	[tilespmem:s14], [sflag:$0x2] =	stream.indirect.gather [hbm4b:s4+s12], $0x80, s9, s12, $0xb8;
	[tilespmem:$0x1DC00] =	vst v63  }
0x9f: {  	_ =	swait.ge [sflag:s15], $0x4000  }
0xa0: {  	[sflag:s15] =	ssyncset.done $0x0  }
0xa1: {  	s7 =	rddreg [dreg:$0x19];
	[sflag:s15] =	ssyncadd.s32 $0xFFFFC000  }
0xa2: {  	[spmem:s2] =	stream.indirect.scatter.add.f32 [tilespmem:s13], [sflag:$0x3], $0x80, s7, s12, $0xb8;
	[tilespmem:$0x1DC00] =	vst v63  }
0xa3: {  	_ =	swait.ge [sflag:s16], $0x4000  }
0xa4: {  	[sflag:s16] =	ssyncset.done $0x0  }
0xa5: {  	s8 =	rddreg [dreg:$0x1a];
	[sflag:s16] =	ssyncadd.s32 $0xFFFFC000  }
0xa6: {  	[tilespmem:s13], [sflag:$0x1] =	stream.indirect.gather [hbm4b:s4+s12], $0x80, s8, s12, $0xb8;
	[tilespmem:$0x1DC00] =	vst v63  }
0xa7: {  	_ =	swait.ge [sflag:s17], $0x4000  }
0xa8: {  	[sflag:s17] =	ssyncset.done $0x0  }
0xa9: {  	s9 =	rddreg [dreg:$0x1b];
	[sflag:s17] =	ssyncadd.s32 $0xFFFFC000  }
0xaa: {  	[spmem:s2] =	stream.indirect.scatter.add.f32 [tilespmem:s14], [sflag:$0x4], $0x80, s9, s12, $0xb8;
	[tilespmem:$0x1DC00] =	vst v63  }
0xab: {  	_ =	swait.ge [sflag:s18], $0x4000  }
0xac: {  	[sflag:s18] =	ssyncset.done $0x0  }
0xad: {  	s7 =	rddreg [dreg:$0x1c];
	[sflag:s18] =	ssyncadd.s32 $0xFFFFC000  }
0xae: {  	[tilespmem:s14], [sflag:$0x2] =	stream.indirect.gather [hbm4b:s4+s12], $0x80, s7, s12, $0xb8;
	[tilespmem:$0x1DC00] =	vst v63  }
0xaf: {  	_ =	swait.ge [sflag:s15], $0x4000  }
0xb0: {  	[sflag:s15] =	ssyncset.done $0x0  }
0xb1: {  	s8 =	rddreg [dreg:$0x1d];
	[sflag:s15] =	ssyncadd.s32 $0xFFFFC000  }
0xb2: {  	[spmem:s2] =	stream.indirect.scatter.add.f32 [tilespmem:s13], [sflag:$0x3], $0x80, s8, s12, $0xb8;
	[tilespmem:$0x1DC00] =	vst v63  }
0xb3: {  	_ =	swait.ge [sflag:s16], $0x4000  }
0xb4: {  	[sflag:s16] =	ssyncset.done $0x0  }
0xb5: {  	s9 =	rddreg [dreg:$0x1e];
	[sflag:s16] =	ssyncadd.s32 $0xFFFFC000  }
0xb6: {  	[tilespmem:s13], [sflag:$0x1] =	stream.indirect.gather [hbm4b:s4+s12], $0x80, s9, s12, $0xb8;
	[tilespmem:$0x1DC00] =	vst v63  }
0xb7: {  	_ =	swait.ge [sflag:s17], $0x4000  }
0xb8: {  	[sflag:s17] =	ssyncset.done $0x0  }
0xb9: {  	s7 =	rddreg [dreg:$0x1f];
	[sflag:s17] =	ssyncadd.s32 $0xFFFFC000  }
0xba: {  	[spmem:s2] =	stream.indirect.scatter.add.f32 [tilespmem:s14], [sflag:$0x4], $0x80, s7, s12, $0xb8;
	[tilespmem:$0x1DC00] =	vst v63  }
0xbb: {  	_ =	swait.ge [sflag:s18], $0x4000  }
0xbc: {  	s8 =	sld [smem:$0x7E6]  }
0xbd: {  	[sflag:s18] =	ssyncset.done $0x0  }
0xbe: {  	[sflag:s18] =	ssyncadd.s32 $0xFFFFC000  }
0xbf: {  	[tilespmem:s14], [sflag:$0x2] =	stream.indirect.gather [hbm4b:s4+s12], $0x80, s8, s12, $0xb8;
	[tilespmem:$0x1DC00] =	vst v63  }
0xc0: {  	_ =	swait.ge [sflag:s15], $0x4000  }
0xc1: {  	s9 =	sld [smem:$0x7E7]  }
0xc2: {  	[sflag:s15] =	ssyncset.done $0x0  }
0xc3: {  	[sflag:s15] =	ssyncadd.s32 $0xFFFFC000  }
0xc4: {  	[spmem:s2] =	stream.indirect.scatter.add.f32 [tilespmem:s13], [sflag:$0x3], $0x80, s9, s12, $0xb8;
	[tilespmem:$0x1DC00] =	vst v63  }
0xc5: {  	_ =	swait.ge [sflag:s16], $0x4000  }
0xc6: {  	s7 =	sld [smem:$0x7E8]  }
0xc7: {  	[sflag:s16] =	ssyncset.done $0x0  }
0xc8: {  	[sflag:s16] =	ssyncadd.s32 $0xFFFFC000  }
0xc9: {  	[tilespmem:s13], [sflag:$0x1] =	stream.indirect.gather [hbm4b:s4+s12], $0x80, s7, s12, $0xb8;
	[tilespmem:$0x1DC00] =	vst v63  }
0xca: {  	_ =	swait.ge [sflag:s17], $0x4000  }
0xcb: {  	s8 =	sld [smem:$0x7E9]  }
0xcc: {  	[sflag:s17] =	ssyncset.done $0x0  }
0xcd: {  	[sflag:s17] =	ssyncadd.s32 $0xFFFFC000  }
0xce: {  	[spmem:s2] =	stream.indirect.scatter.add.f32 [tilespmem:s14], [sflag:$0x4], $0x80, s8, s12, $0xb8;
	[tilespmem:$0x1DC00] =	vst v63  }
0xcf: {  	_ =	swait.ge [sflag:s18], $0x4000  }
0xd0: {  	s9 =	sld [smem:$0x7EA]  }
0xd1: {  	[sflag:s18] =	ssyncset.done $0x0  }
0xd2: {  	[sflag:s18] =	ssyncadd.s32 $0xFFFFC000  }
0xd3: {  	[tilespmem:s14], [sflag:$0x2] =	stream.indirect.gather [hbm4b:s4+s12], $0x80, s9, s12, $0xb8;
	[tilespmem:$0x1DC00] =	vst v63  }
0xd4: {  	_ =	swait.ge [sflag:s15], $0x4000  }
0xd5: {  	s7 =	sld [smem:$0x7EB]  }
0xd6: {  	[sflag:s15] =	ssyncset.done $0x0  }
0xd7: {  	[sflag:s15] =	ssyncadd.s32 $0xFFFFC000  }
0xd8: {  	[spmem:s2] =	stream.indirect.scatter.add.f32 [tilespmem:s13], [sflag:$0x3], $0x80, s7, s12, $0xb8;
	[tilespmem:$0x1DC00] =	vst v63  }
0xd9: {  	_ =	swait.ge [sflag:s16], $0x4000  }
0xda: {  	s8 =	sld [smem:$0x7EC]  }
0xdb: {  	[sflag:s16] =	ssyncset.done $0x0  }
0xdc: {  	[sflag:s16] =	ssyncadd.s32 $0xFFFFC000  }
0xdd: {  	[tilespmem:s13], [sflag:$0x1] =	stream.indirect.gather [hbm4b:s4+s12], $0x80, s8, s12, $0xb8;
	[tilespmem:$0x1DC00] =	vst v63  }
0xde: {  	_ =	swait.ge [sflag:s17], $0x4000  }
0xdf: {  	s9 =	sld [smem:$0x7ED]  }
0xe0: {  	[sflag:s17] =	ssyncset.done $0x0  }
0xe1: {  	[sflag:s17] =	ssyncadd.s32 $0xFFFFC000  }
0xe2: {  	[spmem:s2] =	stream.indirect.scatter.add.f32 [tilespmem:s14], [sflag:$0x4], $0x80, s9, s12, $0xb8;
	[tilespmem:$0x1DC00] =	vst v63  }
0xe3: {  	_ =	swait.ge [sflag:s18], $0x4000  }
0xe4: {  	s7 =	sld [smem:$0x7EF]  }
0xe5: {  	[sflag:s18] =	ssyncset.done $0x0  }
0xe6: {  	[sflag:s18] =	ssyncadd.s32 $0xFFFFC000  }
0xe7: {  	[tilespmem:s14], [sflag:$0x2] =	stream.indirect.gather [hbm4b:s4+s12], $0x80, s7, s12, $0xb8;
	[tilespmem:$0x1DC00] =	vst v63  }
0xe8: {  	_ =	swait.ge [sflag:s15], $0x4000  }
0xe9: {  	s8 =	sld [smem:$0x7F1]  }
0xea: {  	[sflag:s15] =	ssyncset.done $0x0  }
0xeb: {  	[sflag:s15] =	ssyncadd.s32 $0xFFFFC000  }
0xec: {  	[spmem:s2] =	stream.indirect.scatter.add.f32 [tilespmem:s13], [sflag:$0x3], $0x80, s8, s12, $0xb8;
	[tilespmem:$0x1DC00] =	vst v63  }
0xed: {  	_ =	swait.ge [sflag:s16], $0x4000  }
0xee: {  	s9 =	sld [smem:$0x7F2]  }
0xef: {  	[sflag:s16] =	ssyncset.done $0x0  }
0xf0: {  	[sflag:s16] =	ssyncadd.s32 $0xFFFFC000  }
0xf1: {  	[tilespmem:s13], [sflag:$0x1] =	stream.indirect.gather [hbm4b:s4+s12], $0x80, s9, s12, $0xb8;
	[tilespmem:$0x1DC00] =	vst v63  }
0xf2: {  	_ =	swait.ge [sflag:s17], $0x4000  }
0xf3: {  	s7 =	sld [smem:$0x7F3]  }
0xf4: {  	[sflag:s17] =	ssyncset.done $0x0  }
0xf5: {  	[sflag:s17] =	ssyncadd.s32 $0xFFFFC000  }
0xf6: {  	[spmem:s2] =	stream.indirect.scatter.add.f32 [tilespmem:s14], [sflag:$0x4], $0x80, s7, s12, $0xb8;
	[tilespmem:$0x1DC00] =	vst v63  }
0xf7: {  	_ =	swait.ge [sflag:s18], $0x4000  }
0xf8: {  	s8 =	sld [smem:$0x7F4]  }
0xf9: {  	[sflag:s18] =	ssyncset.done $0x0  }
0xfa: {  	[sflag:s18] =	ssyncadd.s32 $0xFFFFC000  }
0xfb: {  	[tilespmem:s14], [sflag:$0x2] =	stream.indirect.gather [hbm4b:s4+s12], $0x80, s8, s12, $0xb8;
	[tilespmem:$0x1DC00] =	vst v63  }
0xfc: {  	_ =	swait.ge [sflag:s15], $0x4000  }
0xfd: {  	s9 =	sld [smem:$0x7F5]  }
0xfe: {  	[sflag:s15] =	ssyncset.done $0x0  }
0xff: {  	[sflag:s15] =	ssyncadd.s32 $0xFFFFC000  }
0x100: {  	[spmem:s2] =	stream.indirect.scatter.add.f32 [tilespmem:s13], [sflag:$0x3], $0x80, s9, s12, $0xb8;
	[tilespmem:$0x1DC00] =	vst v63  }
0x101: {  	_ =	swait.ge [sflag:s16], $0x4000  }
0x102: {  	s7 =	sld [smem:$0x7F6]  }
0x103: {  	[sflag:s16] =	ssyncset.done $0x0  }
0x104: {  	[sflag:s16] =	ssyncadd.s32 $0xFFFFC000  }
0x105: {  	[tilespmem:s13], [sflag:$0x1] =	stream.indirect.gather [hbm4b:s4+s12], $0x80, s7, s12, $0xb8;
	[tilespmem:$0x1DC00] =	vst v63  }
0x106: {  	_ =	swait.ge [sflag:s17], $0x4000  }
0x107: {  	s8 =	sld [smem:$0x7F7]  }
0x108: {  	[sflag:s17] =	ssyncset.done $0x0  }
0x109: {  	[sflag:s17] =	ssyncadd.s32 $0xFFFFC000  }
0x10a: {  	[spmem:s2] =	stream.indirect.scatter.add.f32 [tilespmem:s14], [sflag:$0x4], $0x80, s8, s12, $0xb8;
	[tilespmem:$0x1DC00] =	vst v63  }
0x10b: {  	_ =	swait.ge [sflag:s18], $0x4000  }
0x10c: {  	s9 =	sld [smem:$0x7F8]  }
0x10d: {  	[sflag:s18] =	ssyncset.done $0x0  }
0x10e: {  	[sflag:s18] =	ssyncadd.s32 $0xFFFFC000  }
0x10f: {  	[tilespmem:s14], [sflag:$0x2] =	stream.indirect.gather [hbm4b:s4+s12], $0x80, s9, s12, $0xb8;
	[tilespmem:$0x1DC00] =	vst v63  }
0x110: {  	_ =	swait.ge [sflag:s15], $0x4000  }
0x111: {  	s7 =	sld [smem:$0x7F9]  }
0x112: {  	[sflag:s15] =	ssyncset.done $0x0  }
0x113: {  	[sflag:s15] =	ssyncadd.s32 $0xFFFFC000  }
0x114: {  	[spmem:s2] =	stream.indirect.scatter.add.f32 [tilespmem:s13], [sflag:$0x3], $0x80, s7, s12, $0xb8;
	[tilespmem:$0x1DC00] =	vst v63  }
0x115: {  	_ =	swait.ge [sflag:s16], $0x4000  }
0x116: {  	s8 =	sld [smem:$0x7FA]  }
0x117: {  	[sflag:s16] =	ssyncset.done $0x0  }
0x118: {  	[sflag:s16] =	ssyncadd.s32 $0xFFFFC000  }
0x119: {  	[tilespmem:s13], [sflag:$0x1] =	stream.indirect.gather [hbm4b:s4+s12], $0x80, s8, s12, $0xb8;
	[tilespmem:$0x1DC00] =	vst v63  }
0x11a: {  	_ =	swait.ge [sflag:s17], $0x4000  }
0x11b: {  	s9 =	sld [smem:$0x7FB]  }
0x11c: {  	[sflag:s17] =	ssyncset.done $0x0  }
0x11d: {  	[sflag:s17] =	ssyncadd.s32 $0xFFFFC000  }
0x11e: {  	[spmem:s2] =	stream.indirect.scatter.add.f32 [tilespmem:s14], [sflag:$0x4], $0x80, s9, s12, $0xb8;
	[tilespmem:$0x1DC00] =	vst v63  }
0x11f: {  	_ =	swait.ge [sflag:s18], $0x4000  }
0x120: {  	[sflag:s18] =	ssyncset.done $0x0  }
0x121: {  	[sflag:s18] =	ssyncadd.s32 $0xFFFFC000  }
0x122: {  	[tilespmem:s14], [sflag:$0x2] =	stream.indirect.gather [hbm4b:s4+s12], $0x80, s19, s12, $0xb8;
	[tilespmem:$0x1DC00] =	vst v63  }
0x123: {  	_ =	swait.ge [sflag:s15], $0x4000  }
0x124: {  	[sflag:s15] =	ssyncset.done $0x0  }
0x125: {  	[sflag:s15] =	ssyncadd.s32 $0xFFFFC000  }
0x126: {  	[spmem:s2] =	stream.indirect.scatter.add.f32 [tilespmem:s13], [sflag:$0x3], $0x80, s20, s12, $0xb8;
	[tilespmem:$0x1DC00] =	vst v63  }
0x127: {  	_ =	swait.ge [sflag:s16], $0x4000  }
0x128: {  	[sflag:s16] =	ssyncset.done $0x0  }
0x129: {  	[sflag:s16] =	ssyncadd.s32 $0xFFFFC000  }
0x12a: {  	[tilespmem:s13], [sflag:$0x1] =	stream.indirect.gather [hbm4b:s4+s12], $0x80, s21, s12, $0xb8;
	[tilespmem:$0x1DC00] =	vst v63  }
0x12b: {  	_ =	swait.ge [sflag:s17], $0x4000  }
0x12c: {  	[sflag:s17] =	ssyncset.done $0x0  }
0x12d: {  	[sflag:s17] =	ssyncadd.s32 $0xFFFFC000  }
0x12e: {  	[spmem:s2] =	stream.indirect.scatter.add.f32 [tilespmem:s14], [sflag:$0x4], $0x80, s22, s12, $0xb8;
	[tilespmem:$0x1DC00] =	vst v63  }
0x12f: {  	_ =	swait.ge [sflag:s18], $0x4000  }
0x130: {  	[sflag:s18] =	ssyncset.done $0x0  }
0x131: {  	[sflag:s18] =	ssyncadd.s32 $0xFFFFC000  }
0x132: {  	[tilespmem:s14], [sflag:$0x2] =	stream.indirect.gather [hbm4b:s4+s12], $0x80, s23, s12, $0xb8;
	[tilespmem:$0x1DC00] =	vst v63  }
0x133: {  	_ =	swait.ge [sflag:s15], $0x4000  }
0x134: {  	[sflag:s15] =	ssyncset.done $0x0  }
0x135: {  	[sflag:s15] =	ssyncadd.s32 $0xFFFFC000  }
0x136: {  	[spmem:s2] =	stream.indirect.scatter.add.f32 [tilespmem:s13], [sflag:$0x3], $0x80, s24, s12, $0xb8;
	[tilespmem:$0x1DC00] =	vst v63  }
0x137: {  	_ =	swait.ge [sflag:s16], $0x4000  }
0x138: {  	[sflag:s16] =	ssyncset.done $0x0  }
0x139: {  	[sflag:s16] =	ssyncadd.s32 $0xFFFFC000  }
0x13a: {  	[tilespmem:s13], [sflag:$0x1] =	stream.indirect.gather [hbm4b:s4+s12], $0x80, s25, s12, $0xb8;
	[tilespmem:$0x1DC00] =	vst v63  }
0x13b: {  	_ =	swait.ge [sflag:s17], $0x4000  }
0x13c: {  	[sflag:s17] =	ssyncset.done $0x0  }
0x13d: {  	[sflag:s17] =	ssyncadd.s32 $0xFFFFC000  }
0x13e: {  	[spmem:s2] =	stream.indirect.scatter.add.f32 [tilespmem:s14], [sflag:$0x4], $0x80, s26, s12, $0xb8;
	[tilespmem:$0x1DC00] =	vst v63  }
0x13f: {  	_ =	swait.ge [sflag:s18], $0x4000  }
0x140: {  	[sflag:s18] =	ssyncset.done $0x0  }
0x141: {  	[sflag:s18] =	ssyncadd.s32 $0xFFFFC000  }
0x142: {  	[tilespmem:s14], [sflag:$0x2] =	stream.indirect.gather [hbm4b:s4+s12], $0x80, s28, s12, $0xb8;
	[tilespmem:$0x1DC00] =	vst v63  }
0x143: {  	_ =	swait.ge [sflag:s15], $0x4000  }
0x144: {  	[sflag:s15] =	ssyncset.done $0x0  }
0x145: {  	[sflag:s15] =	ssyncadd.s32 $0xFFFFC000  }
0x146: {  	[spmem:s2] =	stream.indirect.scatter.add.f32 [tilespmem:s13], [sflag:$0x3], $0x80, s29, s12, $0xb8;
	[tilespmem:$0x1DC00] =	vst v63  }
0x147: {  	_ =	swait.ge [sflag:s16], $0x4000  }
0x148: {  	[sflag:s16] =	ssyncset.done $0x0  }
0x149: {  	[sflag:s16] =	ssyncadd.s32 $0xFFFFC000  }
0x14a: {  	[tilespmem:s13], [sflag:$0x1] =	stream.indirect.gather [hbm4b:s4+s12], $0x80, s30, s12, $0xb8;
	[tilespmem:$0x1DC00] =	vst v63  }
0x14b: {  	_ =	swait.ge [sflag:s17], $0x4000  }
0x14c: {  	[sflag:s17] =	ssyncset.done $0x0  }
0x14d: {  	[sflag:s17] =	ssyncadd.s32 $0xFFFFC000  }
0x14e: {  	[spmem:s2] =	stream.indirect.scatter.add.f32 [tilespmem:s14], [sflag:$0x4], $0x80, s31, s12, $0xb8;
	[tilespmem:$0x1DC00] =	vst v63  }
0x14f: {  	_ =	swait.ge [sflag:s18], $0x4000  }
0x150: {  	[sflag:s18] =	ssyncset.done $0x0  }
0x151: {  	[sflag:s18] =	ssyncadd.s32 $0xFFFFC000  }
0x152: {  	[tilespmem:s14], [sflag:$0x2] =	stream.indirect.gather [hbm4b:s4+s12], $0x80, s1, s12, $0xb8;
	[tilespmem:$0x1DC00] =	vst v63  }
0x153: {  	_ =	swait.ge [sflag:s15], $0x4000  }
0x154: {  	[sflag:s15] =	ssyncset.done $0x0  }
0x155: {  	[sflag:s15] =	ssyncadd.s32 $0xFFFFC000  }
0x156: {  	[spmem:s2] =	stream.indirect.scatter.add.f32 [tilespmem:s13], [sflag:$0x3], $0x80, s0, s12, $0xb8;
	[tilespmem:$0x1DC00] =	vst v63  }
0x157: {  	_ =	swait.ge [sflag:s17], $0x4000  }
0x158: {  	[sflag:s17] =	ssyncset.done $0x0  }
0x159: {  	[sflag:s17] =	ssyncadd.s32 $0xFFFFC000  }
0x15a: {  	[spmem:s2] =	stream.indirect.scatter.add.f32 [tilespmem:s14], [sflag:$0x4], $0x80, s5, s12, $0xb8;
	[tilespmem:$0x1DC00] =	vst v63  }
0x15b: {  	_ =	swait.ge [sflag:s16], $0x4000  }
0x15c: {  	[sflag:s16] =	ssyncset.done $0x0  }
0x15d: {  	[sflag:s16] =	ssyncadd.s32 $0xFFFFC000  }
0x15e: {  	s6 =	simm.s32 $0x400;
	_ =	swait.ge [sflag:s18], $0x4000  }
0x15f: {  	s8 =	simm.s32 $0x200;
	s9 =	rddreg [dreg:$0x4];
	[sflag:s18] =	ssyncset.done $0x0  }
.LBB2_2:
0x160: {  	[sflag:s18] =	ssyncadd.s32 $0xFFFFC000;
	s9 =	sadd.s32 s8, s9  }
0x161: {  	[tilespmem:s3], [sflag:$0x5] =	stream.linear.gather [hbm4b:s9+s3], $0x1000, $0x38;
	[tilespmem:$0x1DC00] =	vst v63  }
0x162: {  	_ =	swait.ge [sflag:s10], $0x1000  }
0x163: {  	s9 =	rddreg [dreg:$0x5];
	[sflag:s10] =	ssyncset.done $0x0  }
0x164: {  	[sflag:s10] =	ssyncadd.s32 $0xFFFFF000;
	s9 =	sadd.s32 s8, s9  }
0x165: {  	[tilespmem:s11], [sflag:$0x5] =	stream.linear.gather [hbm4b:s9+s3], $0x1000, $0x38;
	[tilespmem:$0x1DC00] =	vst v63  }
0x166: {  	_ =	swait.ge [sflag:s10], $0x1000  }
0x167: {  	[sflag:s10] =	ssyncset.done $0x0  }
0x168: {  	[sflag:s10] =	ssyncadd.s32 $0xFFFFF000  }
0x169: {  	[tilespmem:s13], [sflag:$0x1] =	stream.indirect.gather [hbm4b:s4+s12], $0x80, s3, s12, $0xb8;
	[tilespmem:$0x1DC00] =	vst v63  }
0x16a: {  	_ = 	snop  }
0x16b: {  	[tilespmem:s14], [sflag:$0x2] =	stream.indirect.gather [hbm4b:s4+s12], $0x80, s12, s12, $0xb8;
	[tilespmem:$0x1DC00] =	vst v63  }
0x16c: {  	_ =	swait.ge [sflag:s15], $0x4000  }
0x16d: {  	[sflag:s15] =	ssyncset.done $0x0  }
0x16e: {  	[sflag:s15] =	ssyncadd.s32 $0xFFFFC000  }
0x16f: {  	[spmem:s2] =	stream.indirect.scatter.add.f32 [tilespmem:s13], [sflag:$0x3], $0x80, s11, s12, $0xb8;
	[tilespmem:$0x1DC00] =	vst v63  }
0x170: {  	_ =	swait.ge [sflag:s16], $0x4000  }
0x171: {  	[sflag:s16] =	ssyncset.done $0x0  }
0x172: {  	s9 =	rddreg [dreg:$0x6];
	[sflag:s16] =	ssyncadd.s32 $0xFFFFC000  }
0x173: {  	[tilespmem:s13], [sflag:$0x1] =	stream.indirect.gather [hbm4b:s4+s12], $0x80, s9, s12, $0xb8;
	[tilespmem:$0x1DC00] =	vst v63  }
0x174: {  	_ =	swait.ge [sflag:s17], $0x4000  }
0x175: {  	[sflag:s17] =	ssyncset.done $0x0  }
0x176: {  	s9 =	rddreg [dreg:$0x7];
	[sflag:s17] =	ssyncadd.s32 $0xFFFFC000  }
0x177: {  	[spmem:s2] =	stream.indirect.scatter.add.f32 [tilespmem:s14], [sflag:$0x4], $0x80, s9, s12, $0xb8;
	[tilespmem:$0x1DC00] =	vst v63  }
0x178: {  	_ =	swait.ge [sflag:s18], $0x4000  }
0x179: {  	[sflag:s18] =	ssyncset.done $0x0  }
0x17a: {  	s9 =	rddreg [dreg:$0x8];
	[sflag:s18] =	ssyncadd.s32 $0xFFFFC000  }
0x17b: {  	[tilespmem:s14], [sflag:$0x2] =	stream.indirect.gather [hbm4b:s4+s12], $0x80, s9, s12, $0xb8;
	[tilespmem:$0x1DC00] =	vst v63  }
0x17c: {  	_ =	swait.ge [sflag:s15], $0x4000  }
0x17d: {  	[sflag:s15] =	ssyncset.done $0x0  }
0x17e: {  	s9 =	rddreg [dreg:$0x9];
	[sflag:s15] =	ssyncadd.s32 $0xFFFFC000  }
0x17f: {  	[spmem:s2] =	stream.indirect.scatter.add.f32 [tilespmem:s13], [sflag:$0x3], $0x80, s9, s12, $0xb8;
	[tilespmem:$0x1DC00] =	vst v63  }
0x180: {  	_ =	swait.ge [sflag:s16], $0x4000  }
0x181: {  	[sflag:s16] =	ssyncset.done $0x0  }
0x182: {  	s9 =	rddreg [dreg:$0xa];
	[sflag:s16] =	ssyncadd.s32 $0xFFFFC000  }
0x183: {  	[tilespmem:s13], [sflag:$0x1] =	stream.indirect.gather [hbm4b:s4+s12], $0x80, s9, s12, $0xb8;
	[tilespmem:$0x1DC00] =	vst v63  }
0x184: {  	_ =	swait.ge [sflag:s17], $0x4000  }
0x185: {  	[sflag:s17] =	ssyncset.done $0x0  }
0x186: {  	s9 =	rddreg [dreg:$0xb];
	[sflag:s17] =	ssyncadd.s32 $0xFFFFC000  }
0x187: {  	[spmem:s2] =	stream.indirect.scatter.add.f32 [tilespmem:s14], [sflag:$0x4], $0x80, s9, s12, $0xb8;
	[tilespmem:$0x1DC00] =	vst v63  }
0x188: {  	_ =	swait.ge [sflag:s18], $0x4000  }
0x189: {  	[sflag:s18] =	ssyncset.done $0x0  }
0x18a: {  	s9 =	rddreg [dreg:$0xc];
	[sflag:s18] =	ssyncadd.s32 $0xFFFFC000  }
0x18b: {  	[tilespmem:s14], [sflag:$0x2] =	stream.indirect.gather [hbm4b:s4+s12], $0x80, s9, s12, $0xb8;
	[tilespmem:$0x1DC00] =	vst v63  }
0x18c: {  	_ =	swait.ge [sflag:s15], $0x4000  }
0x18d: {  	[sflag:s15] =	ssyncset.done $0x0  }
0x18e: {  	s9 =	rddreg [dreg:$0xd];
	[sflag:s15] =	ssyncadd.s32 $0xFFFFC000  }
0x18f: {  	[spmem:s2] =	stream.indirect.scatter.add.f32 [tilespmem:s13], [sflag:$0x3], $0x80, s9, s12, $0xb8;
	[tilespmem:$0x1DC00] =	vst v63  }
0x190: {  	_ =	swait.ge [sflag:s16], $0x4000  }
0x191: {  	[sflag:s16] =	ssyncset.done $0x0  }
0x192: {  	s9 =	rddreg [dreg:$0xe];
	[sflag:s16] =	ssyncadd.s32 $0xFFFFC000  }
0x193: {  	[tilespmem:s13], [sflag:$0x1] =	stream.indirect.gather [hbm4b:s4+s12], $0x80, s9, s12, $0xb8;
	[tilespmem:$0x1DC00] =	vst v63  }
0x194: {  	_ =	swait.ge [sflag:s17], $0x4000  }
0x195: {  	[sflag:s17] =	ssyncset.done $0x0  }
0x196: {  	s9 =	rddreg [dreg:$0xf];
	[sflag:s17] =	ssyncadd.s32 $0xFFFFC000  }
0x197: {  	[spmem:s2] =	stream.indirect.scatter.add.f32 [tilespmem:s14], [sflag:$0x4], $0x80, s9, s12, $0xb8;
	[tilespmem:$0x1DC00] =	vst v63  }
0x198: {  	_ =	swait.ge [sflag:s18], $0x4000  }
0x199: {  	[sflag:s18] =	ssyncset.done $0x0  }
0x19a: {  	s9 =	rddreg [dreg:$0x10];
	[sflag:s18] =	ssyncadd.s32 $0xFFFFC000  }
0x19b: {  	[tilespmem:s14], [sflag:$0x2] =	stream.indirect.gather [hbm4b:s4+s12], $0x80, s9, s12, $0xb8;
	[tilespmem:$0x1DC00] =	vst v63  }
0x19c: {  	_ =	swait.ge [sflag:s15], $0x4000  }
0x19d: {  	[sflag:s15] =	ssyncset.done $0x0  }
0x19e: {  	s9 =	rddreg [dreg:$0x11];
	[sflag:s15] =	ssyncadd.s32 $0xFFFFC000  }
0x19f: {  	[spmem:s2] =	stream.indirect.scatter.add.f32 [tilespmem:s13], [sflag:$0x3], $0x80, s9, s12, $0xb8;
	[tilespmem:$0x1DC00] =	vst v63  }
0x1a0: {  	_ =	swait.ge [sflag:s16], $0x4000  }
0x1a1: {  	[sflag:s16] =	ssyncset.done $0x0  }
0x1a2: {  	s9 =	rddreg [dreg:$0x12];
	[sflag:s16] =	ssyncadd.s32 $0xFFFFC000  }
0x1a3: {  	[tilespmem:s13], [sflag:$0x1] =	stream.indirect.gather [hbm4b:s4+s12], $0x80, s9, s12, $0xb8;
	[tilespmem:$0x1DC00] =	vst v63  }
0x1a4: {  	_ =	swait.ge [sflag:s17], $0x4000  }
0x1a5: {  	[sflag:s17] =	ssyncset.done $0x0  }
0x1a6: {  	s9 =	rddreg [dreg:$0x13];
	[sflag:s17] =	ssyncadd.s32 $0xFFFFC000  }
0x1a7: {  	[spmem:s2] =	stream.indirect.scatter.add.f32 [tilespmem:s14], [sflag:$0x4], $0x80, s9, s12, $0xb8;
	[tilespmem:$0x1DC00] =	vst v63  }
0x1a8: {  	_ =	swait.ge [sflag:s18], $0x4000  }
0x1a9: {  	[sflag:s18] =	ssyncset.done $0x0  }
0x1aa: {  	s9 =	rddreg [dreg:$0x14];
	[sflag:s18] =	ssyncadd.s32 $0xFFFFC000  }
0x1ab: {  	[tilespmem:s14], [sflag:$0x2] =	stream.indirect.gather [hbm4b:s4+s12], $0x80, s9, s12, $0xb8;
	[tilespmem:$0x1DC00] =	vst v63  }
0x1ac: {  	_ =	swait.ge [sflag:s15], $0x4000  }
0x1ad: {  	[sflag:s15] =	ssyncset.done $0x0  }
0x1ae: {  	s9 =	rddreg [dreg:$0x15];
	[sflag:s15] =	ssyncadd.s32 $0xFFFFC000  }
0x1af: {  	[spmem:s2] =	stream.indirect.scatter.add.f32 [tilespmem:s13], [sflag:$0x3], $0x80, s9, s12, $0xb8;
	[tilespmem:$0x1DC00] =	vst v63  }
0x1b0: {  	_ =	swait.ge [sflag:s16], $0x4000  }
0x1b1: {  	[sflag:s16] =	ssyncset.done $0x0  }
0x1b2: {  	s9 =	rddreg [dreg:$0x16];
	[sflag:s16] =	ssyncadd.s32 $0xFFFFC000  }
0x1b3: {  	[tilespmem:s13], [sflag:$0x1] =	stream.indirect.gather [hbm4b:s4+s12], $0x80, s9, s12, $0xb8;
	[tilespmem:$0x1DC00] =	vst v63  }
0x1b4: {  	_ =	swait.ge [sflag:s17], $0x4000  }
0x1b5: {  	[sflag:s17] =	ssyncset.done $0x0  }
0x1b6: {  	s9 =	rddreg [dreg:$0x17];
	[sflag:s17] =	ssyncadd.s32 $0xFFFFC000  }
0x1b7: {  	[spmem:s2] =	stream.indirect.scatter.add.f32 [tilespmem:s14], [sflag:$0x4], $0x80, s9, s12, $0xb8;
	[tilespmem:$0x1DC00] =	vst v63  }
0x1b8: {  	_ =	swait.ge [sflag:s18], $0x4000  }
0x1b9: {  	[sflag:s18] =	ssyncset.done $0x0  }
0x1ba: {  	s9 =	rddreg [dreg:$0x18];
	[sflag:s18] =	ssyncadd.s32 $0xFFFFC000  }
0x1bb: {  	[tilespmem:s14], [sflag:$0x2] =	stream.indirect.gather [hbm4b:s4+s12], $0x80, s9, s12, $0xb8;
	[tilespmem:$0x1DC00] =	vst v63  }
0x1bc: {  	_ =	swait.ge [sflag:s15], $0x4000  }
0x1bd: {  	[sflag:s15] =	ssyncset.done $0x0  }
0x1be: {  	s9 =	rddreg [dreg:$0x19];
	[sflag:s15] =	ssyncadd.s32 $0xFFFFC000  }
0x1bf: {  	[spmem:s2] =	stream.indirect.scatter.add.f32 [tilespmem:s13], [sflag:$0x3], $0x80, s9, s12, $0xb8;
	[tilespmem:$0x1DC00] =	vst v63  }
0x1c0: {  	_ =	swait.ge [sflag:s16], $0x4000  }
0x1c1: {  	[sflag:s16] =	ssyncset.done $0x0  }
0x1c2: {  	s9 =	rddreg [dreg:$0x1a];
	[sflag:s16] =	ssyncadd.s32 $0xFFFFC000  }
0x1c3: {  	[tilespmem:s13], [sflag:$0x1] =	stream.indirect.gather [hbm4b:s4+s12], $0x80, s9, s12, $0xb8;
	[tilespmem:$0x1DC00] =	vst v63  }
0x1c4: {  	_ =	swait.ge [sflag:s17], $0x4000  }
0x1c5: {  	[sflag:s17] =	ssyncset.done $0x0  }
0x1c6: {  	s9 =	rddreg [dreg:$0x1b];
	[sflag:s17] =	ssyncadd.s32 $0xFFFFC000  }
0x1c7: {  	[spmem:s2] =	stream.indirect.scatter.add.f32 [tilespmem:s14], [sflag:$0x4], $0x80, s9, s12, $0xb8;
	[tilespmem:$0x1DC00] =	vst v63  }
0x1c8: {  	_ =	swait.ge [sflag:s18], $0x4000  }
0x1c9: {  	[sflag:s18] =	ssyncset.done $0x0  }
0x1ca: {  	s9 =	rddreg [dreg:$0x1c];
	[sflag:s18] =	ssyncadd.s32 $0xFFFFC000  }
0x1cb: {  	[tilespmem:s14], [sflag:$0x2] =	stream.indirect.gather [hbm4b:s4+s12], $0x80, s9, s12, $0xb8;
	[tilespmem:$0x1DC00] =	vst v63  }
0x1cc: {  	_ =	swait.ge [sflag:s15], $0x4000  }
0x1cd: {  	[sflag:s15] =	ssyncset.done $0x0  }
0x1ce: {  	s9 =	rddreg [dreg:$0x1d];
	[sflag:s15] =	ssyncadd.s32 $0xFFFFC000  }
0x1cf: {  	[spmem:s2] =	stream.indirect.scatter.add.f32 [tilespmem:s13], [sflag:$0x3], $0x80, s9, s12, $0xb8;
	[tilespmem:$0x1DC00] =	vst v63  }
0x1d0: {  	_ =	swait.ge [sflag:s16], $0x4000  }
0x1d1: {  	[sflag:s16] =	ssyncset.done $0x0  }
0x1d2: {  	s9 =	rddreg [dreg:$0x1e];
	[sflag:s16] =	ssyncadd.s32 $0xFFFFC000  }
0x1d3: {  	[tilespmem:s13], [sflag:$0x1] =	stream.indirect.gather [hbm4b:s4+s12], $0x80, s9, s12, $0xb8;
	[tilespmem:$0x1DC00] =	vst v63  }
0x1d4: {  	_ =	swait.ge [sflag:s17], $0x4000  }
0x1d5: {  	[sflag:s17] =	ssyncset.done $0x0  }
0x1d6: {  	s9 =	rddreg [dreg:$0x1f];
	[sflag:s17] =	ssyncadd.s32 $0xFFFFC000  }
0x1d7: {  	[spmem:s2] =	stream.indirect.scatter.add.f32 [tilespmem:s14], [sflag:$0x4], $0x80, s9, s12, $0xb8;
	[tilespmem:$0x1DC00] =	vst v63  }
0x1d8: {  	_ =	swait.ge [sflag:s18], $0x4000  }
0x1d9: {  	s9 =	sld [smem:$0x7E6]  }
0x1da: {  	[sflag:s18] =	ssyncset.done $0x0  }
0x1db: {  	[sflag:s18] =	ssyncadd.s32 $0xFFFFC000  }
0x1dc: {  	[tilespmem:s14], [sflag:$0x2] =	stream.indirect.gather [hbm4b:s4+s12], $0x80, s9, s12, $0xb8;
	[tilespmem:$0x1DC00] =	vst v63  }
0x1dd: {  	_ =	swait.ge [sflag:s15], $0x4000  }
0x1de: {  	s9 =	sld [smem:$0x7E7]  }
0x1df: {  	[sflag:s15] =	ssyncset.done $0x0  }
0x1e0: {  	[sflag:s15] =	ssyncadd.s32 $0xFFFFC000  }
0x1e1: {  	[spmem:s2] =	stream.indirect.scatter.add.f32 [tilespmem:s13], [sflag:$0x3], $0x80, s9, s12, $0xb8;
	[tilespmem:$0x1DC00] =	vst v63  }
0x1e2: {  	_ =	swait.ge [sflag:s16], $0x4000  }
0x1e3: {  	s9 =	sld [smem:$0x7E8]  }
0x1e4: {  	[sflag:s16] =	ssyncset.done $0x0  }
0x1e5: {  	[sflag:s16] =	ssyncadd.s32 $0xFFFFC000  }
0x1e6: {  	[tilespmem:s13], [sflag:$0x1] =	stream.indirect.gather [hbm4b:s4+s12], $0x80, s9, s12, $0xb8;
	[tilespmem:$0x1DC00] =	vst v63  }
0x1e7: {  	_ =	swait.ge [sflag:s17], $0x4000  }
0x1e8: {  	s9 =	sld [smem:$0x7E9]  }
0x1e9: {  	[sflag:s17] =	ssyncset.done $0x0  }
0x1ea: {  	[sflag:s17] =	ssyncadd.s32 $0xFFFFC000  }
0x1eb: {  	[spmem:s2] =	stream.indirect.scatter.add.f32 [tilespmem:s14], [sflag:$0x4], $0x80, s9, s12, $0xb8;
	[tilespmem:$0x1DC00] =	vst v63  }
0x1ec: {  	_ =	swait.ge [sflag:s18], $0x4000  }
0x1ed: {  	s9 =	sld [smem:$0x7EA]  }
0x1ee: {  	[sflag:s18] =	ssyncset.done $0x0  }
0x1ef: {  	[sflag:s18] =	ssyncadd.s32 $0xFFFFC000  }
0x1f0: {  	[tilespmem:s14], [sflag:$0x2] =	stream.indirect.gather [hbm4b:s4+s12], $0x80, s9, s12, $0xb8;
	[tilespmem:$0x1DC00] =	vst v63  }
0x1f1: {  	_ =	swait.ge [sflag:s15], $0x4000  }
0x1f2: {  	s9 =	sld [smem:$0x7EB]  }
0x1f3: {  	[sflag:s15] =	ssyncset.done $0x0  }
0x1f4: {  	[sflag:s15] =	ssyncadd.s32 $0xFFFFC000  }
0x1f5: {  	[spmem:s2] =	stream.indirect.scatter.add.f32 [tilespmem:s13], [sflag:$0x3], $0x80, s9, s12, $0xb8;
	[tilespmem:$0x1DC00] =	vst v63  }
0x1f6: {  	_ =	swait.ge [sflag:s16], $0x4000  }
0x1f7: {  	s9 =	sld [smem:$0x7EC]  }
0x1f8: {  	[sflag:s16] =	ssyncset.done $0x0  }
0x1f9: {  	[sflag:s16] =	ssyncadd.s32 $0xFFFFC000  }
0x1fa: {  	[tilespmem:s13], [sflag:$0x1] =	stream.indirect.gather [hbm4b:s4+s12], $0x80, s9, s12, $0xb8;
	[tilespmem:$0x1DC00] =	vst v63  }
0x1fb: {  	_ =	swait.ge [sflag:s17], $0x4000  }
0x1fc: {  	s9 =	sld [smem:$0x7ED]  }
0x1fd: {  	[sflag:s17] =	ssyncset.done $0x0  }
0x1fe: {  	[sflag:s17] =	ssyncadd.s32 $0xFFFFC000  }
0x1ff: {  	[spmem:s2] =	stream.indirect.scatter.add.f32 [tilespmem:s14], [sflag:$0x4], $0x80, s9, s12, $0xb8;
	[tilespmem:$0x1DC00] =	vst v63  }
0x200: {  	_ =	swait.ge [sflag:s18], $0x4000  }
0x201: {  	s9 =	sld [smem:$0x7EF]  }
0x202: {  	[sflag:s18] =	ssyncset.done $0x0  }
0x203: {  	[sflag:s18] =	ssyncadd.s32 $0xFFFFC000  }
0x204: {  	[tilespmem:s14], [sflag:$0x2] =	stream.indirect.gather [hbm4b:s4+s12], $0x80, s9, s12, $0xb8;
	[tilespmem:$0x1DC00] =	vst v63  }
0x205: {  	_ =	swait.ge [sflag:s15], $0x4000  }
0x206: {  	s9 =	sld [smem:$0x7F1]  }
0x207: {  	[sflag:s15] =	ssyncset.done $0x0  }
0x208: {  	[sflag:s15] =	ssyncadd.s32 $0xFFFFC000  }
0x209: {  	[spmem:s2] =	stream.indirect.scatter.add.f32 [tilespmem:s13], [sflag:$0x3], $0x80, s9, s12, $0xb8;
	[tilespmem:$0x1DC00] =	vst v63  }
0x20a: {  	_ =	swait.ge [sflag:s16], $0x4000  }
0x20b: {  	s9 =	sld [smem:$0x7F2]  }
0x20c: {  	[sflag:s16] =	ssyncset.done $0x0  }
0x20d: {  	[sflag:s16] =	ssyncadd.s32 $0xFFFFC000  }
0x20e: {  	[tilespmem:s13], [sflag:$0x1] =	stream.indirect.gather [hbm4b:s4+s12], $0x80, s9, s12, $0xb8;
	[tilespmem:$0x1DC00] =	vst v63  }
0x20f: {  	_ =	swait.ge [sflag:s17], $0x4000  }
0x210: {  	s9 =	sld [smem:$0x7F3]  }
0x211: {  	[sflag:s17] =	ssyncset.done $0x0  }
0x212: {  	[sflag:s17] =	ssyncadd.s32 $0xFFFFC000  }
0x213: {  	[spmem:s2] =	stream.indirect.scatter.add.f32 [tilespmem:s14], [sflag:$0x4], $0x80, s9, s12, $0xb8;
	[tilespmem:$0x1DC00] =	vst v63  }
0x214: {  	_ =	swait.ge [sflag:s18], $0x4000  }
0x215: {  	s9 =	sld [smem:$0x7F4]  }
0x216: {  	[sflag:s18] =	ssyncset.done $0x0  }
0x217: {  	[sflag:s18] =	ssyncadd.s32 $0xFFFFC000  }
0x218: {  	[tilespmem:s14], [sflag:$0x2] =	stream.indirect.gather [hbm4b:s4+s12], $0x80, s9, s12, $0xb8;
	[tilespmem:$0x1DC00] =	vst v63  }
0x219: {  	_ =	swait.ge [sflag:s15], $0x4000  }
0x21a: {  	s9 =	sld [smem:$0x7F5]  }
0x21b: {  	[sflag:s15] =	ssyncset.done $0x0  }
0x21c: {  	[sflag:s15] =	ssyncadd.s32 $0xFFFFC000  }
0x21d: {  	[spmem:s2] =	stream.indirect.scatter.add.f32 [tilespmem:s13], [sflag:$0x3], $0x80, s9, s12, $0xb8;
	[tilespmem:$0x1DC00] =	vst v63  }
0x21e: {  	_ =	swait.ge [sflag:s16], $0x4000  }
0x21f: {  	s9 =	sld [smem:$0x7F6]  }
0x220: {  	[sflag:s16] =	ssyncset.done $0x0  }
0x221: {  	[sflag:s16] =	ssyncadd.s32 $0xFFFFC000  }
0x222: {  	[tilespmem:s13], [sflag:$0x1] =	stream.indirect.gather [hbm4b:s4+s12], $0x80, s9, s12, $0xb8;
	[tilespmem:$0x1DC00] =	vst v63  }
0x223: {  	_ =	swait.ge [sflag:s17], $0x4000  }
0x224: {  	s9 =	sld [smem:$0x7F7]  }
0x225: {  	[sflag:s17] =	ssyncset.done $0x0  }
0x226: {  	[sflag:s17] =	ssyncadd.s32 $0xFFFFC000  }
0x227: {  	[spmem:s2] =	stream.indirect.scatter.add.f32 [tilespmem:s14], [sflag:$0x4], $0x80, s9, s12, $0xb8;
	[tilespmem:$0x1DC00] =	vst v63  }
0x228: {  	_ =	swait.ge [sflag:s18], $0x4000  }
0x229: {  	s9 =	sld [smem:$0x7F8]  }
0x22a: {  	[sflag:s18] =	ssyncset.done $0x0  }
0x22b: {  	[sflag:s18] =	ssyncadd.s32 $0xFFFFC000  }
0x22c: {  	[tilespmem:s14], [sflag:$0x2] =	stream.indirect.gather [hbm4b:s4+s12], $0x80, s9, s12, $0xb8;
	[tilespmem:$0x1DC00] =	vst v63  }
0x22d: {  	_ =	swait.ge [sflag:s15], $0x4000  }
0x22e: {  	s9 =	sld [smem:$0x7F9]  }
0x22f: {  	[sflag:s15] =	ssyncset.done $0x0  }
0x230: {  	[sflag:s15] =	ssyncadd.s32 $0xFFFFC000  }
0x231: {  	[spmem:s2] =	stream.indirect.scatter.add.f32 [tilespmem:s13], [sflag:$0x3], $0x80, s9, s12, $0xb8;
	[tilespmem:$0x1DC00] =	vst v63  }
0x232: {  	_ =	swait.ge [sflag:s16], $0x4000  }
0x233: {  	s9 =	sld [smem:$0x7FA]  }
0x234: {  	[sflag:s16] =	ssyncset.done $0x0  }
0x235: {  	[sflag:s16] =	ssyncadd.s32 $0xFFFFC000  }
0x236: {  	[tilespmem:s13], [sflag:$0x1] =	stream.indirect.gather [hbm4b:s4+s12], $0x80, s9, s12, $0xb8;
	[tilespmem:$0x1DC00] =	vst v63  }
0x237: {  	_ =	swait.ge [sflag:s17], $0x4000  }
0x238: {  	s9 =	sld [smem:$0x7FB]  }
0x239: {  	[sflag:s17] =	ssyncset.done $0x0  }
0x23a: {  	[sflag:s17] =	ssyncadd.s32 $0xFFFFC000  }
0x23b: {  	[spmem:s2] =	stream.indirect.scatter.add.f32 [tilespmem:s14], [sflag:$0x4], $0x80, s9, s12, $0xb8;
	[tilespmem:$0x1DC00] =	vst v63  }
0x23c: {  	_ =	swait.ge [sflag:s18], $0x4000  }
0x23d: {  	[sflag:s18] =	ssyncset.done $0x0  }
0x23e: {  	[sflag:s18] =	ssyncadd.s32 $0xFFFFC000  }
0x23f: {  	[tilespmem:s14], [sflag:$0x2] =	stream.indirect.gather [hbm4b:s4+s12], $0x80, s19, s12, $0xb8;
	[tilespmem:$0x1DC00] =	vst v63  }
0x240: {  	_ =	swait.ge [sflag:s15], $0x4000  }
0x241: {  	[sflag:s15] =	ssyncset.done $0x0  }
0x242: {  	[sflag:s15] =	ssyncadd.s32 $0xFFFFC000  }
0x243: {  	[spmem:s2] =	stream.indirect.scatter.add.f32 [tilespmem:s13], [sflag:$0x3], $0x80, s20, s12, $0xb8;
	[tilespmem:$0x1DC00] =	vst v63  }
0x244: {  	_ =	swait.ge [sflag:s16], $0x4000  }
0x245: {  	[sflag:s16] =	ssyncset.done $0x0  }
0x246: {  	[sflag:s16] =	ssyncadd.s32 $0xFFFFC000  }
0x247: {  	[tilespmem:s13], [sflag:$0x1] =	stream.indirect.gather [hbm4b:s4+s12], $0x80, s21, s12, $0xb8;
	[tilespmem:$0x1DC00] =	vst v63  }
0x248: {  	_ =	swait.ge [sflag:s17], $0x4000  }
0x249: {  	[sflag:s17] =	ssyncset.done $0x0  }
0x24a: {  	[sflag:s17] =	ssyncadd.s32 $0xFFFFC000  }
0x24b: {  	[spmem:s2] =	stream.indirect.scatter.add.f32 [tilespmem:s14], [sflag:$0x4], $0x80, s22, s12, $0xb8;
	[tilespmem:$0x1DC00] =	vst v63  }
0x24c: {  	_ =	swait.ge [sflag:s18], $0x4000  }
0x24d: {  	[sflag:s18] =	ssyncset.done $0x0  }
0x24e: {  	[sflag:s18] =	ssyncadd.s32 $0xFFFFC000  }
0x24f: {  	[tilespmem:s14], [sflag:$0x2] =	stream.indirect.gather [hbm4b:s4+s12], $0x80, s23, s12, $0xb8;
	[tilespmem:$0x1DC00] =	vst v63  }
0x250: {  	_ =	swait.ge [sflag:s15], $0x4000  }
0x251: {  	[sflag:s15] =	ssyncset.done $0x0  }
0x252: {  	[sflag:s15] =	ssyncadd.s32 $0xFFFFC000  }
0x253: {  	[spmem:s2] =	stream.indirect.scatter.add.f32 [tilespmem:s13], [sflag:$0x3], $0x80, s24, s12, $0xb8;
	[tilespmem:$0x1DC00] =	vst v63  }
0x254: {  	_ =	swait.ge [sflag:s16], $0x4000  }
0x255: {  	[sflag:s16] =	ssyncset.done $0x0  }
0x256: {  	[sflag:s16] =	ssyncadd.s32 $0xFFFFC000  }
0x257: {  	[tilespmem:s13], [sflag:$0x1] =	stream.indirect.gather [hbm4b:s4+s12], $0x80, s25, s12, $0xb8;
	[tilespmem:$0x1DC00] =	vst v63  }
0x258: {  	_ =	swait.ge [sflag:s17], $0x4000  }
0x259: {  	[sflag:s17] =	ssyncset.done $0x0  }
0x25a: {  	[sflag:s17] =	ssyncadd.s32 $0xFFFFC000  }
0x25b: {  	[spmem:s2] =	stream.indirect.scatter.add.f32 [tilespmem:s14], [sflag:$0x4], $0x80, s26, s12, $0xb8;
	[tilespmem:$0x1DC00] =	vst v63  }
0x25c: {  	_ =	swait.ge [sflag:s18], $0x4000  }
0x25d: {  	[sflag:s18] =	ssyncset.done $0x0  }
0x25e: {  	[sflag:s18] =	ssyncadd.s32 $0xFFFFC000  }
0x25f: {  	[tilespmem:s14], [sflag:$0x2] =	stream.indirect.gather [hbm4b:s4+s12], $0x80, s28, s12, $0xb8;
	[tilespmem:$0x1DC00] =	vst v63  }
0x260: {  	_ =	swait.ge [sflag:s15], $0x4000  }
0x261: {  	[sflag:s15] =	ssyncset.done $0x0  }
0x262: {  	[sflag:s15] =	ssyncadd.s32 $0xFFFFC000  }
0x263: {  	[spmem:s2] =	stream.indirect.scatter.add.f32 [tilespmem:s13], [sflag:$0x3], $0x80, s29, s12, $0xb8;
	[tilespmem:$0x1DC00] =	vst v63  }
0x264: {  	_ =	swait.ge [sflag:s16], $0x4000  }
0x265: {  	[sflag:s16] =	ssyncset.done $0x0  }
0x266: {  	[sflag:s16] =	ssyncadd.s32 $0xFFFFC000  }
0x267: {  	[tilespmem:s13], [sflag:$0x1] =	stream.indirect.gather [hbm4b:s4+s12], $0x80, s30, s12, $0xb8;
	[tilespmem:$0x1DC00] =	vst v63  }
0x268: {  	_ =	swait.ge [sflag:s17], $0x4000  }
0x269: {  	[sflag:s17] =	ssyncset.done $0x0  }
0x26a: {  	[sflag:s17] =	ssyncadd.s32 $0xFFFFC000  }
0x26b: {  	[spmem:s2] =	stream.indirect.scatter.add.f32 [tilespmem:s14], [sflag:$0x4], $0x80, s31, s12, $0xb8;
	[tilespmem:$0x1DC00] =	vst v63  }
0x26c: {  	_ =	swait.ge [sflag:s18], $0x4000  }
0x26d: {  	[sflag:s18] =	ssyncset.done $0x0  }
0x26e: {  	[sflag:s18] =	ssyncadd.s32 $0xFFFFC000  }
0x26f: {  	[tilespmem:s14], [sflag:$0x2] =	stream.indirect.gather [hbm4b:s4+s12], $0x80, s1, s12, $0xb8;
	[tilespmem:$0x1DC00] =	vst v63  }
0x270: {  	_ =	swait.ge [sflag:s15], $0x4000  }
0x271: {  	[sflag:s15] =	ssyncset.done $0x0  }
0x272: {  	[sflag:s15] =	ssyncadd.s32 $0xFFFFC000  }
0x273: {  	[spmem:s2] =	stream.indirect.scatter.add.f32 [tilespmem:s13], [sflag:$0x3], $0x80, s0, s12, $0xb8;
	[tilespmem:$0x1DC00] =	vst v63  }
0x274: {  	_ =	swait.ge [sflag:s17], $0x4000  }
0x275: {  	[sflag:s17] =	ssyncset.done $0x0  }
0x276: {  	p0 =	sne.s32 s6, $0x800;
	[sflag:s17] =	ssyncadd.s32 $0xFFFFC000  }
0x277: {  	[spmem:s2] =	stream.indirect.scatter.add.f32 [tilespmem:s14], [sflag:$0x4], $0x80, s5, s12, $0xb8;
	[tilespmem:$0x1DC00] =	vst v63  }
.Ltmp0:
0x278: {  	_ =	swait.ge [sflag:s16], $0x4000;
	(pc) =	sbr.rel @p0 .LBB2_2-.Ltmp0, $4  }
0x279: {  	[sflag:s16] =	ssyncset.done $0x0  }
0x27a: {  	[sflag:s16] =	ssyncadd.s32 $0xFFFFC000  }
0x27b: {  	s7 =	smov.u32 s6;
	s6 =	sadd.s32 $0x200, s6;
	_ =	swait.ge [sflag:s18], $0x4000  }
0x27c: {  	s8 =	smov.u32 s7;
	s9 =	rddreg [dreg:$0x4];
	[sflag:s18] =	ssyncset.done $0x0  }
0x27d: {  	[sflag:s18] =	ssyncadd.s32 $0xFFFFC000;
	s6 =	sadd.s32 s8, s9  }
0x27e: {  	[tilespmem:s3], [sflag:$0x5] =	stream.linear.gather [hbm4b:s6+s3], $0x1000, $0x38;
	[tilespmem:$0x1DC00] =	vst v63  }
0x27f: {  	_ =	swait.ge [sflag:s10], $0x1000  }
0x280: {  	s7 =	rddreg [dreg:$0x5];
	[sflag:s10] =	ssyncset.done $0x0  }
0x281: {  	s6 =	sadd.s32 s8, s7;
	[sflag:s10] =	ssyncadd.s32 $0xFFFFF000  }
0x282: {  	[tilespmem:s11], [sflag:$0x5] =	stream.linear.gather [hbm4b:s6+s3], $0x1000, $0x38;
	[tilespmem:$0x1DC00] =	vst v63  }
0x283: {  	_ =	swait.ge [sflag:s10], $0x1000  }
0x284: {  	[sflag:s10] =	ssyncset.done $0x0  }
0x285: {  	[sflag:s10] =	ssyncadd.s32 $0xFFFFF000  }
0x286: {  	[tilespmem:s13], [sflag:$0x1] =	stream.indirect.gather [hbm4b:s4+s12], $0x80, s3, s12, $0xb8;
	[tilespmem:$0x1DC00] =	vst v63  }
0x287: {  	_ = 	snop  }
0x288: {  	[tilespmem:s14], [sflag:$0x2] =	stream.indirect.gather [hbm4b:s4+s12], $0x80, s12, s12, $0xb8;
	[tilespmem:$0x1DC00] =	vst v63  }
0x289: {  	_ =	swait.ge [sflag:s15], $0x4000  }
0x28a: {  	[sflag:s15] =	ssyncset.done $0x0  }
0x28b: {  	[sflag:s15] =	ssyncadd.s32 $0xFFFFC000  }
0x28c: {  	[spmem:s2] =	stream.indirect.scatter.add.f32 [tilespmem:s13], [sflag:$0x3], $0x80, s11, s12, $0xb8;
	[tilespmem:$0x1DC00] =	vst v63  }
0x28d: {  	_ =	swait.ge [sflag:s16], $0x4000  }
0x28e: {  	[sflag:s16] =	ssyncset.done $0x0  }
0x28f: {  	s8 =	rddreg [dreg:$0x6];
	[sflag:s16] =	ssyncadd.s32 $0xFFFFC000  }
0x290: {  	[tilespmem:s13], [sflag:$0x1] =	stream.indirect.gather [hbm4b:s4+s12], $0x80, s8, s12, $0xb8;
	[tilespmem:$0x1DC00] =	vst v63  }
0x291: {  	_ =	swait.ge [sflag:s17], $0x4000  }
0x292: {  	[sflag:s17] =	ssyncset.done $0x0  }
0x293: {  	s9 =	rddreg [dreg:$0x7];
	[sflag:s17] =	ssyncadd.s32 $0xFFFFC000  }
0x294: {  	[spmem:s2] =	stream.indirect.scatter.add.f32 [tilespmem:s14], [sflag:$0x4], $0x80, s9, s12, $0xb8;
	[tilespmem:$0x1DC00] =	vst v63  }
0x295: {  	_ =	swait.ge [sflag:s18], $0x4000  }
0x296: {  	[sflag:s18] =	ssyncset.done $0x0  }
0x297: {  	s7 =	rddreg [dreg:$0x8];
	[sflag:s18] =	ssyncadd.s32 $0xFFFFC000  }
0x298: {  	[tilespmem:s14], [sflag:$0x2] =	stream.indirect.gather [hbm4b:s4+s12], $0x80, s7, s12, $0xb8;
	[tilespmem:$0x1DC00] =	vst v63  }
0x299: {  	_ =	swait.ge [sflag:s15], $0x4000  }
0x29a: {  	[sflag:s15] =	ssyncset.done $0x0  }
0x29b: {  	s8 =	rddreg [dreg:$0x9];
	[sflag:s15] =	ssyncadd.s32 $0xFFFFC000  }
0x29c: {  	[spmem:s2] =	stream.indirect.scatter.add.f32 [tilespmem:s13], [sflag:$0x3], $0x80, s8, s12, $0xb8;
	[tilespmem:$0x1DC00] =	vst v63  }
0x29d: {  	_ =	swait.ge [sflag:s16], $0x4000  }
0x29e: {  	[sflag:s16] =	ssyncset.done $0x0  }
0x29f: {  	s9 =	rddreg [dreg:$0xa];
	[sflag:s16] =	ssyncadd.s32 $0xFFFFC000  }
0x2a0: {  	[tilespmem:s13], [sflag:$0x1] =	stream.indirect.gather [hbm4b:s4+s12], $0x80, s9, s12, $0xb8;
	[tilespmem:$0x1DC00] =	vst v63  }
0x2a1: {  	_ =	swait.ge [sflag:s17], $0x4000  }
0x2a2: {  	[sflag:s17] =	ssyncset.done $0x0  }
0x2a3: {  	s7 =	rddreg [dreg:$0xb];
	[sflag:s17] =	ssyncadd.s32 $0xFFFFC000  }
0x2a4: {  	[spmem:s2] =	stream.indirect.scatter.add.f32 [tilespmem:s14], [sflag:$0x4], $0x80, s7, s12, $0xb8;
	[tilespmem:$0x1DC00] =	vst v63  }
0x2a5: {  	_ =	swait.ge [sflag:s18], $0x4000  }
0x2a6: {  	[sflag:s18] =	ssyncset.done $0x0  }
0x2a7: {  	s8 =	rddreg [dreg:$0xc];
	[sflag:s18] =	ssyncadd.s32 $0xFFFFC000  }
0x2a8: {  	[tilespmem:s14], [sflag:$0x2] =	stream.indirect.gather [hbm4b:s4+s12], $0x80, s8, s12, $0xb8;
	[tilespmem:$0x1DC00] =	vst v63  }
0x2a9: {  	_ =	swait.ge [sflag:s15], $0x4000  }
0x2aa: {  	[sflag:s15] =	ssyncset.done $0x0  }
0x2ab: {  	s9 =	rddreg [dreg:$0xd];
	[sflag:s15] =	ssyncadd.s32 $0xFFFFC000  }
0x2ac: {  	[spmem:s2] =	stream.indirect.scatter.add.f32 [tilespmem:s13], [sflag:$0x3], $0x80, s9, s12, $0xb8;
	[tilespmem:$0x1DC00] =	vst v63  }
0x2ad: {  	_ =	swait.ge [sflag:s16], $0x4000  }
0x2ae: {  	[sflag:s16] =	ssyncset.done $0x0  }
0x2af: {  	s7 =	rddreg [dreg:$0xe];
	[sflag:s16] =	ssyncadd.s32 $0xFFFFC000  }
0x2b0: {  	[tilespmem:s13], [sflag:$0x1] =	stream.indirect.gather [hbm4b:s4+s12], $0x80, s7, s12, $0xb8;
	[tilespmem:$0x1DC00] =	vst v63  }
0x2b1: {  	_ =	swait.ge [sflag:s17], $0x4000  }
0x2b2: {  	[sflag:s17] =	ssyncset.done $0x0  }
0x2b3: {  	s8 =	rddreg [dreg:$0xf];
	[sflag:s17] =	ssyncadd.s32 $0xFFFFC000  }
0x2b4: {  	[spmem:s2] =	stream.indirect.scatter.add.f32 [tilespmem:s14], [sflag:$0x4], $0x80, s8, s12, $0xb8;
	[tilespmem:$0x1DC00] =	vst v63  }
0x2b5: {  	_ =	swait.ge [sflag:s18], $0x4000  }
0x2b6: {  	[sflag:s18] =	ssyncset.done $0x0  }
0x2b7: {  	s9 =	rddreg [dreg:$0x10];
	[sflag:s18] =	ssyncadd.s32 $0xFFFFC000  }
0x2b8: {  	[tilespmem:s14], [sflag:$0x2] =	stream.indirect.gather [hbm4b:s4+s12], $0x80, s9, s12, $0xb8;
	[tilespmem:$0x1DC00] =	vst v63  }
0x2b9: {  	_ =	swait.ge [sflag:s15], $0x4000  }
0x2ba: {  	[sflag:s15] =	ssyncset.done $0x0  }
0x2bb: {  	s7 =	rddreg [dreg:$0x11];
	[sflag:s15] =	ssyncadd.s32 $0xFFFFC000  }
0x2bc: {  	[spmem:s2] =	stream.indirect.scatter.add.f32 [tilespmem:s13], [sflag:$0x3], $0x80, s7, s12, $0xb8;
	[tilespmem:$0x1DC00] =	vst v63  }
0x2bd: {  	_ =	swait.ge [sflag:s16], $0x4000  }
0x2be: {  	[sflag:s16] =	ssyncset.done $0x0  }
0x2bf: {  	s8 =	rddreg [dreg:$0x12];
	[sflag:s16] =	ssyncadd.s32 $0xFFFFC000  }
0x2c0: {  	[tilespmem:s13], [sflag:$0x1] =	stream.indirect.gather [hbm4b:s4+s12], $0x80, s8, s12, $0xb8;
	[tilespmem:$0x1DC00] =	vst v63  }
0x2c1: {  	_ =	swait.ge [sflag:s17], $0x4000  }
0x2c2: {  	[sflag:s17] =	ssyncset.done $0x0  }
0x2c3: {  	s9 =	rddreg [dreg:$0x13];
	[sflag:s17] =	ssyncadd.s32 $0xFFFFC000  }
0x2c4: {  	[spmem:s2] =	stream.indirect.scatter.add.f32 [tilespmem:s14], [sflag:$0x4], $0x80, s9, s12, $0xb8;
	[tilespmem:$0x1DC00] =	vst v63  }
0x2c5: {  	_ =	swait.ge [sflag:s18], $0x4000  }
0x2c6: {  	[sflag:s18] =	ssyncset.done $0x0  }
0x2c7: {  	s7 =	rddreg [dreg:$0x14];
	[sflag:s18] =	ssyncadd.s32 $0xFFFFC000  }
0x2c8: {  	[tilespmem:s14], [sflag:$0x2] =	stream.indirect.gather [hbm4b:s4+s12], $0x80, s7, s12, $0xb8;
	[tilespmem:$0x1DC00] =	vst v63  }
0x2c9: {  	_ =	swait.ge [sflag:s15], $0x4000  }
0x2ca: {  	[sflag:s15] =	ssyncset.done $0x0  }
0x2cb: {  	s8 =	rddreg [dreg:$0x15];
	[sflag:s15] =	ssyncadd.s32 $0xFFFFC000  }
0x2cc: {  	[spmem:s2] =	stream.indirect.scatter.add.f32 [tilespmem:s13], [sflag:$0x3], $0x80, s8, s12, $0xb8;
	[tilespmem:$0x1DC00] =	vst v63  }
0x2cd: {  	_ =	swait.ge [sflag:s16], $0x4000  }
0x2ce: {  	[sflag:s16] =	ssyncset.done $0x0  }
0x2cf: {  	s9 =	rddreg [dreg:$0x16];
	[sflag:s16] =	ssyncadd.s32 $0xFFFFC000  }
0x2d0: {  	[tilespmem:s13], [sflag:$0x1] =	stream.indirect.gather [hbm4b:s4+s12], $0x80, s9, s12, $0xb8;
	[tilespmem:$0x1DC00] =	vst v63  }
0x2d1: {  	_ =	swait.ge [sflag:s17], $0x4000  }
0x2d2: {  	[sflag:s17] =	ssyncset.done $0x0  }
0x2d3: {  	s7 =	rddreg [dreg:$0x17];
	[sflag:s17] =	ssyncadd.s32 $0xFFFFC000  }
0x2d4: {  	[spmem:s2] =	stream.indirect.scatter.add.f32 [tilespmem:s14], [sflag:$0x4], $0x80, s7, s12, $0xb8;
	[tilespmem:$0x1DC00] =	vst v63  }
0x2d5: {  	_ =	swait.ge [sflag:s18], $0x4000  }
0x2d6: {  	[sflag:s18] =	ssyncset.done $0x0  }
0x2d7: {  	s8 =	rddreg [dreg:$0x18];
	[sflag:s18] =	ssyncadd.s32 $0xFFFFC000  }
0x2d8: {  	[tilespmem:s14], [sflag:$0x2] =	stream.indirect.gather [hbm4b:s4+s12], $0x80, s8, s12, $0xb8;
	[tilespmem:$0x1DC00] =	vst v63  }
0x2d9: {  	_ =	swait.ge [sflag:s15], $0x4000  }
0x2da: {  	[sflag:s15] =	ssyncset.done $0x0  }
0x2db: {  	s9 =	rddreg [dreg:$0x19];
	[sflag:s15] =	ssyncadd.s32 $0xFFFFC000  }
0x2dc: {  	[spmem:s2] =	stream.indirect.scatter.add.f32 [tilespmem:s13], [sflag:$0x3], $0x80, s9, s12, $0xb8;
	[tilespmem:$0x1DC00] =	vst v63  }
0x2dd: {  	_ =	swait.ge [sflag:s16], $0x4000  }
0x2de: {  	[sflag:s16] =	ssyncset.done $0x0  }
0x2df: {  	s7 =	rddreg [dreg:$0x1a];
	[sflag:s16] =	ssyncadd.s32 $0xFFFFC000  }
0x2e0: {  	[tilespmem:s13], [sflag:$0x1] =	stream.indirect.gather [hbm4b:s4+s12], $0x80, s7, s12, $0xb8;
	[tilespmem:$0x1DC00] =	vst v63  }
0x2e1: {  	_ =	swait.ge [sflag:s17], $0x4000  }
0x2e2: {  	[sflag:s17] =	ssyncset.done $0x0  }
0x2e3: {  	s8 =	rddreg [dreg:$0x1b];
	[sflag:s17] =	ssyncadd.s32 $0xFFFFC000  }
0x2e4: {  	[spmem:s2] =	stream.indirect.scatter.add.f32 [tilespmem:s14], [sflag:$0x4], $0x80, s8, s12, $0xb8;
	[tilespmem:$0x1DC00] =	vst v63  }
0x2e5: {  	_ =	swait.ge [sflag:s18], $0x4000  }
0x2e6: {  	[sflag:s18] =	ssyncset.done $0x0  }
0x2e7: {  	s9 =	rddreg [dreg:$0x1c];
	[sflag:s18] =	ssyncadd.s32 $0xFFFFC000  }
0x2e8: {  	[tilespmem:s14], [sflag:$0x2] =	stream.indirect.gather [hbm4b:s4+s12], $0x80, s9, s12, $0xb8;
	[tilespmem:$0x1DC00] =	vst v63  }
0x2e9: {  	_ =	swait.ge [sflag:s15], $0x4000  }
0x2ea: {  	[sflag:s15] =	ssyncset.done $0x0  }
0x2eb: {  	s7 =	rddreg [dreg:$0x1d];
	[sflag:s15] =	ssyncadd.s32 $0xFFFFC000  }
0x2ec: {  	[spmem:s2] =	stream.indirect.scatter.add.f32 [tilespmem:s13], [sflag:$0x3], $0x80, s7, s12, $0xb8;
	[tilespmem:$0x1DC00] =	vst v63  }
0x2ed: {  	_ =	swait.ge [sflag:s16], $0x4000  }
0x2ee: {  	[sflag:s16] =	ssyncset.done $0x0  }
0x2ef: {  	s8 =	rddreg [dreg:$0x1e];
	[sflag:s16] =	ssyncadd.s32 $0xFFFFC000  }
0x2f0: {  	[tilespmem:s13], [sflag:$0x1] =	stream.indirect.gather [hbm4b:s4+s12], $0x80, s8, s12, $0xb8;
	[tilespmem:$0x1DC00] =	vst v63  }
0x2f1: {  	_ =	swait.ge [sflag:s17], $0x4000  }
0x2f2: {  	[sflag:s17] =	ssyncset.done $0x0  }
0x2f3: {  	s9 =	rddreg [dreg:$0x1f];
	[sflag:s17] =	ssyncadd.s32 $0xFFFFC000  }
0x2f4: {  	[spmem:s2] =	stream.indirect.scatter.add.f32 [tilespmem:s14], [sflag:$0x4], $0x80, s9, s12, $0xb8;
	[tilespmem:$0x1DC00] =	vst v63  }
0x2f5: {  	_ =	swait.ge [sflag:s18], $0x4000  }
0x2f6: {  	s7 =	sld [smem:$0x7E6]  }
0x2f7: {  	[sflag:s18] =	ssyncset.done $0x0  }
0x2f8: {  	[sflag:s18] =	ssyncadd.s32 $0xFFFFC000  }
0x2f9: {  	[tilespmem:s14], [sflag:$0x2] =	stream.indirect.gather [hbm4b:s4+s12], $0x80, s7, s12, $0xb8;
	[tilespmem:$0x1DC00] =	vst v63  }
0x2fa: {  	_ =	swait.ge [sflag:s15], $0x4000  }
0x2fb: {  	s8 =	sld [smem:$0x7E7]  }
0x2fc: {  	[sflag:s15] =	ssyncset.done $0x0  }
0x2fd: {  	[sflag:s15] =	ssyncadd.s32 $0xFFFFC000  }
0x2fe: {  	[spmem:s2] =	stream.indirect.scatter.add.f32 [tilespmem:s13], [sflag:$0x3], $0x80, s8, s12, $0xb8;
	[tilespmem:$0x1DC00] =	vst v63  }
0x2ff: {  	_ =	swait.ge [sflag:s16], $0x4000  }
0x300: {  	s9 =	sld [smem:$0x7E8]  }
0x301: {  	[sflag:s16] =	ssyncset.done $0x0  }
0x302: {  	[sflag:s16] =	ssyncadd.s32 $0xFFFFC000  }
0x303: {  	[tilespmem:s13], [sflag:$0x1] =	stream.indirect.gather [hbm4b:s4+s12], $0x80, s9, s12, $0xb8;
	[tilespmem:$0x1DC00] =	vst v63  }
0x304: {  	_ =	swait.ge [sflag:s17], $0x4000  }
0x305: {  	s7 =	sld [smem:$0x7E9]  }
0x306: {  	[sflag:s17] =	ssyncset.done $0x0  }
0x307: {  	[sflag:s17] =	ssyncadd.s32 $0xFFFFC000  }
0x308: {  	[spmem:s2] =	stream.indirect.scatter.add.f32 [tilespmem:s14], [sflag:$0x4], $0x80, s7, s12, $0xb8;
	[tilespmem:$0x1DC00] =	vst v63  }
0x309: {  	_ =	swait.ge [sflag:s18], $0x4000  }
0x30a: {  	s8 =	sld [smem:$0x7EA]  }
0x30b: {  	[sflag:s18] =	ssyncset.done $0x0  }
0x30c: {  	[sflag:s18] =	ssyncadd.s32 $0xFFFFC000  }
0x30d: {  	[tilespmem:s14], [sflag:$0x2] =	stream.indirect.gather [hbm4b:s4+s12], $0x80, s8, s12, $0xb8;
	[tilespmem:$0x1DC00] =	vst v63  }
0x30e: {  	_ =	swait.ge [sflag:s15], $0x4000  }
0x30f: {  	s9 =	sld [smem:$0x7EB]  }
0x310: {  	[sflag:s15] =	ssyncset.done $0x0  }
0x311: {  	[sflag:s15] =	ssyncadd.s32 $0xFFFFC000  }
0x312: {  	[spmem:s2] =	stream.indirect.scatter.add.f32 [tilespmem:s13], [sflag:$0x3], $0x80, s9, s12, $0xb8;
	[tilespmem:$0x1DC00] =	vst v63  }
0x313: {  	_ =	swait.ge [sflag:s16], $0x4000  }
0x314: {  	s7 =	sld [smem:$0x7EC]  }
0x315: {  	[sflag:s16] =	ssyncset.done $0x0  }
0x316: {  	[sflag:s16] =	ssyncadd.s32 $0xFFFFC000  }
0x317: {  	[tilespmem:s13], [sflag:$0x1] =	stream.indirect.gather [hbm4b:s4+s12], $0x80, s7, s12, $0xb8;
	[tilespmem:$0x1DC00] =	vst v63  }
0x318: {  	_ =	swait.ge [sflag:s17], $0x4000  }
0x319: {  	s8 =	sld [smem:$0x7ED]  }
0x31a: {  	[sflag:s17] =	ssyncset.done $0x0  }
0x31b: {  	[sflag:s17] =	ssyncadd.s32 $0xFFFFC000  }
0x31c: {  	[spmem:s2] =	stream.indirect.scatter.add.f32 [tilespmem:s14], [sflag:$0x4], $0x80, s8, s12, $0xb8;
	[tilespmem:$0x1DC00] =	vst v63  }
0x31d: {  	_ =	swait.ge [sflag:s18], $0x4000  }
0x31e: {  	s9 =	sld [smem:$0x7EF]  }
0x31f: {  	[sflag:s18] =	ssyncset.done $0x0  }
0x320: {  	[sflag:s18] =	ssyncadd.s32 $0xFFFFC000  }
0x321: {  	[tilespmem:s14], [sflag:$0x2] =	stream.indirect.gather [hbm4b:s4+s12], $0x80, s9, s12, $0xb8;
	[tilespmem:$0x1DC00] =	vst v63  }
0x322: {  	_ =	swait.ge [sflag:s15], $0x4000  }
0x323: {  	s7 =	sld [smem:$0x7F1]  }
0x324: {  	[sflag:s15] =	ssyncset.done $0x0  }
0x325: {  	[sflag:s15] =	ssyncadd.s32 $0xFFFFC000  }
0x326: {  	[spmem:s2] =	stream.indirect.scatter.add.f32 [tilespmem:s13], [sflag:$0x3], $0x80, s7, s12, $0xb8;
	[tilespmem:$0x1DC00] =	vst v63  }
0x327: {  	_ =	swait.ge [sflag:s16], $0x4000  }
0x328: {  	s8 =	sld [smem:$0x7F2]  }
0x329: {  	[sflag:s16] =	ssyncset.done $0x0  }
0x32a: {  	[sflag:s16] =	ssyncadd.s32 $0xFFFFC000  }
0x32b: {  	[tilespmem:s13], [sflag:$0x1] =	stream.indirect.gather [hbm4b:s4+s12], $0x80, s8, s12, $0xb8;
	[tilespmem:$0x1DC00] =	vst v63  }
0x32c: {  	_ =	swait.ge [sflag:s17], $0x4000  }
0x32d: {  	s9 =	sld [smem:$0x7F3]  }
0x32e: {  	[sflag:s17] =	ssyncset.done $0x0  }
0x32f: {  	[sflag:s17] =	ssyncadd.s32 $0xFFFFC000  }
0x330: {  	[spmem:s2] =	stream.indirect.scatter.add.f32 [tilespmem:s14], [sflag:$0x4], $0x80, s9, s12, $0xb8;
	[tilespmem:$0x1DC00] =	vst v63  }
0x331: {  	_ =	swait.ge [sflag:s18], $0x4000  }
0x332: {  	s7 =	sld [smem:$0x7F4]  }
0x333: {  	[sflag:s18] =	ssyncset.done $0x0  }
0x334: {  	[sflag:s18] =	ssyncadd.s32 $0xFFFFC000  }
0x335: {  	[tilespmem:s14], [sflag:$0x2] =	stream.indirect.gather [hbm4b:s4+s12], $0x80, s7, s12, $0xb8;
	[tilespmem:$0x1DC00] =	vst v63  }
0x336: {  	_ =	swait.ge [sflag:s15], $0x4000  }
0x337: {  	s8 =	sld [smem:$0x7F5]  }
0x338: {  	[sflag:s15] =	ssyncset.done $0x0  }
0x339: {  	[sflag:s15] =	ssyncadd.s32 $0xFFFFC000  }
0x33a: {  	[spmem:s2] =	stream.indirect.scatter.add.f32 [tilespmem:s13], [sflag:$0x3], $0x80, s8, s12, $0xb8;
	[tilespmem:$0x1DC00] =	vst v63  }
0x33b: {  	_ =	swait.ge [sflag:s16], $0x4000  }
0x33c: {  	s9 =	sld [smem:$0x7F6]  }
0x33d: {  	[sflag:s16] =	ssyncset.done $0x0  }
0x33e: {  	[sflag:s16] =	ssyncadd.s32 $0xFFFFC000  }
0x33f: {  	[tilespmem:s13], [sflag:$0x1] =	stream.indirect.gather [hbm4b:s4+s12], $0x80, s9, s12, $0xb8;
	[tilespmem:$0x1DC00] =	vst v63  }
0x340: {  	_ =	swait.ge [sflag:s17], $0x4000  }
0x341: {  	s7 =	sld [smem:$0x7F7]  }
0x342: {  	[sflag:s17] =	ssyncset.done $0x0  }
0x343: {  	[sflag:s17] =	ssyncadd.s32 $0xFFFFC000  }
0x344: {  	[spmem:s2] =	stream.indirect.scatter.add.f32 [tilespmem:s14], [sflag:$0x4], $0x80, s7, s12, $0xb8;
	[tilespmem:$0x1DC00] =	vst v63  }
0x345: {  	_ =	swait.ge [sflag:s18], $0x4000  }
0x346: {  	s8 =	sld [smem:$0x7F8]  }
0x347: {  	[sflag:s18] =	ssyncset.done $0x0  }
0x348: {  	[sflag:s18] =	ssyncadd.s32 $0xFFFFC000  }
0x349: {  	[tilespmem:s14], [sflag:$0x2] =	stream.indirect.gather [hbm4b:s4+s12], $0x80, s8, s12, $0xb8;
	[tilespmem:$0x1DC00] =	vst v63  }
0x34a: {  	_ =	swait.ge [sflag:s15], $0x4000  }
0x34b: {  	s9 =	sld [smem:$0x7F9]  }
0x34c: {  	[sflag:s15] =	ssyncset.done $0x0  }
0x34d: {  	[sflag:s15] =	ssyncadd.s32 $0xFFFFC000  }
0x34e: {  	[spmem:s2] =	stream.indirect.scatter.add.f32 [tilespmem:s13], [sflag:$0x3], $0x80, s9, s12, $0xb8;
	[tilespmem:$0x1DC00] =	vst v63  }
0x34f: {  	_ =	swait.ge [sflag:s16], $0x4000  }
0x350: {  	s7 =	sld [smem:$0x7FA]  }
0x351: {  	[sflag:s16] =	ssyncset.done $0x0  }
0x352: {  	[sflag:s16] =	ssyncadd.s32 $0xFFFFC000  }
0x353: {  	[tilespmem:s13], [sflag:$0x1] =	stream.indirect.gather [hbm4b:s4+s12], $0x80, s7, s12, $0xb8;
	[tilespmem:$0x1DC00] =	vst v63  }
0x354: {  	_ =	swait.ge [sflag:s17], $0x4000  }
0x355: {  	s8 =	sld [smem:$0x7FB]  }
0x356: {  	[sflag:s17] =	ssyncset.done $0x0  }
0x357: {  	[sflag:s17] =	ssyncadd.s32 $0xFFFFC000  }
0x358: {  	[spmem:s2] =	stream.indirect.scatter.add.f32 [tilespmem:s14], [sflag:$0x4], $0x80, s8, s12, $0xb8;
	[tilespmem:$0x1DC00] =	vst v63  }
0x359: {  	_ =	swait.ge [sflag:s18], $0x4000  }
0x35a: {  	[sflag:s18] =	ssyncset.done $0x0  }
0x35b: {  	[sflag:s18] =	ssyncadd.s32 $0xFFFFC000  }
0x35c: {  	[tilespmem:s14], [sflag:$0x2] =	stream.indirect.gather [hbm4b:s4+s12], $0x80, s19, s12, $0xb8;
	[tilespmem:$0x1DC00] =	vst v63  }
0x35d: {  	_ =	swait.ge [sflag:s15], $0x4000  }
0x35e: {  	[sflag:s15] =	ssyncset.done $0x0  }
0x35f: {  	[sflag:s15] =	ssyncadd.s32 $0xFFFFC000  }
0x360: {  	[spmem:s2] =	stream.indirect.scatter.add.f32 [tilespmem:s13], [sflag:$0x3], $0x80, s20, s12, $0xb8;
	[tilespmem:$0x1DC00] =	vst v63  }
0x361: {  	_ =	swait.ge [sflag:s16], $0x4000  }
0x362: {  	[sflag:s16] =	ssyncset.done $0x0  }
0x363: {  	[sflag:s16] =	ssyncadd.s32 $0xFFFFC000  }
0x364: {  	[tilespmem:s13], [sflag:$0x1] =	stream.indirect.gather [hbm4b:s4+s12], $0x80, s21, s12, $0xb8;
	[tilespmem:$0x1DC00] =	vst v63  }
0x365: {  	_ =	swait.ge [sflag:s17], $0x4000  }
0x366: {  	[sflag:s17] =	ssyncset.done $0x0  }
0x367: {  	[sflag:s17] =	ssyncadd.s32 $0xFFFFC000  }
0x368: {  	[spmem:s2] =	stream.indirect.scatter.add.f32 [tilespmem:s14], [sflag:$0x4], $0x80, s22, s12, $0xb8;
	[tilespmem:$0x1DC00] =	vst v63  }
0x369: {  	_ =	swait.ge [sflag:s18], $0x4000  }
0x36a: {  	[sflag:s18] =	ssyncset.done $0x0  }
0x36b: {  	[sflag:s18] =	ssyncadd.s32 $0xFFFFC000  }
0x36c: {  	[tilespmem:s14], [sflag:$0x2] =	stream.indirect.gather [hbm4b:s4+s12], $0x80, s23, s12, $0xb8;
	[tilespmem:$0x1DC00] =	vst v63  }
0x36d: {  	_ =	swait.ge [sflag:s15], $0x4000  }
0x36e: {  	[sflag:s15] =	ssyncset.done $0x0  }
0x36f: {  	[sflag:s15] =	ssyncadd.s32 $0xFFFFC000  }
0x370: {  	[spmem:s2] =	stream.indirect.scatter.add.f32 [tilespmem:s13], [sflag:$0x3], $0x80, s24, s12, $0xb8;
	[tilespmem:$0x1DC00] =	vst v63  }
0x371: {  	_ =	swait.ge [sflag:s16], $0x4000  }
0x372: {  	[sflag:s16] =	ssyncset.done $0x0  }
0x373: {  	[sflag:s16] =	ssyncadd.s32 $0xFFFFC000  }
0x374: {  	[tilespmem:s13], [sflag:$0x1] =	stream.indirect.gather [hbm4b:s4+s12], $0x80, s25, s12, $0xb8;
	[tilespmem:$0x1DC00] =	vst v63  }
0x375: {  	_ =	swait.ge [sflag:s17], $0x4000  }
0x376: {  	[sflag:s17] =	ssyncset.done $0x0  }
0x377: {  	[sflag:s17] =	ssyncadd.s32 $0xFFFFC000  }
0x378: {  	[spmem:s2] =	stream.indirect.scatter.add.f32 [tilespmem:s14], [sflag:$0x4], $0x80, s26, s12, $0xb8;
	[tilespmem:$0x1DC00] =	vst v63  }
0x379: {  	_ =	swait.ge [sflag:s18], $0x4000  }
0x37a: {  	[sflag:s18] =	ssyncset.done $0x0  }
0x37b: {  	[sflag:s18] =	ssyncadd.s32 $0xFFFFC000  }
0x37c: {  	[tilespmem:s14], [sflag:$0x2] =	stream.indirect.gather [hbm4b:s4+s12], $0x80, s28, s12, $0xb8;
	[tilespmem:$0x1DC00] =	vst v63  }
0x37d: {  	_ =	swait.ge [sflag:s15], $0x4000  }
0x37e: {  	[sflag:s15] =	ssyncset.done $0x0  }
0x37f: {  	[sflag:s15] =	ssyncadd.s32 $0xFFFFC000  }
0x380: {  	[spmem:s2] =	stream.indirect.scatter.add.f32 [tilespmem:s13], [sflag:$0x3], $0x80, s29, s12, $0xb8;
	[tilespmem:$0x1DC00] =	vst v63  }
0x381: {  	_ =	swait.ge [sflag:s16], $0x4000  }
0x382: {  	[sflag:s16] =	ssyncset.done $0x0  }
0x383: {  	[sflag:s16] =	ssyncadd.s32 $0xFFFFC000  }
0x384: {  	[tilespmem:s13], [sflag:$0x1] =	stream.indirect.gather [hbm4b:s4+s12], $0x80, s30, s12, $0xb8;
	[tilespmem:$0x1DC00] =	vst v63  }
0x385: {  	_ =	swait.ge [sflag:s17], $0x4000  }
0x386: {  	[sflag:s17] =	ssyncset.done $0x0  }
0x387: {  	[sflag:s17] =	ssyncadd.s32 $0xFFFFC000  }
0x388: {  	[spmem:s2] =	stream.indirect.scatter.add.f32 [tilespmem:s14], [sflag:$0x4], $0x80, s31, s12, $0xb8;
	[tilespmem:$0x1DC00] =	vst v63  }
0x389: {  	_ =	swait.ge [sflag:s18], $0x4000  }
0x38a: {  	[sflag:s18] =	ssyncset.done $0x0  }
0x38b: {  	[sflag:s18] =	ssyncadd.s32 $0xFFFFC000  }
0x38c: {  	[tilespmem:s14], [sflag:$0x2] =	stream.indirect.gather [hbm4b:s4+s12], $0x80, s1, s12, $0xb8;
	[tilespmem:$0x1DC00] =	vst v63  }
0x38d: {  	_ =	swait.ge [sflag:s15], $0x4000  }
0x38e: {  	[sflag:s15] =	ssyncset.done $0x0  }
0x38f: {  	[sflag:s15] =	ssyncadd.s32 $0xFFFFC000  }
0x390: {  	[spmem:s2] =	stream.indirect.scatter.add.f32 [tilespmem:s13], [sflag:$0x3], $0x80, s0, s12, $0xb8;
	[tilespmem:$0x1DC00] =	vst v63  }
0x391: {  	_ =	swait.ge [sflag:s17], $0x4000  }
0x392: {  	[sflag:s17] =	ssyncset.done $0x0  }
0x393: {  	[sflag:s17] =	ssyncadd.s32 $0xFFFFC000  }
0x394: {  	[spmem:s2] =	stream.indirect.scatter.add.f32 [tilespmem:s14], [sflag:$0x4], $0x80, s5, s12, $0xb8;
	[tilespmem:$0x1DC00] =	vst v63  }
0x395: {  	_ =	swait.ge [sflag:s16], $0x4000  }
0x396: {  	[sflag:s16] =	ssyncset.done $0x0  }
0x397: {  	[sflag:s16] =	ssyncadd.s32 $0xFFFFC000  }
0x398: {  	_ =	swait.ge [sflag:s18], $0x4000  }
0x399: {  	[sflag:s18] =	ssyncset.done $0x0  }
0x39a: {  	[sflag:s18] =	ssyncadd.s32 $0xFFFFC000  }
0x39b: {  	[bflag:$0x0] =	sbarrier.arrive $0xFFFF  }
0x39c: {  	s7 =	sld [smem:$0x7FC]  }
0x39d: {  	s9 =	sld [smem:$0x7EE]  }
0x39e: {  	s8 =	sld [smem:$0x7FD];
	_ =	sdelay $0x2  }
0x39f: {  	[hbm:s9], [sflag:s7] =	dma.local [spmem:s8], $0x2780  }
0x3a0: {  	_ =	swait.ge [sflag:s10], $0x2780  }
0x3a1: {  	s6 =	sld [smem:$0x7E4];
	_ =	sdelay $0x2  }
0x3a2: {  	s9 =	sadd.s32 $0x1, s6;
	s6 =	sld [smem:$0x7F0];
	_ =	sdelay $0x2  }
0x3a3: {  	p0 =	sne.s32 s9, s6  }
.Ltmp1:
0x3a4: {  	_ = 	snop;
	(pc) =	sbr.rel @p0 .LBB2_1-.Ltmp1, $3  }
0x3a5: {  	_ =	sdelay $0x1  }
0x3a6: {  	[sflag:s10] =	ssyncset.done $0x0  }
0x3a7: {  	[sflag:s10] =	ssyncadd.s32 $0xFFFFD880  }
0x3a8: {  	_ =	sfence.sel $0x180000  }
0x3a9: {  	[bflag:$0x0] =	sbarrier.arrive $0xFFFF  }
0x3aa: {  	_ =	strace $0x90000047  }
0x3ab: {  	s0 =	stileid.u32;
	[bflag:$0x2] =	sbarrier.arrive $0xFFFF  }
0x3ac: {  	p0 =	sne.s32 s0, $0x0;
	s0 =	rddreg [dreg:$0x3]  }
0x3ad: {  	s0 =	sadd.s32 @!p0 $0x100000, s0  }
0x3ae: {  	[sflag:s0] =	ssyncadd.tile.s32 @!p0 $0x1;
	_ =	shalt  }
.Lfunc_end2:
_tile_overlayer_lowered:
.L_overlay_start_2:
0x3af: {  	(tag) =	ssettag $0x2  }
0x3b0: {  	s0 =	rddreg [dreg:$0x0];
	s2 =	stileid.u32  }
0x3b1: {  	s1 =	rddreg [dreg:$0x1];
	p0 =	sne.s32 s2, $0x0  }
0x3b2: {  	s3 =	rddreg [dreg:$0x2];
	[bflag:$0x3] =	sbarrier.arrive $0xFFFF;
	s2 =	simm.s32 @!p0 $0x1C05  }
0x3b3: {  	[timem:s3], [sflag:s2] =	dma.local @!p0 [hbm:s0], s1  }
0x3b4: {  	s0 =	simm.s32 @!p0 $0x5  }
0x3b5: {  	_ =	swait.ge @!p0 [sflag:s0], s1  }
0x3b6: {  	s1 =	ssub.s32 @!p0 $0x0, s1;
	[sflag:s0] =	ssyncset.done @!p0 $0x0  }
0x3b7: {  	[sflag:s0] =	ssyncadd.s32 @!p0 s1  }
0x3b8: {  	[bflag:$0x3] =	sbarrier.arrive $0xFFFF  }
0x3b9: {  	_ =	shalt  }

</sc_bundles>
